<compile_context>
chip_gen: v7x
topology: tpu7x:2x2x1
jax: 0.10.2.dev20260603
libtpu: 0.0.44.dev20260713+nightly
codegen_flags: <defaults>
</compile_context>

<pallas_src>
import jax
import jax.numpy as jnp
from jax import lax
from jax.experimental import pallas as pl
from jax.experimental.pallas import tpu as pltpu
from jax.experimental.pallas import tpu_sc as plsc

_N = 100000
_E = 3200000
_NF = 16
_EF = 16
_H = 64

_NC = 2
_NS = 16
_NW = _NC * _NS
_NP = 100096
_TPW = _NP // _NS

_BE = 5120
_GS = _BE // 8
_NB = _E // _BE
_PR = _E // 8

_IB = 128
_CH = 640
_KI = _CH // _IB
_NCH = _E // _CH
_R2 = _E // _IB

_mesh = plsc.VectorSubcoreMesh(
    core_axis_name="c", subcore_axis_name="s", num_cores=_NC, num_subcores=_NS
)


def _packed_dst(ref, ch):
    e0 = ch * _CH
    i = e0 // _BE
    w = e0 % _BE
    g = w // _GS
    r0 = w % _GS
    return ref.at[pl.ds(i * _GS + r0, _CH), pl.ds(g * 16, 16)]


def _gather_body(x_hbm, row2_hbm, col2_hbm, xr8_hbm, xc8_hbm, degp_hbm,
                 idxr_v, idxc_v, xr_v, xc_v,
                 ones_v, zdeg_v, deg_sh, sia, sob, sod):
    c = lax.axis_index("c")
    s = lax.axis_index("s")
    wid = s * _NC + c
    nb = (_NCH - wid + _NW - 1) // _NW

    def zfill_deg(i, carry):
        zdeg_v[pl.ds(i * 16, 16)] = jnp.zeros((16,), jnp.float32)
        return carry

    lax.fori_loop(0, 368 // 16, zfill_deg, 0)
    for i in range(_IB // 16):
        ones_v[pl.ds(i * 16, 16)] = jnp.ones((16,), jnp.float32)

    def zero_deg(z, carry):
        pltpu.sync_copy(zdeg_v, deg_sh.at[pl.ds(s * _TPW + z * 368, 368)])
        return carry

    lax.fori_loop(0, _TPW // 368, zero_deg, 0)
    plsc.subcore_barrier()

    def step(t, carry):
        ch = wid + t * _NW
        pltpu.sync_copy(row2_hbm.at[pl.ds(ch * _KI, _KI), :], idxr_v)
        pltpu.sync_copy(col2_hbm.at[pl.ds(ch * _KI, _KI), :], idxc_v)
        descs = []
        for j in range(_KI):
            descs.append(pltpu.async_copy(
                x_hbm.at[idxr_v.at[j]], xr_v.at[pl.ds(j * _IB, _IB), :], sia))
            descs.append(pltpu.async_copy(
                x_hbm.at[idxc_v.at[j]], xc_v.at[pl.ds(j * _IB, _IB), :], sia))
        for d in descs:
            d.wait()
        tail = [pltpu.async_copy(xr_v, _packed_dst(xr8_hbm, ch), sob),
                pltpu.async_copy(xc_v, _packed_dst(xc8_hbm, ch), sob)]
        tail += [pltpu.async_copy(ones_v, deg_sh.at[idxr_v.at[j]], sod,
                                  add=True)
                 for j in range(_KI)]
        for d in tail:
            d.wait()
        return carry

    lax.fori_loop(0, nb, step, 0)
    plsc.subcore_barrier()
    pltpu.sync_copy(deg_sh.at[pl.ds(s * _TPW, _TPW)],
                    degp_hbm.at[c, pl.ds(s * _TPW, _TPW)])


_gather_call = pl.kernel(
    _gather_body,
    out_type=(
        jax.ShapeDtypeStruct((_PR, 128), jnp.float32),
        jax.ShapeDtypeStruct((_PR, 128), jnp.float32),
        jax.ShapeDtypeStruct((_NC, _NP), jnp.float32),
    ),
    mesh=_mesh,
    scratch_types=[
        pltpu.VMEM((_KI, _IB), jnp.int32),
        pltpu.VMEM((_KI, _IB), jnp.int32),
        pltpu.VMEM((_CH, _NF), jnp.float32),
        pltpu.VMEM((_CH, _NF), jnp.float32),
        pltpu.VMEM((_IB,), jnp.float32),
        pltpu.VMEM((368,), jnp.float32),
        pltpu.VMEM_SHARED((_NP,), jnp.float32),
        pltpu.SemaphoreType.DMA,
        pltpu.SemaphoreType.DMA,
        pltpu.SemaphoreType.DMA,
    ],
    compiler_params=pltpu.CompilerParams(use_tc_tiling_on_sc=False),
)


def _scatter_body(row2_hbm, emb8_hbm, accp_hbm,
                  idxr_v, emb_v, zrow_v, acc_sh, ssa):
    c = lax.axis_index("c")
    s = lax.axis_index("s")
    wid = s * _NC + c

    def zfill_row(i, carry):
        zrow_v[i] = jnp.zeros((16,), jnp.float32)
        return carry

    lax.fori_loop(0, 368, zfill_row, 0)

    def zero_sh(z, carry):
        pltpu.sync_copy(zrow_v, acc_sh.at[pl.ds(s * _TPW + z * 368, 368), :])
        return carry

    lax.fori_loop(0, _TPW // 368, zero_sh, 0)
    plsc.subcore_barrier()

    def step(t, carry):
        ch = wid + t * _NW
        pltpu.sync_copy(row2_hbm.at[pl.ds(ch * _KI, _KI), :], idxr_v)
        pltpu.sync_copy(_packed_dst(emb8_hbm, ch), emb_v)
        adds = [pltpu.async_copy(emb_v.at[pl.ds(j * _IB, _IB), :],
                                 acc_sh.at[idxr_v.at[j]], ssa, add=True)
                for j in range(_KI)]
        for d in adds:
            d.wait()
        return carry

    nb = (_NCH - wid + _NW - 1) // _NW
    lax.fori_loop(0, nb, step, 0)
    plsc.subcore_barrier()

    pltpu.sync_copy(acc_sh.at[pl.ds(s * _TPW, _TPW), :],
                    accp_hbm.at[c, pl.ds(s * _TPW, _TPW), :])


_scatter_call = pl.kernel(
    _scatter_body,
    out_type=jax.ShapeDtypeStruct((_NC, _NP, _EF), jnp.float32),
    mesh=_mesh,
    scratch_types=[
        pltpu.VMEM((_KI, _IB), jnp.int32),
        pltpu.VMEM((_CH, _EF), jnp.float32),
        pltpu.VMEM((368, 16), jnp.float32),
        pltpu.VMEM_SHARED((_NP, _EF), jnp.float32),
        pltpu.SemaphoreType.DMA,
    ],
    compiler_params=pltpu.CompilerParams(use_tc_tiling_on_sc=False),
)


def _edge_mlp_body(xr8_ref, xc8_ref, ea_ref, w1a_ref, w1b_ref, w1c_ref,
                   b1_ref, w2_ref, b2_ref, out_ref, out8_ref):
    eah = (jnp.dot(ea_ref[...], w1c_ref[...], preferred_element_type=jnp.float32)
           + b1_ref[...])
    for g in range(8):
        xr_g = xr8_ref[:, pl.ds(g * 16, 16)]
        xc_g = xc8_ref[:, pl.ds(g * 16, 16)]
        h = (jnp.dot(xr_g, w1a_ref[...], preferred_element_type=jnp.float32)
             + jnp.dot(xc_g, w1b_ref[...], preferred_element_type=jnp.float32)
             + eah[g * _GS:(g + 1) * _GS, :])
        h = jnp.maximum(h, 0.0)
        emb_g = (jnp.dot(h, w2_ref[...], preferred_element_type=jnp.float32)
                 + b2_ref[...])
        out_ref[pl.ds(g * _GS, _GS), :] = emb_g
        out8_ref[:, pl.ds(g * 16, 16)] = emb_g


_BN = 5000


def _node_mlp_body(x_ref, p0_ref, p1_ref, d0_ref, d1_ref,
                   w1a_ref, w1b_ref, b1_ref, w2_ref, b2_ref, out_ref):
    deg = d0_ref[...] + d1_ref[...]
    inv = 1.0 / jnp.maximum(deg, 1.0)
    agg = (p0_ref[...] + p1_ref[...]) * inv
    h = (jnp.dot(x_ref[...], w1a_ref[...], preferred_element_type=jnp.float32)
         + jnp.dot(agg, w1b_ref[...], preferred_element_type=jnp.float32)
         + b1_ref[...])
    h = jnp.maximum(h, 0.0)
    out_ref[...] = (jnp.dot(h, w2_ref[...], preferred_element_type=jnp.float32)
                    + b2_ref[...])


def _rep(shape):
    return pl.BlockSpec(shape, lambda i: tuple(0 for _ in shape))


def kernel(x, edge_index, edge_attr, We1, be1, We2, be2, Wn1, bn1, Wn2, bn2):
    x = x.astype(jnp.float32)
    edge_attr = edge_attr.astype(jnp.float32)
    row2 = edge_index[0].reshape(_R2, _IB)
    col2 = edge_index[1].reshape(_R2, _IB)

    xr8, xc8, degp = _gather_call(x, row2, col2)

    edge_embedding, emb8 = pl.pallas_call(
        _edge_mlp_body,
        grid=(_NB,),
        in_specs=[
            pl.BlockSpec((_GS, 128), lambda i: (i, 0)),
            pl.BlockSpec((_GS, 128), lambda i: (i, 0)),
            pl.BlockSpec((_BE, _EF), lambda i: (i, 0)),
            _rep((_NF, _H)),
            _rep((_NF, _H)),
            _rep((_EF, _H)),
            _rep((1, _H)),
            _rep((_H, _EF)),
            _rep((1, _EF)),
        ],
        out_specs=[
            pl.BlockSpec((_BE, _EF), lambda i: (i, 0)),
            pl.BlockSpec((_GS, 128), lambda i: (i, 0)),
        ],
        out_shape=[
            jax.ShapeDtypeStruct((_E, _EF), jnp.float32),
            jax.ShapeDtypeStruct((_PR, 128), jnp.float32),
        ],
        compiler_params=pltpu.CompilerParams(vmem_limit_bytes=110 * 1024 * 1024),
    )(xr8, xc8, edge_attr,
      We1[0:_NF], We1[_NF:2 * _NF], We1[2 * _NF:],
      be1.reshape(1, _H), We2, be2.reshape(1, _EF))

    accp = _scatter_call(row2, emb8)

    node_embeddings = pl.pallas_call(
        _node_mlp_body,
        grid=(_N // _BN,),
        in_specs=[
            pl.BlockSpec((_BN, _NF), lambda i: (i, 0)),
            pl.BlockSpec((_BN, _EF), lambda i: (i, 0)),
            pl.BlockSpec((_BN, _EF), lambda i: (i, 0)),
            pl.BlockSpec((_BN, 1), lambda i: (i, 0)),
            pl.BlockSpec((_BN, 1), lambda i: (i, 0)),
            _rep((_NF, _H)),
            _rep((_EF, _H)),
            _rep((1, _H)),
            _rep((_H, _NF)),
            _rep((1, _NF)),
        ],
        out_specs=pl.BlockSpec((_BN, _NF), lambda i: (i, 0)),
        out_shape=jax.ShapeDtypeStruct((_N, _NF), jnp.float32),
    )(x, accp[0], accp[1],
      degp[0].reshape(_NP, 1), degp[1].reshape(_NP, 1),
      Wn1[0:_NF], Wn1[_NF:], bn1.reshape(1, _H), Wn2, bn2.reshape(1, _NF))

    return (edge_embedding, node_embeddings)

# --- scband reference (transcript-rebuilt; emitter-appended) ---
"""Pipeline reference for scband-mypreconditioner-4733053960807 (READ-ONLY COPY).

The authoritative reference and input builder live on the scoring server;
editing this copy changes nothing except your own understanding.
"""

import jax, jax.numpy as jnp
import numpy as np

N = 100000
E = 3200000
NF = 16
EF = 16
H = 64


def _mlp(x, W1, b1, W2, b2):
    # MLP([in, hidden, out], activation='relu', activate_final=False)
    h = jax.nn.relu(x @ W1 + b1)
    return h @ W2 + b2


def setup_inputs(seed: int = 0) -> dict:
    key = jax.random.key(seed)
    ks = jax.random.split(key, 12)
    x = jax.random.normal(ks[0], (N, NF), dtype=jnp.float32)
    edge_index = jax.random.randint(ks[1], (2, E), 0, N, dtype=jnp.int32)
    edge_attr = jax.random.normal(ks[2], (E, EF), dtype=jnp.float32)
    # edge_block: MLP([2*NF + EF, H, EF])
    ein = 2 * NF + EF
    We1 = jax.random.normal(ks[3], (ein, H), dtype=jnp.float32) / np.sqrt(ein)
    be1 = jnp.zeros((H,), dtype=jnp.float32)
    We2 = jax.random.normal(ks[4], (H, EF), dtype=jnp.float32) / np.sqrt(H)
    be2 = jnp.zeros((EF,), dtype=jnp.float32)
    # node_block: MLP([EF + NF, H, NF])
    nin = EF + NF
    Wn1 = jax.random.normal(ks[5], (nin, H), dtype=jnp.float32) / np.sqrt(nin)
    bn1 = jnp.zeros((H,), dtype=jnp.float32)
    Wn2 = jax.random.normal(ks[6], (H, NF), dtype=jnp.float32) / np.sqrt(H)
    bn2 = jnp.zeros((NF,), dtype=jnp.float32)
    return {"x": x, "edge_index": edge_index, "edge_attr": edge_attr,
            "We1": We1, "be1": be1, "We2": We2, "be2": be2,
            "Wn1": Wn1, "bn1": bn1, "Wn2": Wn2, "bn2": bn2}


def reference(x, edge_index, edge_attr, We1, be1, We2, be2, Wn1, bn1, Wn2, bn2):
    # GraphNet.forward with global_block=None, edge_index_2=None
    row = edge_index[0]
    col = edge_index[1]
    x = x.astype(jnp.float32)
    edge_attr = edge_attr.astype(jnp.float32)
    # edge update: MLP over [x[row], x[col], edge_attr]
    edge_in = jnp.concatenate([jnp.take(x, row, axis=0),
                               jnp.take(x, col, axis=0),
                               edge_attr], axis=1)
    edge_embedding = _mlp(edge_in, We1, be1, We2, be2)
    # mean aggregation of edge embeddings by source node (row)
    deg = jax.ops.segment_sum(jnp.ones((edge_embedding.shape[0],), jnp.float32), row, num_segments=x.shape[0])
    summed = jax.ops.segment_sum(edge_embedding, row, num_segments=x.shape[0])
    aggregation = summed / jnp.clip(deg, 1.0)[:, None]
    # node update: MLP over [x, aggregation]
    agg_features = jnp.concatenate([x, aggregation], axis=1)
    node_embeddings = _mlp(agg_features, Wn1, bn1, Wn2, bn2)
    return (edge_embedding, node_embeddings)

if __name__ == "__main__":
    import jax
    _d = setup_inputs()
    print(jax.jit(kernel)(*tuple(_d.values())))

</pallas_src>

<mosaic_0001>
#map = affine_map<(d0, d1) -> (0, 0)>
module attributes {stable_mosaic.version = 14 : i64} {
  func.func @_gather_body(%arg0: i32, %arg1: i32, %arg2: memref<100000x16xf32, #tpu.memory_space<hbm>>, %arg3: memref<25000x128xi32, #tpu.memory_space<hbm>>, %arg4: memref<25000x128xi32, #tpu.memory_space<hbm>>, %arg5: memref<400000x128xf32, #tpu.memory_space<hbm>>, %arg6: memref<400000x128xf32, #tpu.memory_space<hbm>>, %arg7: memref<2x100096xf32, #tpu.memory_space<hbm>>, %arg8: memref<5x128xi32, #tpu.memory_space<vmem>>, %arg9: memref<5x128xi32, #tpu.memory_space<vmem>>, %arg10: memref<640x16xf32, #tpu.memory_space<vmem>>, %arg11: memref<640x16xf32, #tpu.memory_space<vmem>>, %arg12: memref<128xf32, #tpu.memory_space<vmem>>, %arg13: memref<368xf32, #tpu.memory_space<vmem>>, %arg14: memref<100096xf32, #tpu.memory_space<vmem_shared>>, %arg15: memref<!tpu.dma_semaphore, #tpu.memory_space<semaphore_mem>>, %arg16: memref<!tpu.dma_semaphore, #tpu.memory_space<semaphore_mem>>, %arg17: memref<!tpu.dma_semaphore, #tpu.memory_space<semaphore_mem>>) attributes {dimension_semantics = [#tpu.dimension_semantics<core_parallel>, #tpu.dimension_semantics<subcore_parallel>], iteration_bounds = array<i64: 2, 16>, scalar_prefetch = 0 : i64, scratch_operands = 10 : i64, tpu.core_type = #tpu.core_type<sc_vector_subcore>, window_params = [{transform_indices = #map}, {transform_indices = #map}, {transform_indices = #map}, {transform_indices = #map}, {transform_indices = #map}, {transform_indices = #map}]} {
    %mul3A = arith.constant 2 : i32
    %mul3A_0 = arith.muli %arg1, %mul3A : i32
    %add3A = arith.addi %mul3A_0, %arg0 : i32
    %sub3A = arith.constant 5000 : i32
    %sub3A_1 = arith.subi %sub3A, %add3A : i32
    %add3A_2 = arith.constant 32 : i32
    %add3A_3 = arith.addi %sub3A_1, %add3A_2 : i32
    %sub3A_4 = arith.constant 1 : i32
    %sub3A_5 = arith.subi %add3A_3, %sub3A_4 : i32
    %jit3A = arith.constant 32 : i32
    %div3A = arith.divsi %sub3A_5, %jit3A : i32
    %sign3A = arith.constant 0 : i32
    %sign3A_6 = arith.cmpi sgt, %sub3A_5, %sign3A : i32
    %sign3A_7 = arith.extui %sign3A_6 : i1 to i32
    %sign3A_8 = arith.constant 0 : i32
    %sign3A_9 = arith.cmpi slt, %sub3A_5, %sign3A_8 : i32
    %sign3A_10 = arith.extui %sign3A_9 : i1 to i32
    %sign3A_11 = arith.subi %sign3A_7, %sign3A_10 : i32
    %sign3A_12 = arith.constant 0 : i32
    %sign3A_13 = arith.cmpi sgt, %jit3A, %sign3A_12 : i32
    %sign3A_14 = arith.extui %sign3A_13 : i1 to i32
    %sign3A_15 = arith.constant 0 : i32
    %sign3A_16 = arith.cmpi slt, %jit3A, %sign3A_15 : i32
    %sign3A_17 = arith.extui %sign3A_16 : i1 to i32
    %sign3A_18 = arith.subi %sign3A_14, %sign3A_17 : i32
    %ne3A = arith.cmpi ne, %sign3A_11, %sign3A_18 : i32
    %rem3A = arith.remsi %sub3A_5, %jit3A : i32
    %ne3A_19 = arith.constant 0 : i32
    %ne3A_20 = arith.cmpi ne, %rem3A, %ne3A_19 : i32
    %and3A = arith.andi %ne3A, %ne3A_20 : i1
    %sub3A_21 = arith.constant 1 : i32
    %sub3A_22 = arith.subi %div3A, %sub3A_21 : i32
    %select_n3A = arith.select %and3A, %sub3A_22, %div3A : i32
    %scan3A = arith.constant 0 : i32
    %scan3A_23 = arith.constant 0 : i32
    %scan3A_24 = arith.constant 23 : i32
    %scan3A_25 = arith.addi %scan3A_23, %scan3A_24 : i32
    %scan3A_26 = arith.constant 1 : i32
    scf.for %scan3A_94 = %scan3A_23 to %scan3A_25 step %scan3A_26  : i32 {
      %broadcast_in_dim3A_95 = arith.constant 0.000000e+00 : f32
      %broadcast_in_dim3A_96 = vector.broadcast %broadcast_in_dim3A_95 : f32 to vector<16xf32>
      %mul3A_97 = arith.constant 16 : i32
      %mul3A_98 = arith.muli %scan3A_94, %mul3A_97 : i32
      %swap3A_99 = arith.index_cast %mul3A_98 : i32 to index
      %swap3A_100 = tpu.vector_load %arg13[%swap3A_99] {strides = array<i32>} : memref<368xf32, #tpu.memory_space<vmem>>, vector<16xf32>,
      %swap3A_101 = vector.shape_cast %swap3A_100 : vector<16xf32> to vector<16xf32>
      %swap3A_102 = vector.shape_cast %broadcast_in_dim3A_96 : vector<16xf32> to vector<16xf32>
      tpu.vector_store %arg13[%swap3A_99], %swap3A_102 {strides = array<i32>} : memref<368xf32, #tpu.memory_space<vmem>>, vector<16xf32>,
    }
    %scan3A_27 = arith.constant 23 : i32
    %broadcast_in_dim3A = arith.constant 1.000000e+00 : f32
    %broadcast_in_dim3A_28 = vector.broadcast %broadcast_in_dim3A : f32 to vector<16xf32>
    %swap3A = arith.constant 0 : index
    %swap3A_29 = tpu.vector_load %arg12[%swap3A] {strides = array<i32>} : memref<128xf32, #tpu.memory_space<vmem>>, vector<16xf32>,
    %swap3A_30 = vector.shape_cast %swap3A_29 : vector<16xf32> to vector<16xf32>
    %swap3A_31 = vector.shape_cast %broadcast_in_dim3A_28 : vector<16xf32> to vector<16xf32>
    tpu.vector_store %arg12[%swap3A], %swap3A_31 {strides = array<i32>} : memref<128xf32, #tpu.memory_space<vmem>>, vector<16xf32>,
    %broadcast_in_dim3A_32 = arith.constant 1.000000e+00 : f32
    %broadcast_in_dim3A_33 = vector.broadcast %broadcast_in_dim3A_32 : f32 to vector<16xf32>
    %swap3A_34 = arith.constant 16 : index
    %swap3A_35 = tpu.vector_load %arg12[%swap3A_34] {strides = array<i32>} : memref<128xf32, #tpu.memory_space<vmem>>, vector<16xf32>,
    %swap3A_36 = vector.shape_cast %swap3A_35 : vector<16xf32> to vector<16xf32>
    %swap3A_37 = vector.shape_cast %broadcast_in_dim3A_33 : vector<16xf32> to vector<16xf32>
    tpu.vector_store %arg12[%swap3A_34], %swap3A_37 {strides = array<i32>} : memref<128xf32, #tpu.memory_space<vmem>>, vector<16xf32>,
    %broadcast_in_dim3A_38 = arith.constant 1.000000e+00 : f32
    %broadcast_in_dim3A_39 = vector.broadcast %broadcast_in_dim3A_38 : f32 to vector<16xf32>
    %swap3A_40 = arith.constant 32 : index
    %swap3A_41 = tpu.vector_load %arg12[%swap3A_40] {strides = array<i32>} : memref<128xf32, #tpu.memory_space<vmem>>, vector<16xf32>,
    %swap3A_42 = vector.shape_cast %swap3A_41 : vector<16xf32> to vector<16xf32>
    %swap3A_43 = vector.shape_cast %broadcast_in_dim3A_39 : vector<16xf32> to vector<16xf32>
    tpu.vector_store %arg12[%swap3A_40], %swap3A_43 {strides = array<i32>} : memref<128xf32, #tpu.memory_space<vmem>>, vector<16xf32>,
    %broadcast_in_dim3A_44 = arith.constant 1.000000e+00 : f32
    %broadcast_in_dim3A_45 = vector.broadcast %broadcast_in_dim3A_44 : f32 to vector<16xf32>
    %swap3A_46 = arith.constant 48 : index
    %swap3A_47 = tpu.vector_load %arg12[%swap3A_46] {strides = array<i32>} : memref<128xf32, #tpu.memory_space<vmem>>, vector<16xf32>,
    %swap3A_48 = vector.shape_cast %swap3A_47 : vector<16xf32> to vector<16xf32>
    %swap3A_49 = vector.shape_cast %broadcast_in_dim3A_45 : vector<16xf32> to vector<16xf32>
    tpu.vector_store %arg12[%swap3A_46], %swap3A_49 {strides = array<i32>} : memref<128xf32, #tpu.memory_space<vmem>>, vector<16xf32>,
    %broadcast_in_dim3A_50 = arith.constant 1.000000e+00 : f32
    %broadcast_in_dim3A_51 = vector.broadcast %broadcast_in_dim3A_50 : f32 to vector<16xf32>
    %swap3A_52 = arith.constant 64 : index
    %swap3A_53 = tpu.vector_load %arg12[%swap3A_52] {strides = array<i32>} : memref<128xf32, #tpu.memory_space<vmem>>, vector<16xf32>,
    %swap3A_54 = vector.shape_cast %swap3A_53 : vector<16xf32> to vector<16xf32>
    %swap3A_55 = vector.shape_cast %broadcast_in_dim3A_51 : vector<16xf32> to vector<16xf32>
    tpu.vector_store %arg12[%swap3A_52], %swap3A_55 {strides = array<i32>} : memref<128xf32, #tpu.memory_space<vmem>>, vector<16xf32>,
    %broadcast_in_dim3A_56 = arith.constant 1.000000e+00 : f32
    %broadcast_in_dim3A_57 = vector.broadcast %broadcast_in_dim3A_56 : f32 to vector<16xf32>
    %swap3A_58 = arith.constant 80 : index
    %swap3A_59 = tpu.vector_load %arg12[%swap3A_58] {strides = array<i32>} : memref<128xf32, #tpu.memory_space<vmem>>, vector<16xf32>,
    %swap3A_60 = vector.shape_cast %swap3A_59 : vector<16xf32> to vector<16xf32>
    %swap3A_61 = vector.shape_cast %broadcast_in_dim3A_57 : vector<16xf32> to vector<16xf32>
    tpu.vector_store %arg12[%swap3A_58], %swap3A_61 {strides = array<i32>} : memref<128xf32, #tpu.memory_space<vmem>>, vector<16xf32>,
    %broadcast_in_dim3A_62 = arith.constant 1.000000e+00 : f32
    %broadcast_in_dim3A_63 = vector.broadcast %broadcast_in_dim3A_62 : f32 to vector<16xf32>
    %swap3A_64 = arith.constant 96 : index
    %swap3A_65 = tpu.vector_load %arg12[%swap3A_64] {strides = array<i32>} : memref<128xf32, #tpu.memory_space<vmem>>, vector<16xf32>,
    %swap3A_66 = vector.shape_cast %swap3A_65 : vector<16xf32> to vector<16xf32>
    %swap3A_67 = vector.shape_cast %broadcast_in_dim3A_63 : vector<16xf32> to vector<16xf32>
    tpu.vector_store %arg12[%swap3A_64], %swap3A_67 {strides = array<i32>} : memref<128xf32, #tpu.memory_space<vmem>>, vector<16xf32>,
    %broadcast_in_dim3A_68 = arith.constant 1.000000e+00 : f32
    %broadcast_in_dim3A_69 = vector.broadcast %broadcast_in_dim3A_68 : f32 to vector<16xf32>
    %swap3A_70 = arith.constant 112 : index
    %swap3A_71 = tpu.vector_load %arg12[%swap3A_70] {strides = array<i32>} : memref<128xf32, #tpu.memory_space<vmem>>, vector<16xf32>,
    %swap3A_72 = vector.shape_cast %swap3A_71 : vector<16xf32> to vector<16xf32>
    %swap3A_73 = vector.shape_cast %broadcast_in_dim3A_69 : vector<16xf32> to vector<16xf32>
    tpu.vector_store %arg12[%swap3A_70], %swap3A_73 {strides = array<i32>} : memref<128xf32, #tpu.memory_space<vmem>>, vector<16xf32>,
    %scan3A_74 = arith.constant 0 : i32
    %scan3A_75 = arith.constant 0 : i32
    %scan3A_76 = arith.constant 17 : i32
    %scan3A_77 = arith.addi %scan3A_75, %scan3A_76 : i32
    %scan3A_78 = arith.constant 1 : i32
    scf.for %scan3A_94 = %scan3A_75 to %scan3A_77 step %scan3A_78  : i32 {
      %mul3A_95 = arith.constant 6256 : i32
      %mul3A_96 = arith.muli %arg1, %mul3A_95 : i32
      %mul3A_97 = arith.constant 368 : i32
      %mul3A_98 = arith.muli %scan3A_94, %mul3A_97 : i32
      %add3A_99 = arith.addi %mul3A_96, %mul3A_98 : i32
      "tpu.region"() ({
        %run_scoped3A = tpu.sem_alloc : memref<!tpu.dma_semaphore, #tpu.memory_space<semaphore_mem>>
        %dma_start3A = tpu.memref_slice %arg14[%add3A_99] : memref<100096xf32, #tpu.memory_space<vmem_shared>> -> memref<368xf32, #tpu.memory_space<vmem_shared>>
        %dma_start3A_100 = tpu.memref_slice %arg14[%add3A_99] : memref<100096xf32, #tpu.memory_space<vmem_shared>> -> memref<368xf32, #tpu.memory_space<vmem_shared>>
        tpu.enqueue_dma source(%arg13 : memref<368xf32, #tpu.memory_space<vmem>>) target(%dma_start3A_100 : memref<368xf32, #tpu.memory_space<vmem_shared>>) target_semaphore(%run_scoped3A : memref<!tpu.dma_semaphore, #tpu.memory_space<semaphore_mem>>)
        %dma_wait3A = tpu.memref_slice %arg14[%add3A_99] : memref<100096xf32, #tpu.memory_space<vmem_shared>> -> memref<368xf32, #tpu.memory_space<vmem_shared>>
        %dma_wait3A_101 = tpu.memref_slice %arg14[%add3A_99] : memref<100096xf32, #tpu.memory_space<vmem_shared>> -> memref<368xf32, #tpu.memory_space<vmem_shared>>
        tpu.wait_dma2 semaphore(%run_scoped3A : memref<!tpu.dma_semaphore, #tpu.memory_space<semaphore_mem>>) src(%arg13 : memref<368xf32, #tpu.memory_space<vmem>>) dst(%dma_wait3A_101 : memref<368xf32, #tpu.memory_space<vmem_shared>>)
        tpu.yield
      }) : () -> ()
    }
    %scan3A_79 = arith.constant 17 : i32
    %barrier3A = arith.constant 0 : index
    tpu.barrier barrier_id(%barrier3A)
    %while3A = arith.constant 0 : i32
    %while3A_80 = arith.constant 0 : i32
    %while3A_81 = arith.subi %select_n3A, %while3A_80 : i32
    %while3A_82 = arith.addi %while3A_80, %while3A_81 : i32
    %while3A_83 = arith.constant 1 : i32
    %while3A_84 = arith.divsi %while3A_81, %while3A_83 : i32
    %while3A_85 = arith.muli %while3A_84, %while3A_83 : i32
    %while3A_86 = arith.addi %while3A_80, %while3A_85 : i32
    %while3A_87 = arith.constant 1 : i32
    scf.for %while3A_94 = %while3A_80 to %while3A_86 step %while3A_87  : i32 {
      %mul3A_95 = arith.constant 32 : i32
      %mul3A_96 = arith.muli %while3A_94, %mul3A_95 : i32
      %add3A_97 = arith.addi %add3A, %mul3A_96 : i32
      %mul3A_98 = arith.constant 5 : i32
      %mul3A_99 = arith.muli %add3A_97, %mul3A_98 : i32
      "tpu.region"() ({
        %run_scoped3A = tpu.sem_alloc : memref<!tpu.dma_semaphore, #tpu.memory_space<semaphore_mem>>
        %dma_start3A_540 = arith.constant 0 : i32
        %dma_start3A_541 = tpu.memref_slice %arg3[%mul3A_99, %dma_start3A_540] : memref<25000x128xi32, #tpu.memory_space<hbm>> -> memref<5x128xi32, #tpu.memory_space<hbm>>
        %dma_start3A_542 = arith.constant 0 : i32
        %dma_start3A_543 = tpu.memref_slice %arg3[%mul3A_99, %dma_start3A_542] : memref<25000x128xi32, #tpu.memory_space<hbm>> -> memref<5x128xi32, #tpu.memory_space<hbm>>
        tpu.enqueue_dma source(%dma_start3A_543 : memref<5x128xi32, #tpu.memory_space<hbm>>) target(%arg8 : memref<5x128xi32, #tpu.memory_space<vmem>>) target_semaphore(%run_scoped3A : memref<!tpu.dma_semaphore, #tpu.memory_space<semaphore_mem>>)
        %dma_wait3A_544 = arith.constant 0 : i32
        %dma_wait3A_545 = tpu.memref_slice %arg3[%mul3A_99, %dma_wait3A_544] : memref<25000x128xi32, #tpu.memory_space<hbm>> -> memref<5x128xi32, #tpu.memory_space<hbm>>
        %dma_wait3A_546 = arith.constant 0 : i32
        %dma_wait3A_547 = tpu.memref_slice %arg3[%mul3A_99, %dma_wait3A_546] : memref<25000x128xi32, #tpu.memory_space<hbm>> -> memref<5x128xi32, #tpu.memory_space<hbm>>
        tpu.wait_dma2 semaphore(%run_scoped3A : memref<!tpu.dma_semaphore, #tpu.memory_space<semaphore_mem>>) src(%dma_wait3A_547 : memref<5x128xi32, #tpu.memory_space<hbm>>) dst(%arg8 : memref<5x128xi32, #tpu.memory_space<vmem>>)
        tpu.yield
      }) : () -> ()
      %mul3A_100 = arith.constant 5 : i32
      %mul3A_101 = arith.muli %add3A_97, %mul3A_100 : i32
      "tpu.region"() ({
        %run_scoped3A = tpu.sem_alloc : memref<!tpu.dma_semaphore, #tpu.memory_space<semaphore_mem>>
        %dma_start3A_540 = arith.constant 0 : i32
        %dma_start3A_541 = tpu.memref_slice %arg4[%mul3A_101, %dma_start3A_540] : memref<25000x128xi32, #tpu.memory_space<hbm>> -> memref<5x128xi32, #tpu.memory_space<hbm>>
        %dma_start3A_542 = arith.constant 0 : i32
        %dma_start3A_543 = tpu.memref_slice %arg4[%mul3A_101, %dma_start3A_542] : memref<25000x128xi32, #tpu.memory_space<hbm>> -> memref<5x128xi32, #tpu.memory_space<hbm>>
        tpu.enqueue_dma source(%dma_start3A_543 : memref<5x128xi32, #tpu.memory_space<hbm>>) target(%arg9 : memref<5x128xi32, #tpu.memory_space<vmem>>) target_semaphore(%run_scoped3A : memref<!tpu.dma_semaphore, #tpu.memory_space<semaphore_mem>>)
        %dma_wait3A_544 = arith.constant 0 : i32
        %dma_wait3A_545 = tpu.memref_slice %arg4[%mul3A_101, %dma_wait3A_544] : memref<25000x128xi32, #tpu.memory_space<hbm>> -> memref<5x128xi32, #tpu.memory_space<hbm>>
        %dma_wait3A_546 = arith.constant 0 : i32
        %dma_wait3A_547 = tpu.memref_slice %arg4[%mul3A_101, %dma_wait3A_546] : memref<25000x128xi32, #tpu.memory_space<hbm>> -> memref<5x128xi32, #tpu.memory_space<hbm>>
        tpu.wait_dma2 semaphore(%run_scoped3A : memref<!tpu.dma_semaphore, #tpu.memory_space<semaphore_mem>>) src(%dma_wait3A_547 : memref<5x128xi32, #tpu.memory_space<hbm>>) dst(%arg9 : memref<5x128xi32, #tpu.memory_space<vmem>>)
        tpu.yield
      }) : () -> ()
      %dma_start3A = arith.constant 0 : i32
      %dma_start3A_102 = arith.constant 0 : i32
      %dma_start3A_103 = arith.constant 0 : i32
      %dma_start3A_104 = tpu.memref_slice %arg10[%dma_start3A_102, %dma_start3A_103] : memref<640x16xf32, #tpu.memory_space<vmem>> -> memref<128x16xf32, #tpu.memory_space<vmem>>
      %dma_start3A_105 = arith.constant 0 : i32
      %dma_start3A_106 = tpu.memref_slice %arg8[%dma_start3A, %dma_start3A_105] : memref<5x128xi32, #tpu.memory_space<vmem>> -> memref<1x128xi32, #tpu.memory_space<vmem>>
      %dma_start3A_107 = tpu.memref_squeeze %dma_start3A_106 : memref<1x128xi32, #tpu.memory_space<vmem>> -> memref<128xi32, #tpu.memory_space<vmem>>
      %dma_start3A_108 = arith.constant 0 : i32
      %dma_start3A_109 = arith.constant 0 : i32
      %dma_start3A_110 = tpu.memref_slice %arg2[%dma_start3A_108, %dma_start3A_109] : memref<100000x16xf32, #tpu.memory_space<hbm>> -> memref<100000x16xf32, #tpu.memory_space<hbm>>
      tpu.enqueue_indirect_dma source(%dma_start3A_110 : memref<100000x16xf32, #tpu.memory_space<hbm>>) target(%dma_start3A_104 : memref<128x16xf32, #tpu.memory_space<vmem>>) offsets(%dma_start3A_107 : memref<128xi32, #tpu.memory_space<vmem>>) semaphore(%arg15 : memref<!tpu.dma_semaphore, #tpu.memory_space<semaphore_mem>>)
      %dma_start3A_111 = arith.constant 0 : i32
      %dma_start3A_112 = arith.constant 0 : i32
      %dma_start3A_113 = arith.constant 0 : i32
      %dma_start3A_114 = tpu.memref_slice %arg11[%dma_start3A_112, %dma_start3A_113] : memref<640x16xf32, #tpu.memory_space<vmem>> -> memref<128x16xf32, #tpu.memory_space<vmem>>
      %dma_start3A_115 = arith.constant 0 : i32
      %dma_start3A_116 = tpu.memref_slice %arg9[%dma_start3A_111, %dma_start3A_115] : memref<5x128xi32, #tpu.memory_space<vmem>> -> memref<1x128xi32, #tpu.memory_space<vmem>>
      %dma_start3A_117 = tpu.memref_squeeze %dma_start3A_116 : memref<1x128xi32, #tpu.memory_space<vmem>> -> memref<128xi32, #tpu.memory_space<vmem>>
      %dma_start3A_118 = arith.constant 0 : i32
      %dma_start3A_119 = arith.constant 0 : i32
      %dma_start3A_120 = tpu.memref_slice %arg2[%dma_start3A_118, %dma_start3A_119] : memref<100000x16xf32, #tpu.memory_space<hbm>> -> memref<100000x16xf32, #tpu.memory_space<hbm>>
      tpu.enqueue_indirect_dma source(%dma_start3A_120 : memref<100000x16xf32, #tpu.memory_space<hbm>>) target(%dma_start3A_114 : memref<128x16xf32, #tpu.memory_space<vmem>>) offsets(%dma_start3A_117 : memref<128xi32, #tpu.memory_space<vmem>>) semaphore(%arg15 : memref<!tpu.dma_semaphore, #tpu.memory_space<semaphore_mem>>)
      %dma_start3A_121 = arith.constant 1 : i32
      %dma_start3A_122 = arith.constant 128 : i32
      %dma_start3A_123 = arith.constant 0 : i32
      %dma_start3A_124 = tpu.memref_slice %arg10[%dma_start3A_122, %dma_start3A_123] : memref<640x16xf32, #tpu.memory_space<vmem>> -> memref<128x16xf32, #tpu.memory_space<vmem>>
      %dma_start3A_125 = arith.constant 0 : i32
      %dma_start3A_126 = tpu.memref_slice %arg8[%dma_start3A_121, %dma_start3A_125] : memref<5x128xi32, #tpu.memory_space<vmem>> -> memref<1x128xi32, #tpu.memory_space<vmem>>
      %dma_start3A_127 = tpu.memref_squeeze %dma_start3A_126 : memref<1x128xi32, #tpu.memory_space<vmem>> -> memref<128xi32, #tpu.memory_space<vmem>>
      %dma_start3A_128 = arith.constant 0 : i32
      %dma_start3A_129 = arith.constant 0 : i32
      %dma_start3A_130 = tpu.memref_slice %arg2[%dma_start3A_128, %dma_start3A_129] : memref<100000x16xf32, #tpu.memory_space<hbm>> -> memref<100000x16xf32, #tpu.memory_space<hbm>>
      tpu.enqueue_indirect_dma source(%dma_start3A_130 : memref<100000x16xf32, #tpu.memory_space<hbm>>) target(%dma_start3A_124 : memref<128x16xf32, #tpu.memory_space<vmem>>) offsets(%dma_start3A_127 : memref<128xi32, #tpu.memory_space<vmem>>) semaphore(%arg15 : memref<!tpu.dma_semaphore, #tpu.memory_space<semaphore_mem>>)
      %dma_start3A_131 = arith.constant 1 : i32
      %dma_start3A_132 = arith.constant 128 : i32
      %dma_start3A_133 = arith.constant 0 : i32
      %dma_start3A_134 = tpu.memref_slice %arg11[%dma_start3A_132, %dma_start3A_133] : memref<640x16xf32, #tpu.memory_space<vmem>> -> memref<128x16xf32, #tpu.memory_space<vmem>>
      %dma_start3A_135 = arith.constant 0 : i32
      %dma_start3A_136 = tpu.memref_slice %arg9[%dma_start3A_131, %dma_start3A_135] : memref<5x128xi32, #tpu.memory_space<vmem>> -> memref<1x128xi32, #tpu.memory_space<vmem>>
      %dma_start3A_137 = tpu.memref_squeeze %dma_start3A_136 : memref<1x128xi32, #tpu.memory_space<vmem>> -> memref<128xi32, #tpu.memory_space<vmem>>
      %dma_start3A_138 = arith.constant 0 : i32
      %dma_start3A_139 = arith.constant 0 : i32
      %dma_start3A_140 = tpu.memref_slice %arg2[%dma_start3A_138, %dma_start3A_139] : memref<100000x16xf32, #tpu.memory_space<hbm>> -> memref<100000x16xf32, #tpu.memory_space<hbm>>
      tpu.enqueue_indirect_dma source(%dma_start3A_140 : memref<100000x16xf32, #tpu.memory_space<hbm>>) target(%dma_start3A_134 : memref<128x16xf32, #tpu.memory_space<vmem>>) offsets(%dma_start3A_137 : memref<128xi32, #tpu.memory_space<vmem>>) semaphore(%arg15 : memref<!tpu.dma_semaphore, #tpu.memory_space<semaphore_mem>>)
      %dma_start3A_141 = arith.constant 2 : i32
      %dma_start3A_142 = arith.constant 256 : i32
      %dma_start3A_143 = arith.constant 0 : i32
      %dma_start3A_144 = tpu.memref_slice %arg10[%dma_start3A_142, %dma_start3A_143] : memref<640x16xf32, #tpu.memory_space<vmem>> -> memref<128x16xf32, #tpu.memory_space<vmem>>
      %dma_start3A_145 = arith.constant 0 : i32
      %dma_start3A_146 = tpu.memref_slice %arg8[%dma_start3A_141, %dma_start3A_145] : memref<5x128xi32, #tpu.memory_space<vmem>> -> memref<1x128xi32, #tpu.memory_space<vmem>>
      %dma_start3A_147 = tpu.memref_squeeze %dma_start3A_146 : memref<1x128xi32, #tpu.memory_space<vmem>> -> memref<128xi32, #tpu.memory_space<vmem>>
      %dma_start3A_148 = arith.constant 0 : i32
      %dma_start3A_149 = arith.constant 0 : i32
      %dma_start3A_150 = tpu.memref_slice %arg2[%dma_start3A_148, %dma_start3A_149] : memref<100000x16xf32, #tpu.memory_space<hbm>> -> memref<100000x16xf32, #tpu.memory_space<hbm>>
      tpu.enqueue_indirect_dma source(%dma_start3A_150 : memref<100000x16xf32, #tpu.memory_space<hbm>>) target(%dma_start3A_144 : memref<128x16xf32, #tpu.memory_space<vmem>>) offsets(%dma_start3A_147 : memref<128xi32, #tpu.memory_space<vmem>>) semaphore(%arg15 : memref<!tpu.dma_semaphore, #tpu.memory_space<semaphore_mem>>)
      %dma_start3A_151 = arith.constant 2 : i32
      %dma_start3A_152 = arith.constant 256 : i32
      %dma_start3A_153 = arith.constant 0 : i32
      %dma_start3A_154 = tpu.memref_slice %arg11[%dma_start3A_152, %dma_start3A_153] : memref<640x16xf32, #tpu.memory_space<vmem>> -> memref<128x16xf32, #tpu.memory_space<vmem>>
      %dma_start3A_155 = arith.constant 0 : i32
      %dma_start3A_156 = tpu.memref_slice %arg9[%dma_start3A_151, %dma_start3A_155] : memref<5x128xi32, #tpu.memory_space<vmem>> -> memref<1x128xi32, #tpu.memory_space<vmem>>
      %dma_start3A_157 = tpu.memref_squeeze %dma_start3A_156 : memref<1x128xi32, #tpu.memory_space<vmem>> -> memref<128xi32, #tpu.memory_space<vmem>>
      %dma_start3A_158 = arith.constant 0 : i32
      %dma_start3A_159 = arith.constant 0 : i32
      %dma_start3A_160 = tpu.memref_slice %arg2[%dma_start3A_158, %dma_start3A_159] : memref<100000x16xf32, #tpu.memory_space<hbm>> -> memref<100000x16xf32, #tpu.memory_space<hbm>>
      tpu.enqueue_indirect_dma source(%dma_start3A_160 : memref<100000x16xf32, #tpu.memory_space<hbm>>) target(%dma_start3A_154 : memref<128x16xf32, #tpu.memory_space<vmem>>) offsets(%dma_start3A_157 : memref<128xi32, #tpu.memory_space<vmem>>) semaphore(%arg15 : memref<!tpu.dma_semaphore, #tpu.memory_space<semaphore_mem>>)
      %dma_start3A_161 = arith.constant 3 : i32
      %dma_start3A_162 = arith.constant 384 : i32
      %dma_start3A_163 = arith.constant 0 : i32
      %dma_start3A_164 = tpu.memref_slice %arg10[%dma_start3A_162, %dma_start3A_163] : memref<640x16xf32, #tpu.memory_space<vmem>> -> memref<128x16xf32, #tpu.memory_space<vmem>>
      %dma_start3A_165 = arith.constant 0 : i32
      %dma_start3A_166 = tpu.memref_slice %arg8[%dma_start3A_161, %dma_start3A_165] : memref<5x128xi32, #tpu.memory_space<vmem>> -> memref<1x128xi32, #tpu.memory_space<vmem>>
      %dma_start3A_167 = tpu.memref_squeeze %dma_start3A_166 : memref<1x128xi32, #tpu.memory_space<vmem>> -> memref<128xi32, #tpu.memory_space<vmem>>
      %dma_start3A_168 = arith.constant 0 : i32
      %dma_start3A_169 = arith.constant 0 : i32
      %dma_start3A_170 = tpu.memref_slice %arg2[%dma_start3A_168, %dma_start3A_169] : memref<100000x16xf32, #tpu.memory_space<hbm>> -> memref<100000x16xf32, #tpu.memory_space<hbm>>
      tpu.enqueue_indirect_dma source(%dma_start3A_170 : memref<100000x16xf32, #tpu.memory_space<hbm>>) target(%dma_start3A_164 : memref<128x16xf32, #tpu.memory_space<vmem>>) offsets(%dma_start3A_167 : memref<128xi32, #tpu.memory_space<vmem>>) semaphore(%arg15 : memref<!tpu.dma_semaphore, #tpu.memory_space<semaphore_mem>>)
      %dma_start3A_171 = arith.constant 3 : i32
      %dma_start3A_172 = arith.constant 384 : i32
      %dma_start3A_173 = arith.constant 0 : i32
      %dma_start3A_174 = tpu.memref_slice %arg11[%dma_start3A_172, %dma_start3A_173] : memref<640x16xf32, #tpu.memory_space<vmem>> -> memref<128x16xf32, #tpu.memory_space<vmem>>
      %dma_start3A_175 = arith.constant 0 : i32
      %dma_start3A_176 = tpu.memref_slice %arg9[%dma_start3A_171, %dma_start3A_175] : memref<5x128xi32, #tpu.memory_space<vmem>> -> memref<1x128xi32, #tpu.memory_space<vmem>>
      %dma_start3A_177 = tpu.memref_squeeze %dma_start3A_176 : memref<1x128xi32, #tpu.memory_space<vmem>> -> memref<128xi32, #tpu.memory_space<vmem>>
      %dma_start3A_178 = arith.constant 0 : i32
      %dma_start3A_179 = arith.constant 0 : i32
      %dma_start3A_180 = tpu.memref_slice %arg2[%dma_start3A_178, %dma_start3A_179] : memref<100000x16xf32, #tpu.memory_space<hbm>> -> memref<100000x16xf32, #tpu.memory_space<hbm>>
      tpu.enqueue_indirect_dma source(%dma_start3A_180 : memref<100000x16xf32, #tpu.memory_space<hbm>>) target(%dma_start3A_174 : memref<128x16xf32, #tpu.memory_space<vmem>>) offsets(%dma_start3A_177 : memref<128xi32, #tpu.memory_space<vmem>>) semaphore(%arg15 : memref<!tpu.dma_semaphore, #tpu.memory_space<semaphore_mem>>)
      %dma_start3A_181 = arith.constant 4 : i32
      %dma_start3A_182 = arith.constant 512 : i32
      %dma_start3A_183 = arith.constant 0 : i32
      %dma_start3A_184 = tpu.memref_slice %arg10[%dma_start3A_182, %dma_start3A_183] : memref<640x16xf32, #tpu.memory_space<vmem>> -> memref<128x16xf32, #tpu.memory_space<vmem>>
      %dma_start3A_185 = arith.constant 0 : i32
      %dma_start3A_186 = tpu.memref_slice %arg8[%dma_start3A_181, %dma_start3A_185] : memref<5x128xi32, #tpu.memory_space<vmem>> -> memref<1x128xi32, #tpu.memory_space<vmem>>
      %dma_start3A_187 = tpu.memref_squeeze %dma_start3A_186 : memref<1x128xi32, #tpu.memory_space<vmem>> -> memref<128xi32, #tpu.memory_space<vmem>>
      %dma_start3A_188 = arith.constant 0 : i32
      %dma_start3A_189 = arith.constant 0 : i32
      %dma_start3A_190 = tpu.memref_slice %arg2[%dma_start3A_188, %dma_start3A_189] : memref<100000x16xf32, #tpu.memory_space<hbm>> -> memref<100000x16xf32, #tpu.memory_space<hbm>>
      tpu.enqueue_indirect_dma source(%dma_start3A_190 : memref<100000x16xf32, #tpu.memory_space<hbm>>) target(%dma_start3A_184 : memref<128x16xf32, #tpu.memory_space<vmem>>) offsets(%dma_start3A_187 : memref<128xi32, #tpu.memory_space<vmem>>) semaphore(%arg15 : memref<!tpu.dma_semaphore, #tpu.memory_space<semaphore_mem>>)
      %dma_start3A_191 = arith.constant 4 : i32
      %dma_start3A_192 = arith.constant 512 : i32
      %dma_start3A_193 = arith.constant 0 : i32
      %dma_start3A_194 = tpu.memref_slice %arg11[%dma_start3A_192, %dma_start3A_193] : memref<640x16xf32, #tpu.memory_space<vmem>> -> memref<128x16xf32, #tpu.memory_space<vmem>>
      %dma_start3A_195 = arith.constant 0 : i32
      %dma_start3A_196 = tpu.memref_slice %arg9[%dma_start3A_191, %dma_start3A_195] : memref<5x128xi32, #tpu.memory_space<vmem>> -> memref<1x128xi32, #tpu.memory_space<vmem>>
      %dma_start3A_197 = tpu.memref_squeeze %dma_start3A_196 : memref<1x128xi32, #tpu.memory_space<vmem>> -> memref<128xi32, #tpu.memory_space<vmem>>
      %dma_start3A_198 = arith.constant 0 : i32
      %dma_start3A_199 = arith.constant 0 : i32
      %dma_start3A_200 = tpu.memref_slice %arg2[%dma_start3A_198, %dma_start3A_199] : memref<100000x16xf32, #tpu.memory_space<hbm>> -> memref<100000x16xf32, #tpu.memory_space<hbm>>
      tpu.enqueue_indirect_dma source(%dma_start3A_200 : memref<100000x16xf32, #tpu.memory_space<hbm>>) target(%dma_start3A_194 : memref<128x16xf32, #tpu.memory_space<vmem>>) offsets(%dma_start3A_197 : memref<128xi32, #tpu.memory_space<vmem>>) semaphore(%arg15 : memref<!tpu.dma_semaphore, #tpu.memory_space<semaphore_mem>>)
      %dma_wait3A = arith.constant 0 : i32
      %dma_wait3A_201 = arith.constant 0 : i32
      %dma_wait3A_202 = arith.constant 0 : i32
      %dma_wait3A_203 = tpu.memref_slice %arg10[%dma_wait3A_201, %dma_wait3A_202] : memref<640x16xf32, #tpu.memory_space<vmem>> -> memref<128x16xf32, #tpu.memory_space<vmem>>
      %dma_wait3A_204 = arith.constant 0 : i32
      %dma_wait3A_205 = tpu.memref_slice %arg8[%dma_wait3A, %dma_wait3A_204] : memref<5x128xi32, #tpu.memory_space<vmem>> -> memref<1x128xi32, #tpu.memory_space<vmem>>
      %dma_wait3A_206 = tpu.memref_squeeze %dma_wait3A_205 : memref<1x128xi32, #tpu.memory_space<vmem>> -> memref<128xi32, #tpu.memory_space<vmem>>
      %dma_wait3A_207 = arith.constant 0 : i32
      %dma_wait3A_208 = arith.constant 0 : i32
      %dma_wait3A_209 = tpu.memref_slice %arg2[%dma_wait3A_207, %dma_wait3A_208] : memref<100000x16xf32, #tpu.memory_space<hbm>> -> memref<100000x16xf32, #tpu.memory_space<hbm>>
      tpu.wait_indirect_dma semaphore(%arg15 : memref<!tpu.dma_semaphore, #tpu.memory_space<semaphore_mem>>) src(%dma_wait3A_209 : memref<100000x16xf32, #tpu.memory_space<hbm>>) dst(%dma_wait3A_203 : memref<128x16xf32, #tpu.memory_space<vmem>>)
      %dma_wait3A_210 = arith.constant 0 : i32
      %dma_wait3A_211 = arith.constant 0 : i32
      %dma_wait3A_212 = arith.constant 0 : i32
      %dma_wait3A_213 = tpu.memref_slice %arg11[%dma_wait3A_211, %dma_wait3A_212] : memref<640x16xf32, #tpu.memory_space<vmem>> -> memref<128x16xf32, #tpu.memory_space<vmem>>
      %dma_wait3A_214 = arith.constant 0 : i32
      %dma_wait3A_215 = tpu.memref_slice %arg9[%dma_wait3A_210, %dma_wait3A_214] : memref<5x128xi32, #tpu.memory_space<vmem>> -> memref<1x128xi32, #tpu.memory_space<vmem>>
      %dma_wait3A_216 = tpu.memref_squeeze %dma_wait3A_215 : memref<1x128xi32, #tpu.memory_space<vmem>> -> memref<128xi32, #tpu.memory_space<vmem>>
      %dma_wait3A_217 = arith.constant 0 : i32
      %dma_wait3A_218 = arith.constant 0 : i32
      %dma_wait3A_219 = tpu.memref_slice %arg2[%dma_wait3A_217, %dma_wait3A_218] : memref<100000x16xf32, #tpu.memory_space<hbm>> -> memref<100000x16xf32, #tpu.memory_space<hbm>>
      tpu.wait_indirect_dma semaphore(%arg15 : memref<!tpu.dma_semaphore, #tpu.memory_space<semaphore_mem>>) src(%dma_wait3A_219 : memref<100000x16xf32, #tpu.memory_space<hbm>>) dst(%dma_wait3A_213 : memref<128x16xf32, #tpu.memory_space<vmem>>)
      %dma_wait3A_220 = arith.constant 1 : i32
      %dma_wait3A_221 = arith.constant 128 : i32
      %dma_wait3A_222 = arith.constant 0 : i32
      %dma_wait3A_223 = tpu.memref_slice %arg10[%dma_wait3A_221, %dma_wait3A_222] : memref<640x16xf32, #tpu.memory_space<vmem>> -> memref<128x16xf32, #tpu.memory_space<vmem>>
      %dma_wait3A_224 = arith.constant 0 : i32
      %dma_wait3A_225 = tpu.memref_slice %arg8[%dma_wait3A_220, %dma_wait3A_224] : memref<5x128xi32, #tpu.memory_space<vmem>> -> memref<1x128xi32, #tpu.memory_space<vmem>>
      %dma_wait3A_226 = tpu.memref_squeeze %dma_wait3A_225 : memref<1x128xi32, #tpu.memory_space<vmem>> -> memref<128xi32, #tpu.memory_space<vmem>>
      %dma_wait3A_227 = arith.constant 0 : i32
      %dma_wait3A_228 = arith.constant 0 : i32
      %dma_wait3A_229 = tpu.memref_slice %arg2[%dma_wait3A_227, %dma_wait3A_228] : memref<100000x16xf32, #tpu.memory_space<hbm>> -> memref<100000x16xf32, #tpu.memory_space<hbm>>
      tpu.wait_indirect_dma semaphore(%arg15 : memref<!tpu.dma_semaphore, #tpu.memory_space<semaphore_mem>>) src(%dma_wait3A_229 : memref<100000x16xf32, #tpu.memory_space<hbm>>) dst(%dma_wait3A_223 : memref<128x16xf32, #tpu.memory_space<vmem>>)
      %dma_wait3A_230 = arith.constant 1 : i32
      %dma_wait3A_231 = arith.constant 128 : i32
      %dma_wait3A_232 = arith.constant 0 : i32
      %dma_wait3A_233 = tpu.memref_slice %arg11[%dma_wait3A_231, %dma_wait3A_232] : memref<640x16xf32, #tpu.memory_space<vmem>> -> memref<128x16xf32, #tpu.memory_space<vmem>>
      %dma_wait3A_234 = arith.constant 0 : i32
      %dma_wait3A_235 = tpu.memref_slice %arg9[%dma_wait3A_230, %dma_wait3A_234] : memref<5x128xi32, #tpu.memory_space<vmem>> -> memref<1x128xi32, #tpu.memory_space<vmem>>
      %dma_wait3A_236 = tpu.memref_squeeze %dma_wait3A_235 : memref<1x128xi32, #tpu.memory_space<vmem>> -> memref<128xi32, #tpu.memory_space<vmem>>
      %dma_wait3A_237 = arith.constant 0 : i32
      %dma_wait3A_238 = arith.constant 0 : i32
      %dma_wait3A_239 = tpu.memref_slice %arg2[%dma_wait3A_237, %dma_wait3A_238] : memref<100000x16xf32, #tpu.memory_space<hbm>> -> memref<100000x16xf32, #tpu.memory_space<hbm>>
      tpu.wait_indirect_dma semaphore(%arg15 : memref<!tpu.dma_semaphore, #tpu.memory_space<semaphore_mem>>) src(%dma_wait3A_239 : memref<100000x16xf32, #tpu.memory_space<hbm>>) dst(%dma_wait3A_233 : memref<128x16xf32, #tpu.memory_space<vmem>>)
      %dma_wait3A_240 = arith.constant 2 : i32
      %dma_wait3A_241 = arith.constant 256 : i32
      %dma_wait3A_242 = arith.constant 0 : i32
      %dma_wait3A_243 = tpu.memref_slice %arg10[%dma_wait3A_241, %dma_wait3A_242] : memref<640x16xf32, #tpu.memory_space<vmem>> -> memref<128x16xf32, #tpu.memory_space<vmem>>
      %dma_wait3A_244 = arith.constant 0 : i32
      %dma_wait3A_245 = tpu.memref_slice %arg8[%dma_wait3A_240, %dma_wait3A_244] : memref<5x128xi32, #tpu.memory_space<vmem>> -> memref<1x128xi32, #tpu.memory_space<vmem>>
      %dma_wait3A_246 = tpu.memref_squeeze %dma_wait3A_245 : memref<1x128xi32, #tpu.memory_space<vmem>> -> memref<128xi32, #tpu.memory_space<vmem>>
      %dma_wait3A_247 = arith.constant 0 : i32
      %dma_wait3A_248 = arith.constant 0 : i32
      %dma_wait3A_249 = tpu.memref_slice %arg2[%dma_wait3A_247, %dma_wait3A_248] : memref<100000x16xf32, #tpu.memory_space<hbm>> -> memref<100000x16xf32, #tpu.memory_space<hbm>>
      tpu.wait_indirect_dma semaphore(%arg15 : memref<!tpu.dma_semaphore, #tpu.memory_space<semaphore_mem>>) src(%dma_wait3A_249 : memref<100000x16xf32, #tpu.memory_space<hbm>>) dst(%dma_wait3A_243 : memref<128x16xf32, #tpu.memory_space<vmem>>)
      %dma_wait3A_250 = arith.constant 2 : i32
      %dma_wait3A_251 = arith.constant 256 : i32
      %dma_wait3A_252 = arith.constant 0 : i32
      %dma_wait3A_253 = tpu.memref_slice %arg11[%dma_wait3A_251, %dma_wait3A_252] : memref<640x16xf32, #tpu.memory_space<vmem>> -> memref<128x16xf32, #tpu.memory_space<vmem>>
      %dma_wait3A_254 = arith.constant 0 : i32
      %dma_wait3A_255 = tpu.memref_slice %arg9[%dma_wait3A_250, %dma_wait3A_254] : memref<5x128xi32, #tpu.memory_space<vmem>> -> memref<1x128xi32, #tpu.memory_space<vmem>>
      %dma_wait3A_256 = tpu.memref_squeeze %dma_wait3A_255 : memref<1x128xi32, #tpu.memory_space<vmem>> -> memref<128xi32, #tpu.memory_space<vmem>>
      %dma_wait3A_257 = arith.constant 0 : i32
      %dma_wait3A_258 = arith.constant 0 : i32
      %dma_wait3A_259 = tpu.memref_slice %arg2[%dma_wait3A_257, %dma_wait3A_258] : memref<100000x16xf32, #tpu.memory_space<hbm>> -> memref<100000x16xf32, #tpu.memory_space<hbm>>
      tpu.wait_indirect_dma semaphore(%arg15 : memref<!tpu.dma_semaphore, #tpu.memory_space<semaphore_mem>>) src(%dma_wait3A_259 : memref<100000x16xf32, #tpu.memory_space<hbm>>) dst(%dma_wait3A_253 : memref<128x16xf32, #tpu.memory_space<vmem>>)
      %dma_wait3A_260 = arith.constant 3 : i32
      %dma_wait3A_261 = arith.constant 384 : i32
      %dma_wait3A_262 = arith.constant 0 : i32
      %dma_wait3A_263 = tpu.memref_slice %arg10[%dma_wait3A_261, %dma_wait3A_262] : memref<640x16xf32, #tpu.memory_space<vmem>> -> memref<128x16xf32, #tpu.memory_space<vmem>>
      %dma_wait3A_264 = arith.constant 0 : i32
      %dma_wait3A_265 = tpu.memref_slice %arg8[%dma_wait3A_260, %dma_wait3A_264] : memref<5x128xi32, #tpu.memory_space<vmem>> -> memref<1x128xi32, #tpu.memory_space<vmem>>
      %dma_wait3A_266 = tpu.memref_squeeze %dma_wait3A_265 : memref<1x128xi32, #tpu.memory_space<vmem>> -> memref<128xi32, #tpu.memory_space<vmem>>
      %dma_wait3A_267 = arith.constant 0 : i32
      %dma_wait3A_268 = arith.constant 0 : i32
      %dma_wait3A_269 = tpu.memref_slice %arg2[%dma_wait3A_267, %dma_wait3A_268] : memref<100000x16xf32, #tpu.memory_space<hbm>> -> memref<100000x16xf32, #tpu.memory_space<hbm>>
      tpu.wait_indirect_dma semaphore(%arg15 : memref<!tpu.dma_semaphore, #tpu.memory_space<semaphore_mem>>) src(%dma_wait3A_269 : memref<100000x16xf32, #tpu.memory_space<hbm>>) dst(%dma_wait3A_263 : memref<128x16xf32, #tpu.memory_space<vmem>>)
      %dma_wait3A_270 = arith.constant 3 : i32
      %dma_wait3A_271 = arith.constant 384 : i32
      %dma_wait3A_272 = arith.constant 0 : i32
      %dma_wait3A_273 = tpu.memref_slice %arg11[%dma_wait3A_271, %dma_wait3A_272] : memref<640x16xf32, #tpu.memory_space<vmem>> -> memref<128x16xf32, #tpu.memory_space<vmem>>
      %dma_wait3A_274 = arith.constant 0 : i32
      %dma_wait3A_275 = tpu.memref_slice %arg9[%dma_wait3A_270, %dma_wait3A_274] : memref<5x128xi32, #tpu.memory_space<vmem>> -> memref<1x128xi32, #tpu.memory_space<vmem>>
      %dma_wait3A_276 = tpu.memref_squeeze %dma_wait3A_275 : memref<1x128xi32, #tpu.memory_space<vmem>> -> memref<128xi32, #tpu.memory_space<vmem>>
      %dma_wait3A_277 = arith.constant 0 : i32
      %dma_wait3A_278 = arith.constant 0 : i32
      %dma_wait3A_279 = tpu.memref_slice %arg2[%dma_wait3A_277, %dma_wait3A_278] : memref<100000x16xf32, #tpu.memory_space<hbm>> -> memref<100000x16xf32, #tpu.memory_space<hbm>>
      tpu.wait_indirect_dma semaphore(%arg15 : memref<!tpu.dma_semaphore, #tpu.memory_space<semaphore_mem>>) src(%dma_wait3A_279 : memref<100000x16xf32, #tpu.memory_space<hbm>>) dst(%dma_wait3A_273 : memref<128x16xf32, #tpu.memory_space<vmem>>)
      %dma_wait3A_280 = arith.constant 4 : i32
      %dma_wait3A_281 = arith.constant 512 : i32
      %dma_wait3A_282 = arith.constant 0 : i32
      %dma_wait3A_283 = tpu.memref_slice %arg10[%dma_wait3A_281, %dma_wait3A_282] : memref<640x16xf32, #tpu.memory_space<vmem>> -> memref<128x16xf32, #tpu.memory_space<vmem>>
      %dma_wait3A_284 = arith.constant 0 : i32
      %dma_wait3A_285 = tpu.memref_slice %arg8[%dma_wait3A_280, %dma_wait3A_284] : memref<5x128xi32, #tpu.memory_space<vmem>> -> memref<1x128xi32, #tpu.memory_space<vmem>>
      %dma_wait3A_286 = tpu.memref_squeeze %dma_wait3A_285 : memref<1x128xi32, #tpu.memory_space<vmem>> -> memref<128xi32, #tpu.memory_space<vmem>>
      %dma_wait3A_287 = arith.constant 0 : i32
      %dma_wait3A_288 = arith.constant 0 : i32
      %dma_wait3A_289 = tpu.memref_slice %arg2[%dma_wait3A_287, %dma_wait3A_288] : memref<100000x16xf32, #tpu.memory_space<hbm>> -> memref<100000x16xf32, #tpu.memory_space<hbm>>
      tpu.wait_indirect_dma semaphore(%arg15 : memref<!tpu.dma_semaphore, #tpu.memory_space<semaphore_mem>>) src(%dma_wait3A_289 : memref<100000x16xf32, #tpu.memory_space<hbm>>) dst(%dma_wait3A_283 : memref<128x16xf32, #tpu.memory_space<vmem>>)
      %dma_wait3A_290 = arith.constant 4 : i32
      %dma_wait3A_291 = arith.constant 512 : i32
      %dma_wait3A_292 = arith.constant 0 : i32
      %dma_wait3A_293 = tpu.memref_slice %arg11[%dma_wait3A_291, %dma_wait3A_292] : memref<640x16xf32, #tpu.memory_space<vmem>> -> memref<128x16xf32, #tpu.memory_space<vmem>>
      %dma_wait3A_294 = arith.constant 0 : i32
      %dma_wait3A_295 = tpu.memref_slice %arg9[%dma_wait3A_290, %dma_wait3A_294] : memref<5x128xi32, #tpu.memory_space<vmem>> -> memref<1x128xi32, #tpu.memory_space<vmem>>
      %dma_wait3A_296 = tpu.memref_squeeze %dma_wait3A_295 : memref<1x128xi32, #tpu.memory_space<vmem>> -> memref<128xi32, #tpu.memory_space<vmem>>
      %dma_wait3A_297 = arith.constant 0 : i32
      %dma_wait3A_298 = arith.constant 0 : i32
      %dma_wait3A_299 = tpu.memref_slice %arg2[%dma_wait3A_297, %dma_wait3A_298] : memref<100000x16xf32, #tpu.memory_space<hbm>> -> memref<100000x16xf32, #tpu.memory_space<hbm>>
      tpu.wait_indirect_dma semaphore(%arg15 : memref<!tpu.dma_semaphore, #tpu.memory_space<semaphore_mem>>) src(%dma_wait3A_299 : memref<100000x16xf32, #tpu.memory_space<hbm>>) dst(%dma_wait3A_293 : memref<128x16xf32, #tpu.memory_space<vmem>>)
      %mul3A_300 = arith.constant 640 : i32
      %mul3A_301 = arith.muli %add3A_97, %mul3A_300 : i32
      %jit3A_302 = arith.constant 5120 : i32
      %div3A_303 = arith.divsi %mul3A_301, %jit3A_302 : i32
      %sign3A_304 = arith.constant 0 : i32
      %sign3A_305 = arith.cmpi sgt, %mul3A_301, %sign3A_304 : i32
      %sign3A_306 = arith.extui %sign3A_305 : i1 to i32
      %sign3A_307 = arith.constant 0 : i32
      %sign3A_308 = arith.cmpi slt, %mul3A_301, %sign3A_307 : i32
      %sign3A_309 = arith.extui %sign3A_308 : i1 to i32
      %sign3A_310 = arith.subi %sign3A_306, %sign3A_309 : i32
      %sign3A_311 = arith.constant 0 : i32
      %sign3A_312 = arith.cmpi sgt, %jit3A_302, %sign3A_311 : i32
      %sign3A_313 = arith.extui %sign3A_312 : i1 to i32
      %sign3A_314 = arith.constant 0 : i32
      %sign3A_315 = arith.cmpi slt, %jit3A_302, %sign3A_314 : i32
      %sign3A_316 = arith.extui %sign3A_315 : i1 to i32
      %sign3A_317 = arith.subi %sign3A_313, %sign3A_316 : i32
      %ne3A_318 = arith.cmpi ne, %sign3A_310, %sign3A_317 : i32
      %rem3A_319 = arith.remsi %mul3A_301, %jit3A_302 : i32
      %ne3A_320 = arith.constant 0 : i32
      %ne3A_321 = arith.cmpi ne, %rem3A_319, %ne3A_320 : i32
      %and3A_322 = arith.andi %ne3A_318, %ne3A_321 : i1
      %sub3A_323 = arith.constant 1 : i32
      %sub3A_324 = arith.subi %div3A_303, %sub3A_323 : i32
      %select_n3A_325 = arith.select %and3A_322, %sub3A_324, %div3A_303 : i32
      %jit3A_326 = arith.constant 5120 : i32
      %eq3A = arith.constant 0 : i32
      %eq3A_327 = arith.cmpi eq, %jit3A_326, %eq3A : i32
      %jit3A_328 = arith.constant 1 : i32
      %select_n3A_329 = arith.select %eq3A_327, %jit3A_328, %jit3A_326 : i32
      %rem3A_330 = arith.remsi %mul3A_301, %select_n3A_329 : i32
      %ne3A_331 = arith.constant 0 : i32
      %ne3A_332 = arith.cmpi ne, %rem3A_330, %ne3A_331 : i32
      %lt3A = arith.constant 0 : i32
      %lt3A_333 = arith.cmpi slt, %rem3A_330, %lt3A : i32
      %lt3A_334 = arith.constant 0 : i32
      %lt3A_335 = arith.cmpi slt, %select_n3A_329, %lt3A_334 : i32
      %ne3A_336 = arith.xori %lt3A_333, %lt3A_335 : i1
      %and3A_337 = arith.andi %ne3A_336, %ne3A_332 : i1
      %add3A_338 = arith.addi %rem3A_330, %select_n3A_329 : i32
      %select_n3A_339 = arith.select %and3A_337, %add3A_338, %rem3A_330 : i32
      %jit3A_340 = arith.constant 640 : i32
      %div3A_341 = arith.divsi %select_n3A_339, %jit3A_340 : i32
      %sign3A_342 = arith.constant 0 : i32
      %sign3A_343 = arith.cmpi sgt, %select_n3A_339, %sign3A_342 : i32
      %sign3A_344 = arith.extui %sign3A_343 : i1 to i32
      %sign3A_345 = arith.constant 0 : i32
      %sign3A_346 = arith.cmpi slt, %select_n3A_339, %sign3A_345 : i32
      %sign3A_347 = arith.extui %sign3A_346 : i1 to i32
      %sign3A_348 = arith.subi %sign3A_344, %sign3A_347 : i32
      %sign3A_349 = arith.constant 0 : i32
      %sign3A_350 = arith.cmpi sgt, %jit3A_340, %sign3A_349 : i32
      %sign3A_351 = arith.extui %sign3A_350 : i1 to i32
      %sign3A_352 = arith.constant 0 : i32
      %sign3A_353 = arith.cmpi slt, %jit3A_340, %sign3A_352 : i32
      %sign3A_354 = arith.extui %sign3A_353 : i1 to i32
      %sign3A_355 = arith.subi %sign3A_351, %sign3A_354 : i32
      %ne3A_356 = arith.cmpi ne, %sign3A_348, %sign3A_355 : i32
      %rem3A_357 = arith.remsi %select_n3A_339, %jit3A_340 : i32
      %ne3A_358 = arith.constant 0 : i32
      %ne3A_359 = arith.cmpi ne, %rem3A_357, %ne3A_358 : i32
      %and3A_360 = arith.andi %ne3A_356, %ne3A_359 : i1
      %sub3A_361 = arith.constant 1 : i32
      %sub3A_362 = arith.subi %div3A_341, %sub3A_361 : i32
      %select_n3A_363 = arith.select %and3A_360, %sub3A_362, %div3A_341 : i32
      %jit3A_364 = arith.constant 640 : i32
      %eq3A_365 = arith.constant 0 : i32
      %eq3A_366 = arith.cmpi eq, %jit3A_364, %eq3A_365 : i32
      %jit3A_367 = arith.constant 1 : i32
      %select_n3A_368 = arith.select %eq3A_366, %jit3A_367, %jit3A_364 : i32
      %rem3A_369 = arith.remsi %select_n3A_339, %select_n3A_368 : i32
      %ne3A_370 = arith.constant 0 : i32
      %ne3A_371 = arith.cmpi ne, %rem3A_369, %ne3A_370 : i32
      %lt3A_372 = arith.constant 0 : i32
      %lt3A_373 = arith.cmpi slt, %rem3A_369, %lt3A_372 : i32
      %lt3A_374 = arith.constant 0 : i32
      %lt3A_375 = arith.cmpi slt, %select_n3A_368, %lt3A_374 : i32
      %ne3A_376 = arith.xori %lt3A_373, %lt3A_375 : i1
      %and3A_377 = arith.andi %ne3A_376, %ne3A_371 : i1
      %add3A_378 = arith.addi %rem3A_369, %select_n3A_368 : i32
      %select_n3A_379 = arith.select %and3A_377, %add3A_378, %rem3A_369 : i32
      %mul3A_380 = arith.constant 640 : i32
      %mul3A_381 = arith.muli %select_n3A_325, %mul3A_380 : i32
      %add3A_382 = arith.addi %mul3A_381, %select_n3A_379 : i32
      %mul3A_383 = arith.constant 16 : i32
      %mul3A_384 = arith.muli %select_n3A_363, %mul3A_383 : i32
      %dma_start3A_385 = tpu.memref_slice %arg5[%add3A_382, %mul3A_384] : memref<400000x128xf32, #tpu.memory_space<hbm>> -> memref<640x16xf32, #tpu.memory_space<hbm>>
      %dma_start3A_386 = tpu.memref_slice %arg5[%add3A_382, %mul3A_384] : memref<400000x128xf32, #tpu.memory_space<hbm>> -> memref<640x16xf32, #tpu.memory_space<hbm>>
      tpu.enqueue_dma source(%arg10 : memref<640x16xf32, #tpu.memory_space<vmem>>) target(%dma_start3A_386 : memref<640x16xf32, #tpu.memory_space<hbm>>) target_semaphore(%arg16 : memref<!tpu.dma_semaphore, #tpu.memory_space<semaphore_mem>>)
      %mul3A_387 = arith.constant 640 : i32
      %mul3A_388 = arith.muli %add3A_97, %mul3A_387 : i32
      %jit3A_389 = arith.constant 5120 : i32
      %div3A_390 = arith.divsi %mul3A_388, %jit3A_389 : i32
      %sign3A_391 = arith.constant 0 : i32
      %sign3A_392 = arith.cmpi sgt, %mul3A_388, %sign3A_391 : i32
      %sign3A_393 = arith.extui %sign3A_392 : i1 to i32
      %sign3A_394 = arith.constant 0 : i32
      %sign3A_395 = arith.cmpi slt, %mul3A_388, %sign3A_394 : i32
      %sign3A_396 = arith.extui %sign3A_395 : i1 to i32
      %sign3A_397 = arith.subi %sign3A_393, %sign3A_396 : i32
      %sign3A_398 = arith.constant 0 : i32
      %sign3A_399 = arith.cmpi sgt, %jit3A_389, %sign3A_398 : i32
      %sign3A_400 = arith.extui %sign3A_399 : i1 to i32
      %sign3A_401 = arith.constant 0 : i32
      %sign3A_402 = arith.cmpi slt, %jit3A_389, %sign3A_401 : i32
      %sign3A_403 = arith.extui %sign3A_402 : i1 to i32
      %sign3A_404 = arith.subi %sign3A_400, %sign3A_403 : i32
      %ne3A_405 = arith.cmpi ne, %sign3A_397, %sign3A_404 : i32
      %rem3A_406 = arith.remsi %mul3A_388, %jit3A_389 : i32
      %ne3A_407 = arith.constant 0 : i32
      %ne3A_408 = arith.cmpi ne, %rem3A_406, %ne3A_407 : i32
      %and3A_409 = arith.andi %ne3A_405, %ne3A_408 : i1
      %sub3A_410 = arith.constant 1 : i32
      %sub3A_411 = arith.subi %div3A_390, %sub3A_410 : i32
      %select_n3A_412 = arith.select %and3A_409, %sub3A_411, %div3A_390 : i32
      %jit3A_413 = arith.constant 5120 : i32
      %eq3A_414 = arith.constant 0 : i32
      %eq3A_415 = arith.cmpi eq, %jit3A_413, %eq3A_414 : i32
      %jit3A_416 = arith.constant 1 : i32
      %select_n3A_417 = arith.select %eq3A_415, %jit3A_416, %jit3A_413 : i32
      %rem3A_418 = arith.remsi %mul3A_388, %select_n3A_417 : i32
      %ne3A_419 = arith.constant 0 : i32
      %ne3A_420 = arith.cmpi ne, %rem3A_418, %ne3A_419 : i32
      %lt3A_421 = arith.constant 0 : i32
      %lt3A_422 = arith.cmpi slt, %rem3A_418, %lt3A_421 : i32
      %lt3A_423 = arith.constant 0 : i32
      %lt3A_424 = arith.cmpi slt, %select_n3A_417, %lt3A_423 : i32
      %ne3A_425 = arith.xori %lt3A_422, %lt3A_424 : i1
      %and3A_426 = arith.andi %ne3A_425, %ne3A_420 : i1
      %add3A_427 = arith.addi %rem3A_418, %select_n3A_417 : i32
      %select_n3A_428 = arith.select %and3A_426, %add3A_427, %rem3A_418 : i32
      %jit3A_429 = arith.constant 640 : i32
      %div3A_430 = arith.divsi %select_n3A_428, %jit3A_429 : i32
      %sign3A_431 = arith.constant 0 : i32
      %sign3A_432 = arith.cmpi sgt, %select_n3A_428, %sign3A_431 : i32
      %sign3A_433 = arith.extui %sign3A_432 : i1 to i32
      %sign3A_434 = arith.constant 0 : i32
      %sign3A_435 = arith.cmpi slt, %select_n3A_428, %sign3A_434 : i32
      %sign3A_436 = arith.extui %sign3A_435 : i1 to i32
      %sign3A_437 = arith.subi %sign3A_433, %sign3A_436 : i32
      %sign3A_438 = arith.constant 0 : i32
      %sign3A_439 = arith.cmpi sgt, %jit3A_429, %sign3A_438 : i32
      %sign3A_440 = arith.extui %sign3A_439 : i1 to i32
      %sign3A_441 = arith.constant 0 : i32
      %sign3A_442 = arith.cmpi slt, %jit3A_429, %sign3A_441 : i32
      %sign3A_443 = arith.extui %sign3A_442 : i1 to i32
      %sign3A_444 = arith.subi %sign3A_440, %sign3A_443 : i32
      %ne3A_445 = arith.cmpi ne, %sign3A_437, %sign3A_444 : i32
      %rem3A_446 = arith.remsi %select_n3A_428, %jit3A_429 : i32
      %ne3A_447 = arith.constant 0 : i32
      %ne3A_448 = arith.cmpi ne, %rem3A_446, %ne3A_447 : i32
      %and3A_449 = arith.andi %ne3A_445, %ne3A_448 : i1
      %sub3A_450 = arith.constant 1 : i32
      %sub3A_451 = arith.subi %div3A_430, %sub3A_450 : i32
      %select_n3A_452 = arith.select %and3A_449, %sub3A_451, %div3A_430 : i32
      %jit3A_453 = arith.constant 640 : i32
      %eq3A_454 = arith.constant 0 : i32
      %eq3A_455 = arith.cmpi eq, %jit3A_453, %eq3A_454 : i32
      %jit3A_456 = arith.constant 1 : i32
      %select_n3A_457 = arith.select %eq3A_455, %jit3A_456, %jit3A_453 : i32
      %rem3A_458 = arith.remsi %select_n3A_428, %select_n3A_457 : i32
      %ne3A_459 = arith.constant 0 : i32
      %ne3A_460 = arith.cmpi ne, %rem3A_458, %ne3A_459 : i32
      %lt3A_461 = arith.constant 0 : i32
      %lt3A_462 = arith.cmpi slt, %rem3A_458, %lt3A_461 : i32
      %lt3A_463 = arith.constant 0 : i32
      %lt3A_464 = arith.cmpi slt, %select_n3A_457, %lt3A_463 : i32
      %ne3A_465 = arith.xori %lt3A_462, %lt3A_464 : i1
      %and3A_466 = arith.andi %ne3A_465, %ne3A_460 : i1
      %add3A_467 = arith.addi %rem3A_458, %select_n3A_457 : i32
      %select_n3A_468 = arith.select %and3A_466, %add3A_467, %rem3A_458 : i32
      %mul3A_469 = arith.constant 640 : i32
      %mul3A_470 = arith.muli %select_n3A_412, %mul3A_469 : i32
      %add3A_471 = arith.addi %mul3A_470, %select_n3A_468 : i32
      %mul3A_472 = arith.constant 16 : i32
      %mul3A_473 = arith.muli %select_n3A_452, %mul3A_472 : i32
      %dma_start3A_474 = tpu.memref_slice %arg6[%add3A_471, %mul3A_473] : memref<400000x128xf32, #tpu.memory_space<hbm>> -> memref<640x16xf32, #tpu.memory_space<hbm>>
      %dma_start3A_475 = tpu.memref_slice %arg6[%add3A_471, %mul3A_473] : memref<400000x128xf32, #tpu.memory_space<hbm>> -> memref<640x16xf32, #tpu.memory_space<hbm>>
      tpu.enqueue_dma source(%arg11 : memref<640x16xf32, #tpu.memory_space<vmem>>) target(%dma_start3A_475 : memref<640x16xf32, #tpu.memory_space<hbm>>) target_semaphore(%arg16 : memref<!tpu.dma_semaphore, #tpu.memory_space<semaphore_mem>>)
      %dma_start3A_476 = arith.constant 0 : i32
      %dma_start3A_477 = arith.constant 0 : i32
      %dma_start3A_478 = tpu.memref_slice %arg8[%dma_start3A_476, %dma_start3A_477] : memref<5x128xi32, #tpu.memory_space<vmem>> -> memref<1x128xi32, #tpu.memory_space<vmem>>
      %dma_start3A_479 = tpu.memref_squeeze %dma_start3A_478 : memref<1x128xi32, #tpu.memory_space<vmem>> -> memref<128xi32, #tpu.memory_space<vmem>>
      %dma_start3A_480 = arith.constant 0 : i32
      %dma_start3A_481 = tpu.memref_slice %arg14[%dma_start3A_480] : memref<100096xf32, #tpu.memory_space<vmem_shared>> -> memref<100096xf32, #tpu.memory_space<vmem_shared>>
      tpu.enqueue_indirect_dma source(%arg12 : memref<128xf32, #tpu.memory_space<vmem>>) target(%dma_start3A_481 : memref<100096xf32, #tpu.memory_space<vmem_shared>>) offsets(%dma_start3A_479 : memref<128xi32, #tpu.memory_space<vmem>>) semaphore(%arg17 : memref<!tpu.dma_semaphore, #tpu.memory_space<semaphore_mem>>) {add = true}
      %dma_start3A_482 = arith.constant 1 : i32
      %dma_start3A_483 = arith.constant 0 : i32
      %dma_start3A_484 = tpu.memref_slice %arg8[%dma_start3A_482, %dma_start3A_483] : memref<5x128xi32, #tpu.memory_space<vmem>> -> memref<1x128xi32, #tpu.memory_space<vmem>>
      %dma_start3A_485 = tpu.memref_squeeze %dma_start3A_484 : memref<1x128xi32, #tpu.memory_space<vmem>> -> memref<128xi32, #tpu.memory_space<vmem>>
      %dma_start3A_486 = arith.constant 0 : i32
      %dma_start3A_487 = tpu.memref_slice %arg14[%dma_start3A_486] : memref<100096xf32, #tpu.memory_space<vmem_shared>> -> memref<100096xf32, #tpu.memory_space<vmem_shared>>
      tpu.enqueue_indirect_dma source(%arg12 : memref<128xf32, #tpu.memory_space<vmem>>) target(%dma_start3A_487 : memref<100096xf32, #tpu.memory_space<vmem_shared>>) offsets(%dma_start3A_485 : memref<128xi32, #tpu.memory_space<vmem>>) semaphore(%arg17 : memref<!tpu.dma_semaphore, #tpu.memory_space<semaphore_mem>>) {add = true}
      %dma_start3A_488 = arith.constant 2 : i32
      %dma_start3A_489 = arith.constant 0 : i32
      %dma_start3A_490 = tpu.memref_slice %arg8[%dma_start3A_488, %dma_start3A_489] : memref<5x128xi32, #tpu.memory_space<vmem>> -> memref<1x128xi32, #tpu.memory_space<vmem>>
      %dma_start3A_491 = tpu.memref_squeeze %dma_start3A_490 : memref<1x128xi32, #tpu.memory_space<vmem>> -> memref<128xi32, #tpu.memory_space<vmem>>
      %dma_start3A_492 = arith.constant 0 : i32
      %dma_start3A_493 = tpu.memref_slice %arg14[%dma_start3A_492] : memref<100096xf32, #tpu.memory_space<vmem_shared>> -> memref<100096xf32, #tpu.memory_space<vmem_shared>>
      tpu.enqueue_indirect_dma source(%arg12 : memref<128xf32, #tpu.memory_space<vmem>>) target(%dma_start3A_493 : memref<100096xf32, #tpu.memory_space<vmem_shared>>) offsets(%dma_start3A_491 : memref<128xi32, #tpu.memory_space<vmem>>) semaphore(%arg17 : memref<!tpu.dma_semaphore, #tpu.memory_space<semaphore_mem>>) {add = true}
      %dma_start3A_494 = arith.constant 3 : i32
      %dma_start3A_495 = arith.constant 0 : i32
      %dma_start3A_496 = tpu.memref_slice %arg8[%dma_start3A_494, %dma_start3A_495] : memref<5x128xi32, #tpu.memory_space<vmem>> -> memref<1x128xi32, #tpu.memory_space<vmem>>
      %dma_start3A_497 = tpu.memref_squeeze %dma_start3A_496 : memref<1x128xi32, #tpu.memory_space<vmem>> -> memref<128xi32, #tpu.memory_space<vmem>>
      %dma_start3A_498 = arith.constant 0 : i32
      %dma_start3A_499 = tpu.memref_slice %arg14[%dma_start3A_498] : memref<100096xf32, #tpu.memory_space<vmem_shared>> -> memref<100096xf32, #tpu.memory_space<vmem_shared>>
      tpu.enqueue_indirect_dma source(%arg12 : memref<128xf32, #tpu.memory_space<vmem>>) target(%dma_start3A_499 : memref<100096xf32, #tpu.memory_space<vmem_shared>>) offsets(%dma_start3A_497 : memref<128xi32, #tpu.memory_space<vmem>>) semaphore(%arg17 : memref<!tpu.dma_semaphore, #tpu.memory_space<semaphore_mem>>) {add = true}
      %dma_start3A_500 = arith.constant 4 : i32
      %dma_start3A_501 = arith.constant 0 : i32
      %dma_start3A_502 = tpu.memref_slice %arg8[%dma_start3A_500, %dma_start3A_501] : memref<5x128xi32, #tpu.memory_space<vmem>> -> memref<1x128xi32, #tpu.memory_space<vmem>>
      %dma_start3A_503 = tpu.memref_squeeze %dma_start3A_502 : memref<1x128xi32, #tpu.memory_space<vmem>> -> memref<128xi32, #tpu.memory_space<vmem>>
      %dma_start3A_504 = arith.constant 0 : i32
      %dma_start3A_505 = tpu.memref_slice %arg14[%dma_start3A_504] : memref<100096xf32, #tpu.memory_space<vmem_shared>> -> memref<100096xf32, #tpu.memory_space<vmem_shared>>
      tpu.enqueue_indirect_dma source(%arg12 : memref<128xf32, #tpu.memory_space<vmem>>) target(%dma_start3A_505 : memref<100096xf32, #tpu.memory_space<vmem_shared>>) offsets(%dma_start3A_503 : memref<128xi32, #tpu.memory_space<vmem>>) semaphore(%arg17 : memref<!tpu.dma_semaphore, #tpu.memory_space<semaphore_mem>>) {add = true}
      %dma_wait3A_506 = tpu.memref_slice %arg5[%add3A_382, %mul3A_384] : memref<400000x128xf32, #tpu.memory_space<hbm>> -> memref<640x16xf32, #tpu.memory_space<hbm>>
      %dma_wait3A_507 = tpu.memref_slice %arg5[%add3A_382, %mul3A_384] : memref<400000x128xf32, #tpu.memory_space<hbm>> -> memref<640x16xf32, #tpu.memory_space<hbm>>
      tpu.wait_dma2 semaphore(%arg16 : memref<!tpu.dma_semaphore, #tpu.memory_space<semaphore_mem>>) src(%arg10 : memref<640x16xf32, #tpu.memory_space<vmem>>) dst(%dma_wait3A_507 : memref<640x16xf32, #tpu.memory_space<hbm>>)
      %dma_wait3A_508 = tpu.memref_slice %arg6[%add3A_471, %mul3A_473] : memref<400000x128xf32, #tpu.memory_space<hbm>> -> memref<640x16xf32, #tpu.memory_space<hbm>>
      %dma_wait3A_509 = tpu.memref_slice %arg6[%add3A_471, %mul3A_473] : memref<400000x128xf32, #tpu.memory_space<hbm>> -> memref<640x16xf32, #tpu.memory_space<hbm>>
      tpu.wait_dma2 semaphore(%arg16 : memref<!tpu.dma_semaphore, #tpu.memory_space<semaphore_mem>>) src(%arg11 : memref<640x16xf32, #tpu.memory_space<vmem>>) dst(%dma_wait3A_509 : memref<640x16xf32, #tpu.memory_space<hbm>>)
      %dma_wait3A_510 = arith.constant 0 : i32
      %dma_wait3A_511 = arith.constant 0 : i32
      %dma_wait3A_512 = tpu.memref_slice %arg8[%dma_wait3A_510, %dma_wait3A_511] : memref<5x128xi32, #tpu.memory_space<vmem>> -> memref<1x128xi32, #tpu.memory_space<vmem>>
      %dma_wait3A_513 = tpu.memref_squeeze %dma_wait3A_512 : memref<1x128xi32, #tpu.memory_space<vmem>> -> memref<128xi32, #tpu.memory_space<vmem>>
      %dma_wait3A_514 = arith.constant 0 : i32
      %dma_wait3A_515 = tpu.memref_slice %arg14[%dma_wait3A_514] : memref<100096xf32, #tpu.memory_space<vmem_shared>> -> memref<100096xf32, #tpu.memory_space<vmem_shared>>
      tpu.wait_indirect_dma semaphore(%arg17 : memref<!tpu.dma_semaphore, #tpu.memory_space<semaphore_mem>>) src(%arg12 : memref<128xf32, #tpu.memory_space<vmem>>) dst(%dma_wait3A_515 : memref<100096xf32, #tpu.memory_space<vmem_shared>>)
      %dma_wait3A_516 = arith.constant 1 : i32
      %dma_wait3A_517 = arith.constant 0 : i32
      %dma_wait3A_518 = tpu.memref_slice %arg8[%dma_wait3A_516, %dma_wait3A_517] : memref<5x128xi32, #tpu.memory_space<vmem>> -> memref<1x128xi32, #tpu.memory_space<vmem>>
      %dma_wait3A_519 = tpu.memref_squeeze %dma_wait3A_518 : memref<1x128xi32, #tpu.memory_space<vmem>> -> memref<128xi32, #tpu.memory_space<vmem>>
      %dma_wait3A_520 = arith.constant 0 : i32
      %dma_wait3A_521 = tpu.memref_slice %arg14[%dma_wait3A_520] : memref<100096xf32, #tpu.memory_space<vmem_shared>> -> memref<100096xf32, #tpu.memory_space<vmem_shared>>
      tpu.wait_indirect_dma semaphore(%arg17 : memref<!tpu.dma_semaphore, #tpu.memory_space<semaphore_mem>>) src(%arg12 : memref<128xf32, #tpu.memory_space<vmem>>) dst(%dma_wait3A_521 : memref<100096xf32, #tpu.memory_space<vmem_shared>>)
      %dma_wait3A_522 = arith.constant 2 : i32
      %dma_wait3A_523 = arith.constant 0 : i32
      %dma_wait3A_524 = tpu.memref_slice %arg8[%dma_wait3A_522, %dma_wait3A_523] : memref<5x128xi32, #tpu.memory_space<vmem>> -> memref<1x128xi32, #tpu.memory_space<vmem>>
      %dma_wait3A_525 = tpu.memref_squeeze %dma_wait3A_524 : memref<1x128xi32, #tpu.memory_space<vmem>> -> memref<128xi32, #tpu.memory_space<vmem>>
      %dma_wait3A_526 = arith.constant 0 : i32
      %dma_wait3A_527 = tpu.memref_slice %arg14[%dma_wait3A_526] : memref<100096xf32, #tpu.memory_space<vmem_shared>> -> memref<100096xf32, #tpu.memory_space<vmem_shared>>
      tpu.wait_indirect_dma semaphore(%arg17 : memref<!tpu.dma_semaphore, #tpu.memory_space<semaphore_mem>>) src(%arg12 : memref<128xf32, #tpu.memory_space<vmem>>) dst(%dma_wait3A_527 : memref<100096xf32, #tpu.memory_space<vmem_shared>>)
      %dma_wait3A_528 = arith.constant 3 : i32
      %dma_wait3A_529 = arith.constant 0 : i32
      %dma_wait3A_530 = tpu.memref_slice %arg8[%dma_wait3A_528, %dma_wait3A_529] : memref<5x128xi32, #tpu.memory_space<vmem>> -> memref<1x128xi32, #tpu.memory_space<vmem>>
      %dma_wait3A_531 = tpu.memref_squeeze %dma_wait3A_530 : memref<1x128xi32, #tpu.memory_space<vmem>> -> memref<128xi32, #tpu.memory_space<vmem>>
      %dma_wait3A_532 = arith.constant 0 : i32
      %dma_wait3A_533 = tpu.memref_slice %arg14[%dma_wait3A_532] : memref<100096xf32, #tpu.memory_space<vmem_shared>> -> memref<100096xf32, #tpu.memory_space<vmem_shared>>
      tpu.wait_indirect_dma semaphore(%arg17 : memref<!tpu.dma_semaphore, #tpu.memory_space<semaphore_mem>>) src(%arg12 : memref<128xf32, #tpu.memory_space<vmem>>) dst(%dma_wait3A_533 : memref<100096xf32, #tpu.memory_space<vmem_shared>>)
      %dma_wait3A_534 = arith.constant 4 : i32
      %dma_wait3A_535 = arith.constant 0 : i32
      %dma_wait3A_536 = tpu.memref_slice %arg8[%dma_wait3A_534, %dma_wait3A_535] : memref<5x128xi32, #tpu.memory_space<vmem>> -> memref<1x128xi32, #tpu.memory_space<vmem>>
      %dma_wait3A_537 = tpu.memref_squeeze %dma_wait3A_536 : memref<1x128xi32, #tpu.memory_space<vmem>> -> memref<128xi32, #tpu.memory_space<vmem>>
      %dma_wait3A_538 = arith.constant 0 : i32
      %dma_wait3A_539 = tpu.memref_slice %arg14[%dma_wait3A_538] : memref<100096xf32, #tpu.memory_space<vmem_shared>> -> memref<100096xf32, #tpu.memory_space<vmem_shared>>
      tpu.wait_indirect_dma semaphore(%arg17 : memref<!tpu.dma_semaphore, #tpu.memory_space<semaphore_mem>>) src(%arg12 : memref<128xf32, #tpu.memory_space<vmem>>) dst(%dma_wait3A_539 : memref<100096xf32, #tpu.memory_space<vmem_shared>>)
    }
    %while3A_88 = arith.constant 1 : i32
    scf.for %while3A_94 = %while3A_86 to %while3A_82 step %while3A_88  : i32 {
      %mul3A_95 = arith.constant 32 : i32
      %mul3A_96 = arith.muli %while3A_94, %mul3A_95 : i32
      %add3A_97 = arith.addi %add3A, %mul3A_96 : i32
      %mul3A_98 = arith.constant 5 : i32
      %mul3A_99 = arith.muli %add3A_97, %mul3A_98 : i32
      "tpu.region"() ({
        %run_scoped3A = tpu.sem_alloc : memref<!tpu.dma_semaphore, #tpu.memory_space<semaphore_mem>>
        %dma_start3A_540 = arith.constant 0 : i32
        %dma_start3A_541 = tpu.memref_slice %arg3[%mul3A_99, %dma_start3A_540] : memref<25000x128xi32, #tpu.memory_space<hbm>> -> memref<5x128xi32, #tpu.memory_space<hbm>>
        %dma_start3A_542 = arith.constant 0 : i32
        %dma_start3A_543 = tpu.memref_slice %arg3[%mul3A_99, %dma_start3A_542] : memref<25000x128xi32, #tpu.memory_space<hbm>> -> memref<5x128xi32, #tpu.memory_space<hbm>>
        tpu.enqueue_dma source(%dma_start3A_543 : memref<5x128xi32, #tpu.memory_space<hbm>>) target(%arg8 : memref<5x128xi32, #tpu.memory_space<vmem>>) target_semaphore(%run_scoped3A : memref<!tpu.dma_semaphore, #tpu.memory_space<semaphore_mem>>)
        %dma_wait3A_544 = arith.constant 0 : i32
        %dma_wait3A_545 = tpu.memref_slice %arg3[%mul3A_99, %dma_wait3A_544] : memref<25000x128xi32, #tpu.memory_space<hbm>> -> memref<5x128xi32, #tpu.memory_space<hbm>>
        %dma_wait3A_546 = arith.constant 0 : i32
        %dma_wait3A_547 = tpu.memref_slice %arg3[%mul3A_99, %dma_wait3A_546] : memref<25000x128xi32, #tpu.memory_space<hbm>> -> memref<5x128xi32, #tpu.memory_space<hbm>>
        tpu.wait_dma2 semaphore(%run_scoped3A : memref<!tpu.dma_semaphore, #tpu.memory_space<semaphore_mem>>) src(%dma_wait3A_547 : memref<5x128xi32, #tpu.memory_space<hbm>>) dst(%arg8 : memref<5x128xi32, #tpu.memory_space<vmem>>)
        tpu.yield
      }) : () -> ()
      %mul3A_100 = arith.constant 5 : i32
      %mul3A_101 = arith.muli %add3A_97, %mul3A_100 : i32
      "tpu.region"() ({
        %run_scoped3A = tpu.sem_alloc : memref<!tpu.dma_semaphore, #tpu.memory_space<semaphore_mem>>
        %dma_start3A_540 = arith.constant 0 : i32
        %dma_start3A_541 = tpu.memref_slice %arg4[%mul3A_101, %dma_start3A_540] : memref<25000x128xi32, #tpu.memory_space<hbm>> -> memref<5x128xi32, #tpu.memory_space<hbm>>
        %dma_start3A_542 = arith.constant 0 : i32
        %dma_start3A_543 = tpu.memref_slice %arg4[%mul3A_101, %dma_start3A_542] : memref<25000x128xi32, #tpu.memory_space<hbm>> -> memref<5x128xi32, #tpu.memory_space<hbm>>
        tpu.enqueue_dma source(%dma_start3A_543 : memref<5x128xi32, #tpu.memory_space<hbm>>) target(%arg9 : memref<5x128xi32, #tpu.memory_space<vmem>>) target_semaphore(%run_scoped3A : memref<!tpu.dma_semaphore, #tpu.memory_space<semaphore_mem>>)
        %dma_wait3A_544 = arith.constant 0 : i32
        %dma_wait3A_545 = tpu.memref_slice %arg4[%mul3A_101, %dma_wait3A_544] : memref<25000x128xi32, #tpu.memory_space<hbm>> -> memref<5x128xi32, #tpu.memory_space<hbm>>
        %dma_wait3A_546 = arith.constant 0 : i32
        %dma_wait3A_547 = tpu.memref_slice %arg4[%mul3A_101, %dma_wait3A_546] : memref<25000x128xi32, #tpu.memory_space<hbm>> -> memref<5x128xi32, #tpu.memory_space<hbm>>
        tpu.wait_dma2 semaphore(%run_scoped3A : memref<!tpu.dma_semaphore, #tpu.memory_space<semaphore_mem>>) src(%dma_wait3A_547 : memref<5x128xi32, #tpu.memory_space<hbm>>) dst(%arg9 : memref<5x128xi32, #tpu.memory_space<vmem>>)
        tpu.yield
      }) : () -> ()
      %dma_start3A = arith.constant 0 : i32
      %dma_start3A_102 = arith.constant 0 : i32
      %dma_start3A_103 = arith.constant 0 : i32
      %dma_start3A_104 = tpu.memref_slice %arg10[%dma_start3A_102, %dma_start3A_103] : memref<640x16xf32, #tpu.memory_space<vmem>> -> memref<128x16xf32, #tpu.memory_space<vmem>>
      %dma_start3A_105 = arith.constant 0 : i32
      %dma_start3A_106 = tpu.memref_slice %arg8[%dma_start3A, %dma_start3A_105] : memref<5x128xi32, #tpu.memory_space<vmem>> -> memref<1x128xi32, #tpu.memory_space<vmem>>
      %dma_start3A_107 = tpu.memref_squeeze %dma_start3A_106 : memref<1x128xi32, #tpu.memory_space<vmem>> -> memref<128xi32, #tpu.memory_space<vmem>>
      %dma_start3A_108 = arith.constant 0 : i32
      %dma_start3A_109 = arith.constant 0 : i32
      %dma_start3A_110 = tpu.memref_slice %arg2[%dma_start3A_108, %dma_start3A_109] : memref<100000x16xf32, #tpu.memory_space<hbm>> -> memref<100000x16xf32, #tpu.memory_space<hbm>>
      tpu.enqueue_indirect_dma source(%dma_start3A_110 : memref<100000x16xf32, #tpu.memory_space<hbm>>) target(%dma_start3A_104 : memref<128x16xf32, #tpu.memory_space<vmem>>) offsets(%dma_start3A_107 : memref<128xi32, #tpu.memory_space<vmem>>) semaphore(%arg15 : memref<!tpu.dma_semaphore, #tpu.memory_space<semaphore_mem>>)
      %dma_start3A_111 = arith.constant 0 : i32
      %dma_start3A_112 = arith.constant 0 : i32
      %dma_start3A_113 = arith.constant 0 : i32
      %dma_start3A_114 = tpu.memref_slice %arg11[%dma_start3A_112, %dma_start3A_113] : memref<640x16xf32, #tpu.memory_space<vmem>> -> memref<128x16xf32, #tpu.memory_space<vmem>>
      %dma_start3A_115 = arith.constant 0 : i32
      %dma_start3A_116 = tpu.memref_slice %arg9[%dma_start3A_111, %dma_start3A_115] : memref<5x128xi32, #tpu.memory_space<vmem>> -> memref<1x128xi32, #tpu.memory_space<vmem>>
      %dma_start3A_117 = tpu.memref_squeeze %dma_start3A_116 : memref<1x128xi32, #tpu.memory_space<vmem>> -> memref<128xi32, #tpu.memory_space<vmem>>
      %dma_start3A_118 = arith.constant 0 : i32
      %dma_start3A_119 = arith.constant 0 : i32
      %dma_start3A_120 = tpu.memref_slice %arg2[%dma_start3A_118, %dma_start3A_119] : memref<100000x16xf32, #tpu.memory_space<hbm>> -> memref<100000x16xf32, #tpu.memory_space<hbm>>
      tpu.enqueue_indirect_dma source(%dma_start3A_120 : memref<100000x16xf32, #tpu.memory_space<hbm>>) target(%dma_start3A_114 : memref<128x16xf32, #tpu.memory_space<vmem>>) offsets(%dma_start3A_117 : memref<128xi32, #tpu.memory_space<vmem>>) semaphore(%arg15 : memref<!tpu.dma_semaphore, #tpu.memory_space<semaphore_mem>>)
      %dma_start3A_121 = arith.constant 1 : i32
      %dma_start3A_122 = arith.constant 128 : i32
      %dma_start3A_123 = arith.constant 0 : i32
      %dma_start3A_124 = tpu.memref_slice %arg10[%dma_start3A_122, %dma_start3A_123] : memref<640x16xf32, #tpu.memory_space<vmem>> -> memref<128x16xf32, #tpu.memory_space<vmem>>
      %dma_start3A_125 = arith.constant 0 : i32
      %dma_start3A_126 = tpu.memref_slice %arg8[%dma_start3A_121, %dma_start3A_125] : memref<5x128xi32, #tpu.memory_space<vmem>> -> memref<1x128xi32, #tpu.memory_space<vmem>>
      %dma_start3A_127 = tpu.memref_squeeze %dma_start3A_126 : memref<1x128xi32, #tpu.memory_space<vmem>> -> memref<128xi32, #tpu.memory_space<vmem>>
      %dma_start3A_128 = arith.constant 0 : i32
      %dma_start3A_129 = arith.constant 0 : i32
      %dma_start3A_130 = tpu.memref_slice %arg2[%dma_start3A_128, %dma_start3A_129] : memref<100000x16xf32, #tpu.memory_space<hbm>> -> memref<100000x16xf32, #tpu.memory_space<hbm>>
      tpu.enqueue_indirect_dma source(%dma_start3A_130 : memref<100000x16xf32, #tpu.memory_space<hbm>>) target(%dma_start3A_124 : memref<128x16xf32, #tpu.memory_space<vmem>>) offsets(%dma_start3A_127 : memref<128xi32, #tpu.memory_space<vmem>>) semaphore(%arg15 : memref<!tpu.dma_semaphore, #tpu.memory_space<semaphore_mem>>)
      %dma_start3A_131 = arith.constant 1 : i32
      %dma_start3A_132 = arith.constant 128 : i32
      %dma_start3A_133 = arith.constant 0 : i32
      %dma_start3A_134 = tpu.memref_slice %arg11[%dma_start3A_132, %dma_start3A_133] : memref<640x16xf32, #tpu.memory_space<vmem>> -> memref<128x16xf32, #tpu.memory_space<vmem>>
      %dma_start3A_135 = arith.constant 0 : i32
      %dma_start3A_136 = tpu.memref_slice %arg9[%dma_start3A_131, %dma_start3A_135] : memref<5x128xi32, #tpu.memory_space<vmem>> -> memref<1x128xi32, #tpu.memory_space<vmem>>
      %dma_start3A_137 = tpu.memref_squeeze %dma_start3A_136 : memref<1x128xi32, #tpu.memory_space<vmem>> -> memref<128xi32, #tpu.memory_space<vmem>>
      %dma_start3A_138 = arith.constant 0 : i32
      %dma_start3A_139 = arith.constant 0 : i32
      %dma_start3A_140 = tpu.memref_slice %arg2[%dma_start3A_138, %dma_start3A_139] : memref<100000x16xf32, #tpu.memory_space<hbm>> -> memref<100000x16xf32, #tpu.memory_space<hbm>>
      tpu.enqueue_indirect_dma source(%dma_start3A_140 : memref<100000x16xf32, #tpu.memory_space<hbm>>) target(%dma_start3A_134 : memref<128x16xf32, #tpu.memory_space<vmem>>) offsets(%dma_start3A_137 : memref<128xi32, #tpu.memory_space<vmem>>) semaphore(%arg15 : memref<!tpu.dma_semaphore, #tpu.memory_space<semaphore_mem>>)
      %dma_start3A_141 = arith.constant 2 : i32
      %dma_start3A_142 = arith.constant 256 : i32
      %dma_start3A_143 = arith.constant 0 : i32
      %dma_start3A_144 = tpu.memref_slice %arg10[%dma_start3A_142, %dma_start3A_143] : memref<640x16xf32, #tpu.memory_space<vmem>> -> memref<128x16xf32, #tpu.memory_space<vmem>>
      %dma_start3A_145 = arith.constant 0 : i32
      %dma_start3A_146 = tpu.memref_slice %arg8[%dma_start3A_141, %dma_start3A_145] : memref<5x128xi32, #tpu.memory_space<vmem>> -> memref<1x128xi32, #tpu.memory_space<vmem>>
      %dma_start3A_147 = tpu.memref_squeeze %dma_start3A_146 : memref<1x128xi32, #tpu.memory_space<vmem>> -> memref<128xi32, #tpu.memory_space<vmem>>
      %dma_start3A_148 = arith.constant 0 : i32
      %dma_start3A_149 = arith.constant 0 : i32
      %dma_start3A_150 = tpu.memref_slice %arg2[%dma_start3A_148, %dma_start3A_149] : memref<100000x16xf32, #tpu.memory_space<hbm>> -> memref<100000x16xf32, #tpu.memory_space<hbm>>
      tpu.enqueue_indirect_dma source(%dma_start3A_150 : memref<100000x16xf32, #tpu.memory_space<hbm>>) target(%dma_start3A_144 : memref<128x16xf32, #tpu.memory_space<vmem>>) offsets(%dma_start3A_147 : memref<128xi32, #tpu.memory_space<vmem>>) semaphore(%arg15 : memref<!tpu.dma_semaphore, #tpu.memory_space<semaphore_mem>>)
      %dma_start3A_151 = arith.constant 2 : i32
      %dma_start3A_152 = arith.constant 256 : i32
      %dma_start3A_153 = arith.constant 0 : i32
      %dma_start3A_154 = tpu.memref_slice %arg11[%dma_start3A_152, %dma_start3A_153] : memref<640x16xf32, #tpu.memory_space<vmem>> -> memref<128x16xf32, #tpu.memory_space<vmem>>
      %dma_start3A_155 = arith.constant 0 : i32
      %dma_start3A_156 = tpu.memref_slice %arg9[%dma_start3A_151, %dma_start3A_155] : memref<5x128xi32, #tpu.memory_space<vmem>> -> memref<1x128xi32, #tpu.memory_space<vmem>>
      %dma_start3A_157 = tpu.memref_squeeze %dma_start3A_156 : memref<1x128xi32, #tpu.memory_space<vmem>> -> memref<128xi32, #tpu.memory_space<vmem>>
      %dma_start3A_158 = arith.constant 0 : i32
      %dma_start3A_159 = arith.constant 0 : i32
      %dma_start3A_160 = tpu.memref_slice %arg2[%dma_start3A_158, %dma_start3A_159] : memref<100000x16xf32, #tpu.memory_space<hbm>> -> memref<100000x16xf32, #tpu.memory_space<hbm>>
      tpu.enqueue_indirect_dma source(%dma_start3A_160 : memref<100000x16xf32, #tpu.memory_space<hbm>>) target(%dma_start3A_154 : memref<128x16xf32, #tpu.memory_space<vmem>>) offsets(%dma_start3A_157 : memref<128xi32, #tpu.memory_space<vmem>>) semaphore(%arg15 : memref<!tpu.dma_semaphore, #tpu.memory_space<semaphore_mem>>)
      %dma_start3A_161 = arith.constant 3 : i32
      %dma_start3A_162 = arith.constant 384 : i32
      %dma_start3A_163 = arith.constant 0 : i32
      %dma_start3A_164 = tpu.memref_slice %arg10[%dma_start3A_162, %dma_start3A_163] : memref<640x16xf32, #tpu.memory_space<vmem>> -> memref<128x16xf32, #tpu.memory_space<vmem>>
      %dma_start3A_165 = arith.constant 0 : i32
      %dma_start3A_166 = tpu.memref_slice %arg8[%dma_start3A_161, %dma_start3A_165] : memref<5x128xi32, #tpu.memory_space<vmem>> -> memref<1x128xi32, #tpu.memory_space<vmem>>
      %dma_start3A_167 = tpu.memref_squeeze %dma_start3A_166 : memref<1x128xi32, #tpu.memory_space<vmem>> -> memref<128xi32, #tpu.memory_space<vmem>>
      %dma_start3A_168 = arith.constant 0 : i32
      %dma_start3A_169 = arith.constant 0 : i32
      %dma_start3A_170 = tpu.memref_slice %arg2[%dma_start3A_168, %dma_start3A_169] : memref<100000x16xf32, #tpu.memory_space<hbm>> -> memref<100000x16xf32, #tpu.memory_space<hbm>>
      tpu.enqueue_indirect_dma source(%dma_start3A_170 : memref<100000x16xf32, #tpu.memory_space<hbm>>) target(%dma_start3A_164 : memref<128x16xf32, #tpu.memory_space<vmem>>) offsets(%dma_start3A_167 : memref<128xi32, #tpu.memory_space<vmem>>) semaphore(%arg15 : memref<!tpu.dma_semaphore, #tpu.memory_space<semaphore_mem>>)
      %dma_start3A_171 = arith.constant 3 : i32
      %dma_start3A_172 = arith.constant 384 : i32
      %dma_start3A_173 = arith.constant 0 : i32
      %dma_start3A_174 = tpu.memref_slice %arg11[%dma_start3A_172, %dma_start3A_173] : memref<640x16xf32, #tpu.memory_space<vmem>> -> memref<128x16xf32, #tpu.memory_space<vmem>>
      %dma_start3A_175 = arith.constant 0 : i32
      %dma_start3A_176 = tpu.memref_slice %arg9[%dma_start3A_171, %dma_start3A_175] : memref<5x128xi32, #tpu.memory_space<vmem>> -> memref<1x128xi32, #tpu.memory_space<vmem>>
      %dma_start3A_177 = tpu.memref_squeeze %dma_start3A_176 : memref<1x128xi32, #tpu.memory_space<vmem>> -> memref<128xi32, #tpu.memory_space<vmem>>
      %dma_start3A_178 = arith.constant 0 : i32
      %dma_start3A_179 = arith.constant 0 : i32
      %dma_start3A_180 = tpu.memref_slice %arg2[%dma_start3A_178, %dma_start3A_179] : memref<100000x16xf32, #tpu.memory_space<hbm>> -> memref<100000x16xf32, #tpu.memory_space<hbm>>
      tpu.enqueue_indirect_dma source(%dma_start3A_180 : memref<100000x16xf32, #tpu.memory_space<hbm>>) target(%dma_start3A_174 : memref<128x16xf32, #tpu.memory_space<vmem>>) offsets(%dma_start3A_177 : memref<128xi32, #tpu.memory_space<vmem>>) semaphore(%arg15 : memref<!tpu.dma_semaphore, #tpu.memory_space<semaphore_mem>>)
      %dma_start3A_181 = arith.constant 4 : i32
      %dma_start3A_182 = arith.constant 512 : i32
      %dma_start3A_183 = arith.constant 0 : i32
      %dma_start3A_184 = tpu.memref_slice %arg10[%dma_start3A_182, %dma_start3A_183] : memref<640x16xf32, #tpu.memory_space<vmem>> -> memref<128x16xf32, #tpu.memory_space<vmem>>
      %dma_start3A_185 = arith.constant 0 : i32
      %dma_start3A_186 = tpu.memref_slice %arg8[%dma_start3A_181, %dma_start3A_185] : memref<5x128xi32, #tpu.memory_space<vmem>> -> memref<1x128xi32, #tpu.memory_space<vmem>>
      %dma_start3A_187 = tpu.memref_squeeze %dma_start3A_186 : memref<1x128xi32, #tpu.memory_space<vmem>> -> memref<128xi32, #tpu.memory_space<vmem>>
      %dma_start3A_188 = arith.constant 0 : i32
      %dma_start3A_189 = arith.constant 0 : i32
      %dma_start3A_190 = tpu.memref_slice %arg2[%dma_start3A_188, %dma_start3A_189] : memref<100000x16xf32, #tpu.memory_space<hbm>> -> memref<100000x16xf32, #tpu.memory_space<hbm>>
      tpu.enqueue_indirect_dma source(%dma_start3A_190 : memref<100000x16xf32, #tpu.memory_space<hbm>>) target(%dma_start3A_184 : memref<128x16xf32, #tpu.memory_space<vmem>>) offsets(%dma_start3A_187 : memref<128xi32, #tpu.memory_space<vmem>>) semaphore(%arg15 : memref<!tpu.dma_semaphore, #tpu.memory_space<semaphore_mem>>)
      %dma_start3A_191 = arith.constant 4 : i32
      %dma_start3A_192 = arith.constant 512 : i32
      %dma_start3A_193 = arith.constant 0 : i32
      %dma_start3A_194 = tpu.memref_slice %arg11[%dma_start3A_192, %dma_start3A_193] : memref<640x16xf32, #tpu.memory_space<vmem>> -> memref<128x16xf32, #tpu.memory_space<vmem>>
      %dma_start3A_195 = arith.constant 0 : i32
      %dma_start3A_196 = tpu.memref_slice %arg9[%dma_start3A_191, %dma_start3A_195] : memref<5x128xi32, #tpu.memory_space<vmem>> -> memref<1x128xi32, #tpu.memory_space<vmem>>
      %dma_start3A_197 = tpu.memref_squeeze %dma_start3A_196 : memref<1x128xi32, #tpu.memory_space<vmem>> -> memref<128xi32, #tpu.memory_space<vmem>>
      %dma_start3A_198 = arith.constant 0 : i32
      %dma_start3A_199 = arith.constant 0 : i32
      %dma_start3A_200 = tpu.memref_slice %arg2[%dma_start3A_198, %dma_start3A_199] : memref<100000x16xf32, #tpu.memory_space<hbm>> -> memref<100000x16xf32, #tpu.memory_space<hbm>>
      tpu.enqueue_indirect_dma source(%dma_start3A_200 : memref<100000x16xf32, #tpu.memory_space<hbm>>) target(%dma_start3A_194 : memref<128x16xf32, #tpu.memory_space<vmem>>) offsets(%dma_start3A_197 : memref<128xi32, #tpu.memory_space<vmem>>) semaphore(%arg15 : memref<!tpu.dma_semaphore, #tpu.memory_space<semaphore_mem>>)
      %dma_wait3A = arith.constant 0 : i32
      %dma_wait3A_201 = arith.constant 0 : i32
      %dma_wait3A_202 = arith.constant 0 : i32
      %dma_wait3A_203 = tpu.memref_slice %arg10[%dma_wait3A_201, %dma_wait3A_202] : memref<640x16xf32, #tpu.memory_space<vmem>> -> memref<128x16xf32, #tpu.memory_space<vmem>>
      %dma_wait3A_204 = arith.constant 0 : i32
      %dma_wait3A_205 = tpu.memref_slice %arg8[%dma_wait3A, %dma_wait3A_204] : memref<5x128xi32, #tpu.memory_space<vmem>> -> memref<1x128xi32, #tpu.memory_space<vmem>>
      %dma_wait3A_206 = tpu.memref_squeeze %dma_wait3A_205 : memref<1x128xi32, #tpu.memory_space<vmem>> -> memref<128xi32, #tpu.memory_space<vmem>>
      %dma_wait3A_207 = arith.constant 0 : i32
      %dma_wait3A_208 = arith.constant 0 : i32
      %dma_wait3A_209 = tpu.memref_slice %arg2[%dma_wait3A_207, %dma_wait3A_208] : memref<100000x16xf32, #tpu.memory_space<hbm>> -> memref<100000x16xf32, #tpu.memory_space<hbm>>
      tpu.wait_indirect_dma semaphore(%arg15 : memref<!tpu.dma_semaphore, #tpu.memory_space<semaphore_mem>>) src(%dma_wait3A_209 : memref<100000x16xf32, #tpu.memory_space<hbm>>) dst(%dma_wait3A_203 : memref<128x16xf32, #tpu.memory_space<vmem>>)
      %dma_wait3A_210 = arith.constant 0 : i32
      %dma_wait3A_211 = arith.constant 0 : i32
      %dma_wait3A_212 = arith.constant 0 : i32
      %dma_wait3A_213 = tpu.memref_slice %arg11[%dma_wait3A_211, %dma_wait3A_212] : memref<640x16xf32, #tpu.memory_space<vmem>> -> memref<128x16xf32, #tpu.memory_space<vmem>>
      %dma_wait3A_214 = arith.constant 0 : i32
      %dma_wait3A_215 = tpu.memref_slice %arg9[%dma_wait3A_210, %dma_wait3A_214] : memref<5x128xi32, #tpu.memory_space<vmem>> -> memref<1x128xi32, #tpu.memory_space<vmem>>
      %dma_wait3A_216 = tpu.memref_squeeze %dma_wait3A_215 : memref<1x128xi32, #tpu.memory_space<vmem>> -> memref<128xi32, #tpu.memory_space<vmem>>
      %dma_wait3A_217 = arith.constant 0 : i32
      %dma_wait3A_218 = arith.constant 0 : i32
      %dma_wait3A_219 = tpu.memref_slice %arg2[%dma_wait3A_217, %dma_wait3A_218] : memref<100000x16xf32, #tpu.memory_space<hbm>> -> memref<100000x16xf32, #tpu.memory_space<hbm>>
      tpu.wait_indirect_dma semaphore(%arg15 : memref<!tpu.dma_semaphore, #tpu.memory_space<semaphore_mem>>) src(%dma_wait3A_219 : memref<100000x16xf32, #tpu.memory_space<hbm>>) dst(%dma_wait3A_213 : memref<128x16xf32, #tpu.memory_space<vmem>>)
      %dma_wait3A_220 = arith.constant 1 : i32
      %dma_wait3A_221 = arith.constant 128 : i32
      %dma_wait3A_222 = arith.constant 0 : i32
      %dma_wait3A_223 = tpu.memref_slice %arg10[%dma_wait3A_221, %dma_wait3A_222] : memref<640x16xf32, #tpu.memory_space<vmem>> -> memref<128x16xf32, #tpu.memory_space<vmem>>
      %dma_wait3A_224 = arith.constant 0 : i32
      %dma_wait3A_225 = tpu.memref_slice %arg8[%dma_wait3A_220, %dma_wait3A_224] : memref<5x128xi32, #tpu.memory_space<vmem>> -> memref<1x128xi32, #tpu.memory_space<vmem>>
      %dma_wait3A_226 = tpu.memref_squeeze %dma_wait3A_225 : memref<1x128xi32, #tpu.memory_space<vmem>> -> memref<128xi32, #tpu.memory_space<vmem>>
      %dma_wait3A_227 = arith.constant 0 : i32
      %dma_wait3A_228 = arith.constant 0 : i32
      %dma_wait3A_229 = tpu.memref_slice %arg2[%dma_wait3A_227, %dma_wait3A_228] : memref<100000x16xf32, #tpu.memory_space<hbm>> -> memref<100000x16xf32, #tpu.memory_space<hbm>>
      tpu.wait_indirect_dma semaphore(%arg15 : memref<!tpu.dma_semaphore, #tpu.memory_space<semaphore_mem>>) src(%dma_wait3A_229 : memref<100000x16xf32, #tpu.memory_space<hbm>>) dst(%dma_wait3A_223 : memref<128x16xf32, #tpu.memory_space<vmem>>)
      %dma_wait3A_230 = arith.constant 1 : i32
      %dma_wait3A_231 = arith.constant 128 : i32
      %dma_wait3A_232 = arith.constant 0 : i32
      %dma_wait3A_233 = tpu.memref_slice %arg11[%dma_wait3A_231, %dma_wait3A_232] : memref<640x16xf32, #tpu.memory_space<vmem>> -> memref<128x16xf32, #tpu.memory_space<vmem>>
      %dma_wait3A_234 = arith.constant 0 : i32
      %dma_wait3A_235 = tpu.memref_slice %arg9[%dma_wait3A_230, %dma_wait3A_234] : memref<5x128xi32, #tpu.memory_space<vmem>> -> memref<1x128xi32, #tpu.memory_space<vmem>>
      %dma_wait3A_236 = tpu.memref_squeeze %dma_wait3A_235 : memref<1x128xi32, #tpu.memory_space<vmem>> -> memref<128xi32, #tpu.memory_space<vmem>>
      %dma_wait3A_237 = arith.constant 0 : i32
      %dma_wait3A_238 = arith.constant 0 : i32
      %dma_wait3A_239 = tpu.memref_slice %arg2[%dma_wait3A_237, %dma_wait3A_238] : memref<100000x16xf32, #tpu.memory_space<hbm>> -> memref<100000x16xf32, #tpu.memory_space<hbm>>
      tpu.wait_indirect_dma semaphore(%arg15 : memref<!tpu.dma_semaphore, #tpu.memory_space<semaphore_mem>>) src(%dma_wait3A_239 : memref<100000x16xf32, #tpu.memory_space<hbm>>) dst(%dma_wait3A_233 : memref<128x16xf32, #tpu.memory_space<vmem>>)
      %dma_wait3A_240 = arith.constant 2 : i32
      %dma_wait3A_241 = arith.constant 256 : i32
      %dma_wait3A_242 = arith.constant 0 : i32
      %dma_wait3A_243 = tpu.memref_slice %arg10[%dma_wait3A_241, %dma_wait3A_242] : memref<640x16xf32, #tpu.memory_space<vmem>> -> memref<128x16xf32, #tpu.memory_space<vmem>>
      %dma_wait3A_244 = arith.constant 0 : i32
      %dma_wait3A_245 = tpu.memref_slice %arg8[%dma_wait3A_240, %dma_wait3A_244] : memref<5x128xi32, #tpu.memory_space<vmem>> -> memref<1x128xi32, #tpu.memory_space<vmem>>
      %dma_wait3A_246 = tpu.memref_squeeze %dma_wait3A_245 : memref<1x128xi32, #tpu.memory_space<vmem>> -> memref<128xi32, #tpu.memory_space<vmem>>
      %dma_wait3A_247 = arith.constant 0 : i32
      %dma_wait3A_248 = arith.constant 0 : i32
      %dma_wait3A_249 = tpu.memref_slice %arg2[%dma_wait3A_247, %dma_wait3A_248] : memref<100000x16xf32, #tpu.memory_space<hbm>> -> memref<100000x16xf32, #tpu.memory_space<hbm>>
      tpu.wait_indirect_dma semaphore(%arg15 : memref<!tpu.dma_semaphore, #tpu.memory_space<semaphore_mem>>) src(%dma_wait3A_249 : memref<100000x16xf32, #tpu.memory_space<hbm>>) dst(%dma_wait3A_243 : memref<128x16xf32, #tpu.memory_space<vmem>>)
      %dma_wait3A_250 = arith.constant 2 : i32
      %dma_wait3A_251 = arith.constant 256 : i32
      %dma_wait3A_252 = arith.constant 0 : i32
      %dma_wait3A_253 = tpu.memref_slice %arg11[%dma_wait3A_251, %dma_wait3A_252] : memref<640x16xf32, #tpu.memory_space<vmem>> -> memref<128x16xf32, #tpu.memory_space<vmem>>
      %dma_wait3A_254 = arith.constant 0 : i32
      %dma_wait3A_255 = tpu.memref_slice %arg9[%dma_wait3A_250, %dma_wait3A_254] : memref<5x128xi32, #tpu.memory_space<vmem>> -> memref<1x128xi32, #tpu.memory_space<vmem>>
      %dma_wait3A_256 = tpu.memref_squeeze %dma_wait3A_255 : memref<1x128xi32, #tpu.memory_space<vmem>> -> memref<128xi32, #tpu.memory_space<vmem>>
      %dma_wait3A_257 = arith.constant 0 : i32
      %dma_wait3A_258 = arith.constant 0 : i32
      %dma_wait3A_259 = tpu.memref_slice %arg2[%dma_wait3A_257, %dma_wait3A_258] : memref<100000x16xf32, #tpu.memory_space<hbm>> -> memref<100000x16xf32, #tpu.memory_space<hbm>>
      tpu.wait_indirect_dma semaphore(%arg15 : memref<!tpu.dma_semaphore, #tpu.memory_space<semaphore_mem>>) src(%dma_wait3A_259 : memref<100000x16xf32, #tpu.memory_space<hbm>>) dst(%dma_wait3A_253 : memref<128x16xf32, #tpu.memory_space<vmem>>)
      %dma_wait3A_260 = arith.constant 3 : i32
      %dma_wait3A_261 = arith.constant 384 : i32
      %dma_wait3A_262 = arith.constant 0 : i32
      %dma_wait3A_263 = tpu.memref_slice %arg10[%dma_wait3A_261, %dma_wait3A_262] : memref<640x16xf32, #tpu.memory_space<vmem>> -> memref<128x16xf32, #tpu.memory_space<vmem>>
      %dma_wait3A_264 = arith.constant 0 : i32
      %dma_wait3A_265 = tpu.memref_slice %arg8[%dma_wait3A_260, %dma_wait3A_264] : memref<5x128xi32, #tpu.memory_space<vmem>> -> memref<1x128xi32, #tpu.memory_space<vmem>>
      %dma_wait3A_266 = tpu.memref_squeeze %dma_wait3A_265 : memref<1x128xi32, #tpu.memory_space<vmem>> -> memref<128xi32, #tpu.memory_space<vmem>>
      %dma_wait3A_267 = arith.constant 0 : i32
      %dma_wait3A_268 = arith.constant 0 : i32
      %dma_wait3A_269 = tpu.memref_slice %arg2[%dma_wait3A_267, %dma_wait3A_268] : memref<100000x16xf32, #tpu.memory_space<hbm>> -> memref<100000x16xf32, #tpu.memory_space<hbm>>
      tpu.wait_indirect_dma semaphore(%arg15 : memref<!tpu.dma_semaphore, #tpu.memory_space<semaphore_mem>>) src(%dma_wait3A_269 : memref<100000x16xf32, #tpu.memory_space<hbm>>) dst(%dma_wait3A_263 : memref<128x16xf32, #tpu.memory_space<vmem>>)
      %dma_wait3A_270 = arith.constant 3 : i32
      %dma_wait3A_271 = arith.constant 384 : i32
      %dma_wait3A_272 = arith.constant 0 : i32
      %dma_wait3A_273 = tpu.memref_slice %arg11[%dma_wait3A_271, %dma_wait3A_272] : memref<640x16xf32, #tpu.memory_space<vmem>> -> memref<128x16xf32, #tpu.memory_space<vmem>>
      %dma_wait3A_274 = arith.constant 0 : i32
      %dma_wait3A_275 = tpu.memref_slice %arg9[%dma_wait3A_270, %dma_wait3A_274] : memref<5x128xi32, #tpu.memory_space<vmem>> -> memref<1x128xi32, #tpu.memory_space<vmem>>
      %dma_wait3A_276 = tpu.memref_squeeze %dma_wait3A_275 : memref<1x128xi32, #tpu.memory_space<vmem>> -> memref<128xi32, #tpu.memory_space<vmem>>
      %dma_wait3A_277 = arith.constant 0 : i32
      %dma_wait3A_278 = arith.constant 0 : i32
      %dma_wait3A_279 = tpu.memref_slice %arg2[%dma_wait3A_277, %dma_wait3A_278] : memref<100000x16xf32, #tpu.memory_space<hbm>> -> memref<100000x16xf32, #tpu.memory_space<hbm>>
      tpu.wait_indirect_dma semaphore(%arg15 : memref<!tpu.dma_semaphore, #tpu.memory_space<semaphore_mem>>) src(%dma_wait3A_279 : memref<100000x16xf32, #tpu.memory_space<hbm>>) dst(%dma_wait3A_273 : memref<128x16xf32, #tpu.memory_space<vmem>>)
      %dma_wait3A_280 = arith.constant 4 : i32
      %dma_wait3A_281 = arith.constant 512 : i32
      %dma_wait3A_282 = arith.constant 0 : i32
      %dma_wait3A_283 = tpu.memref_slice %arg10[%dma_wait3A_281, %dma_wait3A_282] : memref<640x16xf32, #tpu.memory_space<vmem>> -> memref<128x16xf32, #tpu.memory_space<vmem>>
      %dma_wait3A_284 = arith.constant 0 : i32
      %dma_wait3A_285 = tpu.memref_slice %arg8[%dma_wait3A_280, %dma_wait3A_284] : memref<5x128xi32, #tpu.memory_space<vmem>> -> memref<1x128xi32, #tpu.memory_space<vmem>>
      %dma_wait3A_286 = tpu.memref_squeeze %dma_wait3A_285 : memref<1x128xi32, #tpu.memory_space<vmem>> -> memref<128xi32, #tpu.memory_space<vmem>>
      %dma_wait3A_287 = arith.constant 0 : i32
      %dma_wait3A_288 = arith.constant 0 : i32
      %dma_wait3A_289 = tpu.memref_slice %arg2[%dma_wait3A_287, %dma_wait3A_288] : memref<100000x16xf32, #tpu.memory_space<hbm>> -> memref<100000x16xf32, #tpu.memory_space<hbm>>
      tpu.wait_indirect_dma semaphore(%arg15 : memref<!tpu.dma_semaphore, #tpu.memory_space<semaphore_mem>>) src(%dma_wait3A_289 : memref<100000x16xf32, #tpu.memory_space<hbm>>) dst(%dma_wait3A_283 : memref<128x16xf32, #tpu.memory_space<vmem>>)
      %dma_wait3A_290 = arith.constant 4 : i32
      %dma_wait3A_291 = arith.constant 512 : i32
      %dma_wait3A_292 = arith.constant 0 : i32
      %dma_wait3A_293 = tpu.memref_slice %arg11[%dma_wait3A_291, %dma_wait3A_292] : memref<640x16xf32, #tpu.memory_space<vmem>> -> memref<128x16xf32, #tpu.memory_space<vmem>>
      %dma_wait3A_294 = arith.constant 0 : i32
      %dma_wait3A_295 = tpu.memref_slice %arg9[%dma_wait3A_290, %dma_wait3A_294] : memref<5x128xi32, #tpu.memory_space<vmem>> -> memref<1x128xi32, #tpu.memory_space<vmem>>
      %dma_wait3A_296 = tpu.memref_squeeze %dma_wait3A_295 : memref<1x128xi32, #tpu.memory_space<vmem>> -> memref<128xi32, #tpu.memory_space<vmem>>
      %dma_wait3A_297 = arith.constant 0 : i32
      %dma_wait3A_298 = arith.constant 0 : i32
      %dma_wait3A_299 = tpu.memref_slice %arg2[%dma_wait3A_297, %dma_wait3A_298] : memref<100000x16xf32, #tpu.memory_space<hbm>> -> memref<100000x16xf32, #tpu.memory_space<hbm>>
      tpu.wait_indirect_dma semaphore(%arg15 : memref<!tpu.dma_semaphore, #tpu.memory_space<semaphore_mem>>) src(%dma_wait3A_299 : memref<100000x16xf32, #tpu.memory_space<hbm>>) dst(%dma_wait3A_293 : memref<128x16xf32, #tpu.memory_space<vmem>>)
      %mul3A_300 = arith.constant 640 : i32
      %mul3A_301 = arith.muli %add3A_97, %mul3A_300 : i32
      %jit3A_302 = arith.constant 5120 : i32
      %div3A_303 = arith.divsi %mul3A_301, %jit3A_302 : i32
      %sign3A_304 = arith.constant 0 : i32
      %sign3A_305 = arith.cmpi sgt, %mul3A_301, %sign3A_304 : i32
      %sign3A_306 = arith.extui %sign3A_305 : i1 to i32
      %sign3A_307 = arith.constant 0 : i32
      %sign3A_308 = arith.cmpi slt, %mul3A_301, %sign3A_307 : i32
      %sign3A_309 = arith.extui %sign3A_308 : i1 to i32
      %sign3A_310 = arith.subi %sign3A_306, %sign3A_309 : i32
      %sign3A_311 = arith.constant 0 : i32
      %sign3A_312 = arith.cmpi sgt, %jit3A_302, %sign3A_311 : i32
      %sign3A_313 = arith.extui %sign3A_312 : i1 to i32
      %sign3A_314 = arith.constant 0 : i32
      %sign3A_315 = arith.cmpi slt, %jit3A_302, %sign3A_314 : i32
      %sign3A_316 = arith.extui %sign3A_315 : i1 to i32
      %sign3A_317 = arith.subi %sign3A_313, %sign3A_316 : i32
      %ne3A_318 = arith.cmpi ne, %sign3A_310, %sign3A_317 : i32
      %rem3A_319 = arith.remsi %mul3A_301, %jit3A_302 : i32
      %ne3A_320 = arith.constant 0 : i32
      %ne3A_321 = arith.cmpi ne, %rem3A_319, %ne3A_320 : i32
      %and3A_322 = arith.andi %ne3A_318, %ne3A_321 : i1
      %sub3A_323 = arith.constant 1 : i32
      %sub3A_324 = arith.subi %div3A_303, %sub3A_323 : i32
      %select_n3A_325 = arith.select %and3A_322, %sub3A_324, %div3A_303 : i32
      %jit3A_326 = arith.constant 5120 : i32
      %eq3A = arith.constant 0 : i32
      %eq3A_327 = arith.cmpi eq, %jit3A_326, %eq3A : i32
      %jit3A_328 = arith.constant 1 : i32
      %select_n3A_329 = arith.select %eq3A_327, %jit3A_328, %jit3A_326 : i32
      %rem3A_330 = arith.remsi %mul3A_301, %select_n3A_329 : i32
      %ne3A_331 = arith.constant 0 : i32
      %ne3A_332 = arith.cmpi ne, %rem3A_330, %ne3A_331 : i32
      %lt3A = arith.constant 0 : i32
      %lt3A_333 = arith.cmpi slt, %rem3A_330, %lt3A : i32
      %lt3A_334 = arith.constant 0 : i32
      %lt3A_335 = arith.cmpi slt, %select_n3A_329, %lt3A_334 : i32
      %ne3A_336 = arith.xori %lt3A_333, %lt3A_335 : i1
      %and3A_337 = arith.andi %ne3A_336, %ne3A_332 : i1
      %add3A_338 = arith.addi %rem3A_330, %select_n3A_329 : i32
      %select_n3A_339 = arith.select %and3A_337, %add3A_338, %rem3A_330 : i32
      %jit3A_340 = arith.constant 640 : i32
      %div3A_341 = arith.divsi %select_n3A_339, %jit3A_340 : i32
      %sign3A_342 = arith.constant 0 : i32
      %sign3A_343 = arith.cmpi sgt, %select_n3A_339, %sign3A_342 : i32
      %sign3A_344 = arith.extui %sign3A_343 : i1 to i32
      %sign3A_345 = arith.constant 0 : i32
      %sign3A_346 = arith.cmpi slt, %select_n3A_339, %sign3A_345 : i32
      %sign3A_347 = arith.extui %sign3A_346 : i1 to i32
      %sign3A_348 = arith.subi %sign3A_344, %sign3A_347 : i32
      %sign3A_349 = arith.constant 0 : i32
      %sign3A_350 = arith.cmpi sgt, %jit3A_340, %sign3A_349 : i32
      %sign3A_351 = arith.extui %sign3A_350 : i1 to i32
      %sign3A_352 = arith.constant 0 : i32
      %sign3A_353 = arith.cmpi slt, %jit3A_340, %sign3A_352 : i32
      %sign3A_354 = arith.extui %sign3A_353 : i1 to i32
      %sign3A_355 = arith.subi %sign3A_351, %sign3A_354 : i32
      %ne3A_356 = arith.cmpi ne, %sign3A_348, %sign3A_355 : i32
      %rem3A_357 = arith.remsi %select_n3A_339, %jit3A_340 : i32
      %ne3A_358 = arith.constant 0 : i32
      %ne3A_359 = arith.cmpi ne, %rem3A_357, %ne3A_358 : i32
      %and3A_360 = arith.andi %ne3A_356, %ne3A_359 : i1
      %sub3A_361 = arith.constant 1 : i32
      %sub3A_362 = arith.subi %div3A_341, %sub3A_361 : i32
      %select_n3A_363 = arith.select %and3A_360, %sub3A_362, %div3A_341 : i32
      %jit3A_364 = arith.constant 640 : i32
      %eq3A_365 = arith.constant 0 : i32
      %eq3A_366 = arith.cmpi eq, %jit3A_364, %eq3A_365 : i32
      %jit3A_367 = arith.constant 1 : i32
      %select_n3A_368 = arith.select %eq3A_366, %jit3A_367, %jit3A_364 : i32
      %rem3A_369 = arith.remsi %select_n3A_339, %select_n3A_368 : i32
      %ne3A_370 = arith.constant 0 : i32
      %ne3A_371 = arith.cmpi ne, %rem3A_369, %ne3A_370 : i32
      %lt3A_372 = arith.constant 0 : i32
      %lt3A_373 = arith.cmpi slt, %rem3A_369, %lt3A_372 : i32
      %lt3A_374 = arith.constant 0 : i32
      %lt3A_375 = arith.cmpi slt, %select_n3A_368, %lt3A_374 : i32
      %ne3A_376 = arith.xori %lt3A_373, %lt3A_375 : i1
      %and3A_377 = arith.andi %ne3A_376, %ne3A_371 : i1
      %add3A_378 = arith.addi %rem3A_369, %select_n3A_368 : i32
      %select_n3A_379 = arith.select %and3A_377, %add3A_378, %rem3A_369 : i32
      %mul3A_380 = arith.constant 640 : i32
      %mul3A_381 = arith.muli %select_n3A_325, %mul3A_380 : i32
      %add3A_382 = arith.addi %mul3A_381, %select_n3A_379 : i32
      %mul3A_383 = arith.constant 16 : i32
      %mul3A_384 = arith.muli %select_n3A_363, %mul3A_383 : i32
      %dma_start3A_385 = tpu.memref_slice %arg5[%add3A_382, %mul3A_384] : memref<400000x128xf32, #tpu.memory_space<hbm>> -> memref<640x16xf32, #tpu.memory_space<hbm>>
      %dma_start3A_386 = tpu.memref_slice %arg5[%add3A_382, %mul3A_384] : memref<400000x128xf32, #tpu.memory_space<hbm>> -> memref<640x16xf32, #tpu.memory_space<hbm>>
      tpu.enqueue_dma source(%arg10 : memref<640x16xf32, #tpu.memory_space<vmem>>) target(%dma_start3A_386 : memref<640x16xf32, #tpu.memory_space<hbm>>) target_semaphore(%arg16 : memref<!tpu.dma_semaphore, #tpu.memory_space<semaphore_mem>>)
      %mul3A_387 = arith.constant 640 : i32
      %mul3A_388 = arith.muli %add3A_97, %mul3A_387 : i32
      %jit3A_389 = arith.constant 5120 : i32
      %div3A_390 = arith.divsi %mul3A_388, %jit3A_389 : i32
      %sign3A_391 = arith.constant 0 : i32
      %sign3A_392 = arith.cmpi sgt, %mul3A_388, %sign3A_391 : i32
      %sign3A_393 = arith.extui %sign3A_392 : i1 to i32
      %sign3A_394 = arith.constant 0 : i32
      %sign3A_395 = arith.cmpi slt, %mul3A_388, %sign3A_394 : i32
      %sign3A_396 = arith.extui %sign3A_395 : i1 to i32
      %sign3A_397 = arith.subi %sign3A_393, %sign3A_396 : i32
      %sign3A_398 = arith.constant 0 : i32
      %sign3A_399 = arith.cmpi sgt, %jit3A_389, %sign3A_398 : i32
      %sign3A_400 = arith.extui %sign3A_399 : i1 to i32
      %sign3A_401 = arith.constant 0 : i32
      %sign3A_402 = arith.cmpi slt, %jit3A_389, %sign3A_401 : i32
      %sign3A_403 = arith.extui %sign3A_402 : i1 to i32
      %sign3A_404 = arith.subi %sign3A_400, %sign3A_403 : i32
      %ne3A_405 = arith.cmpi ne, %sign3A_397, %sign3A_404 : i32
      %rem3A_406 = arith.remsi %mul3A_388, %jit3A_389 : i32
      %ne3A_407 = arith.constant 0 : i32
      %ne3A_408 = arith.cmpi ne, %rem3A_406, %ne3A_407 : i32
      %and3A_409 = arith.andi %ne3A_405, %ne3A_408 : i1
      %sub3A_410 = arith.constant 1 : i32
      %sub3A_411 = arith.subi %div3A_390, %sub3A_410 : i32
      %select_n3A_412 = arith.select %and3A_409, %sub3A_411, %div3A_390 : i32
      %jit3A_413 = arith.constant 5120 : i32
      %eq3A_414 = arith.constant 0 : i32
      %eq3A_415 = arith.cmpi eq, %jit3A_413, %eq3A_414 : i32
      %jit3A_416 = arith.constant 1 : i32
      %select_n3A_417 = arith.select %eq3A_415, %jit3A_416, %jit3A_413 : i32
      %rem3A_418 = arith.remsi %mul3A_388, %select_n3A_417 : i32
      %ne3A_419 = arith.constant 0 : i32
      %ne3A_420 = arith.cmpi ne, %rem3A_418, %ne3A_419 : i32
      %lt3A_421 = arith.constant 0 : i32
      %lt3A_422 = arith.cmpi slt, %rem3A_418, %lt3A_421 : i32
      %lt3A_423 = arith.constant 0 : i32
      %lt3A_424 = arith.cmpi slt, %select_n3A_417, %lt3A_423 : i32
      %ne3A_425 = arith.xori %lt3A_422, %lt3A_424 : i1
      %and3A_426 = arith.andi %ne3A_425, %ne3A_420 : i1
      %add3A_427 = arith.addi %rem3A_418, %select_n3A_417 : i32
      %select_n3A_428 = arith.select %and3A_426, %add3A_427, %rem3A_418 : i32
      %jit3A_429 = arith.constant 640 : i32
      %div3A_430 = arith.divsi %select_n3A_428, %jit3A_429 : i32
      %sign3A_431 = arith.constant 0 : i32
      %sign3A_432 = arith.cmpi sgt, %select_n3A_428, %sign3A_431 : i32
      %sign3A_433 = arith.extui %sign3A_432 : i1 to i32
      %sign3A_434 = arith.constant 0 : i32
      %sign3A_435 = arith.cmpi slt, %select_n3A_428, %sign3A_434 : i32
      %sign3A_436 = arith.extui %sign3A_435 : i1 to i32
      %sign3A_437 = arith.subi %sign3A_433, %sign3A_436 : i32
      %sign3A_438 = arith.constant 0 : i32
      %sign3A_439 = arith.cmpi sgt, %jit3A_429, %sign3A_438 : i32
      %sign3A_440 = arith.extui %sign3A_439 : i1 to i32
      %sign3A_441 = arith.constant 0 : i32
      %sign3A_442 = arith.cmpi slt, %jit3A_429, %sign3A_441 : i32
      %sign3A_443 = arith.extui %sign3A_442 : i1 to i32
      %sign3A_444 = arith.subi %sign3A_440, %sign3A_443 : i32
      %ne3A_445 = arith.cmpi ne, %sign3A_437, %sign3A_444 : i32
      %rem3A_446 = arith.remsi %select_n3A_428, %jit3A_429 : i32
      %ne3A_447 = arith.constant 0 : i32
      %ne3A_448 = arith.cmpi ne, %rem3A_446, %ne3A_447 : i32
      %and3A_449 = arith.andi %ne3A_445, %ne3A_448 : i1
      %sub3A_450 = arith.constant 1 : i32
      %sub3A_451 = arith.subi %div3A_430, %sub3A_450 : i32
      %select_n3A_452 = arith.select %and3A_449, %sub3A_451, %div3A_430 : i32
      %jit3A_453 = arith.constant 640 : i32
      %eq3A_454 = arith.constant 0 : i32
      %eq3A_455 = arith.cmpi eq, %jit3A_453, %eq3A_454 : i32
      %jit3A_456 = arith.constant 1 : i32
      %select_n3A_457 = arith.select %eq3A_455, %jit3A_456, %jit3A_453 : i32
      %rem3A_458 = arith.remsi %select_n3A_428, %select_n3A_457 : i32
      %ne3A_459 = arith.constant 0 : i32
      %ne3A_460 = arith.cmpi ne, %rem3A_458, %ne3A_459 : i32
      %lt3A_461 = arith.constant 0 : i32
      %lt3A_462 = arith.cmpi slt, %rem3A_458, %lt3A_461 : i32
      %lt3A_463 = arith.constant 0 : i32
      %lt3A_464 = arith.cmpi slt, %select_n3A_457, %lt3A_463 : i32
      %ne3A_465 = arith.xori %lt3A_462, %lt3A_464 : i1
      %and3A_466 = arith.andi %ne3A_465, %ne3A_460 : i1
      %add3A_467 = arith.addi %rem3A_458, %select_n3A_457 : i32
      %select_n3A_468 = arith.select %and3A_466, %add3A_467, %rem3A_458 : i32
      %mul3A_469 = arith.constant 640 : i32
      %mul3A_470 = arith.muli %select_n3A_412, %mul3A_469 : i32
      %add3A_471 = arith.addi %mul3A_470, %select_n3A_468 : i32
      %mul3A_472 = arith.constant 16 : i32
      %mul3A_473 = arith.muli %select_n3A_452, %mul3A_472 : i32
      %dma_start3A_474 = tpu.memref_slice %arg6[%add3A_471, %mul3A_473] : memref<400000x128xf32, #tpu.memory_space<hbm>> -> memref<640x16xf32, #tpu.memory_space<hbm>>
      %dma_start3A_475 = tpu.memref_slice %arg6[%add3A_471, %mul3A_473] : memref<400000x128xf32, #tpu.memory_space<hbm>> -> memref<640x16xf32, #tpu.memory_space<hbm>>
      tpu.enqueue_dma source(%arg11 : memref<640x16xf32, #tpu.memory_space<vmem>>) target(%dma_start3A_475 : memref<640x16xf32, #tpu.memory_space<hbm>>) target_semaphore(%arg16 : memref<!tpu.dma_semaphore, #tpu.memory_space<semaphore_mem>>)
      %dma_start3A_476 = arith.constant 0 : i32
      %dma_start3A_477 = arith.constant 0 : i32
      %dma_start3A_478 = tpu.memref_slice %arg8[%dma_start3A_476, %dma_start3A_477] : memref<5x128xi32, #tpu.memory_space<vmem>> -> memref<1x128xi32, #tpu.memory_space<vmem>>
      %dma_start3A_479 = tpu.memref_squeeze %dma_start3A_478 : memref<1x128xi32, #tpu.memory_space<vmem>> -> memref<128xi32, #tpu.memory_space<vmem>>
      %dma_start3A_480 = arith.constant 0 : i32
      %dma_start3A_481 = tpu.memref_slice %arg14[%dma_start3A_480] : memref<100096xf32, #tpu.memory_space<vmem_shared>> -> memref<100096xf32, #tpu.memory_space<vmem_shared>>
      tpu.enqueue_indirect_dma source(%arg12 : memref<128xf32, #tpu.memory_space<vmem>>) target(%dma_start3A_481 : memref<100096xf32, #tpu.memory_space<vmem_shared>>) offsets(%dma_start3A_479 : memref<128xi32, #tpu.memory_space<vmem>>) semaphore(%arg17 : memref<!tpu.dma_semaphore, #tpu.memory_space<semaphore_mem>>) {add = true}
      %dma_start3A_482 = arith.constant 1 : i32
      %dma_start3A_483 = arith.constant 0 : i32
      %dma_start3A_484 = tpu.memref_slice %arg8[%dma_start3A_482, %dma_start3A_483] : memref<5x128xi32, #tpu.memory_space<vmem>> -> memref<1x128xi32, #tpu.memory_space<vmem>>
      %dma_start3A_485 = tpu.memref_squeeze %dma_start3A_484 : memref<1x128xi32, #tpu.memory_space<vmem>> -> memref<128xi32, #tpu.memory_space<vmem>>
      %dma_start3A_486 = arith.constant 0 : i32
      %dma_start3A_487 = tpu.memref_slice %arg14[%dma_start3A_486] : memref<100096xf32, #tpu.memory_space<vmem_shared>> -> memref<100096xf32, #tpu.memory_space<vmem_shared>>
      tpu.enqueue_indirect_dma source(%arg12 : memref<128xf32, #tpu.memory_space<vmem>>) target(%dma_start3A_487 : memref<100096xf32, #tpu.memory_space<vmem_shared>>) offsets(%dma_start3A_485 : memref<128xi32, #tpu.memory_space<vmem>>) semaphore(%arg17 : memref<!tpu.dma_semaphore, #tpu.memory_space<semaphore_mem>>) {add = true}
      %dma_start3A_488 = arith.constant 2 : i32
      %dma_start3A_489 = arith.constant 0 : i32
      %dma_start3A_490 = tpu.memref_slice %arg8[%dma_start3A_488, %dma_start3A_489] : memref<5x128xi32, #tpu.memory_space<vmem>> -> memref<1x128xi32, #tpu.memory_space<vmem>>
      %dma_start3A_491 = tpu.memref_squeeze %dma_start3A_490 : memref<1x128xi32, #tpu.memory_space<vmem>> -> memref<128xi32, #tpu.memory_space<vmem>>
      %dma_start3A_492 = arith.constant 0 : i32
      %dma_start3A_493 = tpu.memref_slice %arg14[%dma_start3A_492] : memref<100096xf32, #tpu.memory_space<vmem_shared>> -> memref<100096xf32, #tpu.memory_space<vmem_shared>>
      tpu.enqueue_indirect_dma source(%arg12 : memref<128xf32, #tpu.memory_space<vmem>>) target(%dma_start3A_493 : memref<100096xf32, #tpu.memory_space<vmem_shared>>) offsets(%dma_start3A_491 : memref<128xi32, #tpu.memory_space<vmem>>) semaphore(%arg17 : memref<!tpu.dma_semaphore, #tpu.memory_space<semaphore_mem>>) {add = true}
      %dma_start3A_494 = arith.constant 3 : i32
      %dma_start3A_495 = arith.constant 0 : i32
      %dma_start3A_496 = tpu.memref_slice %arg8[%dma_start3A_494, %dma_start3A_495] : memref<5x128xi32, #tpu.memory_space<vmem>> -> memref<1x128xi32, #tpu.memory_space<vmem>>
      %dma_start3A_497 = tpu.memref_squeeze %dma_start3A_496 : memref<1x128xi32, #tpu.memory_space<vmem>> -> memref<128xi32, #tpu.memory_space<vmem>>
      %dma_start3A_498 = arith.constant 0 : i32
      %dma_start3A_499 = tpu.memref_slice %arg14[%dma_start3A_498] : memref<100096xf32, #tpu.memory_space<vmem_shared>> -> memref<100096xf32, #tpu.memory_space<vmem_shared>>
      tpu.enqueue_indirect_dma source(%arg12 : memref<128xf32, #tpu.memory_space<vmem>>) target(%dma_start3A_499 : memref<100096xf32, #tpu.memory_space<vmem_shared>>) offsets(%dma_start3A_497 : memref<128xi32, #tpu.memory_space<vmem>>) semaphore(%arg17 : memref<!tpu.dma_semaphore, #tpu.memory_space<semaphore_mem>>) {add = true}
      %dma_start3A_500 = arith.constant 4 : i32
      %dma_start3A_501 = arith.constant 0 : i32
      %dma_start3A_502 = tpu.memref_slice %arg8[%dma_start3A_500, %dma_start3A_501] : memref<5x128xi32, #tpu.memory_space<vmem>> -> memref<1x128xi32, #tpu.memory_space<vmem>>
      %dma_start3A_503 = tpu.memref_squeeze %dma_start3A_502 : memref<1x128xi32, #tpu.memory_space<vmem>> -> memref<128xi32, #tpu.memory_space<vmem>>
      %dma_start3A_504 = arith.constant 0 : i32
      %dma_start3A_505 = tpu.memref_slice %arg14[%dma_start3A_504] : memref<100096xf32, #tpu.memory_space<vmem_shared>> -> memref<100096xf32, #tpu.memory_space<vmem_shared>>
      tpu.enqueue_indirect_dma source(%arg12 : memref<128xf32, #tpu.memory_space<vmem>>) target(%dma_start3A_505 : memref<100096xf32, #tpu.memory_space<vmem_shared>>) offsets(%dma_start3A_503 : memref<128xi32, #tpu.memory_space<vmem>>) semaphore(%arg17 : memref<!tpu.dma_semaphore, #tpu.memory_space<semaphore_mem>>) {add = true}
      %dma_wait3A_506 = tpu.memref_slice %arg5[%add3A_382, %mul3A_384] : memref<400000x128xf32, #tpu.memory_space<hbm>> -> memref<640x16xf32, #tpu.memory_space<hbm>>
      %dma_wait3A_507 = tpu.memref_slice %arg5[%add3A_382, %mul3A_384] : memref<400000x128xf32, #tpu.memory_space<hbm>> -> memref<640x16xf32, #tpu.memory_space<hbm>>
      tpu.wait_dma2 semaphore(%arg16 : memref<!tpu.dma_semaphore, #tpu.memory_space<semaphore_mem>>) src(%arg10 : memref<640x16xf32, #tpu.memory_space<vmem>>) dst(%dma_wait3A_507 : memref<640x16xf32, #tpu.memory_space<hbm>>)
      %dma_wait3A_508 = tpu.memref_slice %arg6[%add3A_471, %mul3A_473] : memref<400000x128xf32, #tpu.memory_space<hbm>> -> memref<640x16xf32, #tpu.memory_space<hbm>>
      %dma_wait3A_509 = tpu.memref_slice %arg6[%add3A_471, %mul3A_473] : memref<400000x128xf32, #tpu.memory_space<hbm>> -> memref<640x16xf32, #tpu.memory_space<hbm>>
      tpu.wait_dma2 semaphore(%arg16 : memref<!tpu.dma_semaphore, #tpu.memory_space<semaphore_mem>>) src(%arg11 : memref<640x16xf32, #tpu.memory_space<vmem>>) dst(%dma_wait3A_509 : memref<640x16xf32, #tpu.memory_space<hbm>>)
      %dma_wait3A_510 = arith.constant 0 : i32
      %dma_wait3A_511 = arith.constant 0 : i32
      %dma_wait3A_512 = tpu.memref_slice %arg8[%dma_wait3A_510, %dma_wait3A_511] : memref<5x128xi32, #tpu.memory_space<vmem>> -> memref<1x128xi32, #tpu.memory_space<vmem>>
      %dma_wait3A_513 = tpu.memref_squeeze %dma_wait3A_512 : memref<1x128xi32, #tpu.memory_space<vmem>> -> memref<128xi32, #tpu.memory_space<vmem>>
      %dma_wait3A_514 = arith.constant 0 : i32
      %dma_wait3A_515 = tpu.memref_slice %arg14[%dma_wait3A_514] : memref<100096xf32, #tpu.memory_space<vmem_shared>> -> memref<100096xf32, #tpu.memory_space<vmem_shared>>
      tpu.wait_indirect_dma semaphore(%arg17 : memref<!tpu.dma_semaphore, #tpu.memory_space<semaphore_mem>>) src(%arg12 : memref<128xf32, #tpu.memory_space<vmem>>) dst(%dma_wait3A_515 : memref<100096xf32, #tpu.memory_space<vmem_shared>>)
      %dma_wait3A_516 = arith.constant 1 : i32
      %dma_wait3A_517 = arith.constant 0 : i32
      %dma_wait3A_518 = tpu.memref_slice %arg8[%dma_wait3A_516, %dma_wait3A_517] : memref<5x128xi32, #tpu.memory_space<vmem>> -> memref<1x128xi32, #tpu.memory_space<vmem>>
      %dma_wait3A_519 = tpu.memref_squeeze %dma_wait3A_518 : memref<1x128xi32, #tpu.memory_space<vmem>> -> memref<128xi32, #tpu.memory_space<vmem>>
      %dma_wait3A_520 = arith.constant 0 : i32
      %dma_wait3A_521 = tpu.memref_slice %arg14[%dma_wait3A_520] : memref<100096xf32, #tpu.memory_space<vmem_shared>> -> memref<100096xf32, #tpu.memory_space<vmem_shared>>
      tpu.wait_indirect_dma semaphore(%arg17 : memref<!tpu.dma_semaphore, #tpu.memory_space<semaphore_mem>>) src(%arg12 : memref<128xf32, #tpu.memory_space<vmem>>) dst(%dma_wait3A_521 : memref<100096xf32, #tpu.memory_space<vmem_shared>>)
      %dma_wait3A_522 = arith.constant 2 : i32
      %dma_wait3A_523 = arith.constant 0 : i32
      %dma_wait3A_524 = tpu.memref_slice %arg8[%dma_wait3A_522, %dma_wait3A_523] : memref<5x128xi32, #tpu.memory_space<vmem>> -> memref<1x128xi32, #tpu.memory_space<vmem>>
      %dma_wait3A_525 = tpu.memref_squeeze %dma_wait3A_524 : memref<1x128xi32, #tpu.memory_space<vmem>> -> memref<128xi32, #tpu.memory_space<vmem>>
      %dma_wait3A_526 = arith.constant 0 : i32
      %dma_wait3A_527 = tpu.memref_slice %arg14[%dma_wait3A_526] : memref<100096xf32, #tpu.memory_space<vmem_shared>> -> memref<100096xf32, #tpu.memory_space<vmem_shared>>
      tpu.wait_indirect_dma semaphore(%arg17 : memref<!tpu.dma_semaphore, #tpu.memory_space<semaphore_mem>>) src(%arg12 : memref<128xf32, #tpu.memory_space<vmem>>) dst(%dma_wait3A_527 : memref<100096xf32, #tpu.memory_space<vmem_shared>>)
      %dma_wait3A_528 = arith.constant 3 : i32
      %dma_wait3A_529 = arith.constant 0 : i32
      %dma_wait3A_530 = tpu.memref_slice %arg8[%dma_wait3A_528, %dma_wait3A_529] : memref<5x128xi32, #tpu.memory_space<vmem>> -> memref<1x128xi32, #tpu.memory_space<vmem>>
      %dma_wait3A_531 = tpu.memref_squeeze %dma_wait3A_530 : memref<1x128xi32, #tpu.memory_space<vmem>> -> memref<128xi32, #tpu.memory_space<vmem>>
      %dma_wait3A_532 = arith.constant 0 : i32
      %dma_wait3A_533 = tpu.memref_slice %arg14[%dma_wait3A_532] : memref<100096xf32, #tpu.memory_space<vmem_shared>> -> memref<100096xf32, #tpu.memory_space<vmem_shared>>
      tpu.wait_indirect_dma semaphore(%arg17 : memref<!tpu.dma_semaphore, #tpu.memory_space<semaphore_mem>>) src(%arg12 : memref<128xf32, #tpu.memory_space<vmem>>) dst(%dma_wait3A_533 : memref<100096xf32, #tpu.memory_space<vmem_shared>>)
      %dma_wait3A_534 = arith.constant 4 : i32
      %dma_wait3A_535 = arith.constant 0 : i32
      %dma_wait3A_536 = tpu.memref_slice %arg8[%dma_wait3A_534, %dma_wait3A_535] : memref<5x128xi32, #tpu.memory_space<vmem>> -> memref<1x128xi32, #tpu.memory_space<vmem>>
      %dma_wait3A_537 = tpu.memref_squeeze %dma_wait3A_536 : memref<1x128xi32, #tpu.memory_space<vmem>> -> memref<128xi32, #tpu.memory_space<vmem>>
      %dma_wait3A_538 = arith.constant 0 : i32
      %dma_wait3A_539 = tpu.memref_slice %arg14[%dma_wait3A_538] : memref<100096xf32, #tpu.memory_space<vmem_shared>> -> memref<100096xf32, #tpu.memory_space<vmem_shared>>
      tpu.wait_indirect_dma semaphore(%arg17 : memref<!tpu.dma_semaphore, #tpu.memory_space<semaphore_mem>>) src(%arg12 : memref<128xf32, #tpu.memory_space<vmem>>) dst(%dma_wait3A_539 : memref<100096xf32, #tpu.memory_space<vmem_shared>>)
    }
    %barrier3A_89 = arith.constant 0 : index
    tpu.barrier barrier_id(%barrier3A_89)
    %mul3A_90 = arith.constant 6256 : i32
    %mul3A_91 = arith.muli %arg1, %mul3A_90 : i32
    %mul3A_92 = arith.constant 6256 : i32
    %mul3A_93 = arith.muli %arg1, %mul3A_92 : i32
    "tpu.region"() ({
      %run_scoped3A = tpu.sem_alloc : memref<!tpu.dma_semaphore, #tpu.memory_space<semaphore_mem>>
      %dma_start3A = tpu.memref_slice %arg7[%arg0, %mul3A_93] : memref<2x100096xf32, #tpu.memory_space<hbm>> -> memref<1x6256xf32, #tpu.memory_space<hbm>>
      %dma_start3A_94 = tpu.memref_squeeze %dma_start3A : memref<1x6256xf32, #tpu.memory_space<hbm>> -> memref<6256xf32, #tpu.memory_space<hbm>>
      %dma_start3A_95 = tpu.memref_slice %arg14[%mul3A_91] : memref<100096xf32, #tpu.memory_space<vmem_shared>> -> memref<6256xf32, #tpu.memory_space<vmem_shared>>
      tpu.enqueue_dma source(%dma_start3A_95 : memref<6256xf32, #tpu.memory_space<vmem_shared>>) target(%dma_start3A_94 : memref<6256xf32, #tpu.memory_space<hbm>>) target_semaphore(%run_scoped3A : memref<!tpu.dma_semaphore, #tpu.memory_space<semaphore_mem>>)
      %dma_wait3A = tpu.memref_slice %arg7[%arg0, %mul3A_93] : memref<2x100096xf32, #tpu.memory_space<hbm>> -> memref<1x6256xf32, #tpu.memory_space<hbm>>
      %dma_wait3A_96 = tpu.memref_squeeze %dma_wait3A : memref<1x6256xf32, #tpu.memory_space<hbm>> -> memref<6256xf32, #tpu.memory_space<hbm>>
      %dma_wait3A_97 = tpu.memref_slice %arg14[%mul3A_91] : memref<100096xf32, #tpu.memory_space<vmem_shared>> -> memref<6256xf32, #tpu.memory_space<vmem_shared>>
      tpu.wait_dma2 semaphore(%run_scoped3A : memref<!tpu.dma_semaphore, #tpu.memory_space<semaphore_mem>>) src(%dma_wait3A_97 : memref<6256xf32, #tpu.memory_space<vmem_shared>>) dst(%dma_wait3A_96 : memref<6256xf32, #tpu.memory_space<hbm>>)
      tpu.yield
    }) : () -> ()
    return
  }
}

#map = affine_map<(d0, d1) -> (0, 0)>
#map1 = affine_map<(d0, d1) -> (0, 0, 0)>
module attributes {stable_mosaic.version = 14 : i64} {
  func.func @_scatter_body(%arg0: i32, %arg1: i32, %arg2: memref<25000x128xi32, #tpu.memory_space<hbm>>, %arg3: memref<400000x128xf32, #tpu.memory_space<hbm>>, %arg4: memref<2x100096x16xf32, #tpu.memory_space<hbm>>, %arg5: memref<5x128xi32, #tpu.memory_space<vmem>>, %arg6: memref<640x16xf32, #tpu.memory_space<vmem>>, %arg7: memref<368x16xf32, #tpu.memory_space<vmem>>, %arg8: memref<100096x16xf32, #tpu.memory_space<vmem_shared>>, %arg9: memref<!tpu.dma_semaphore, #tpu.memory_space<semaphore_mem>>) attributes {dimension_semantics = [#tpu.dimension_semantics<core_parallel>, #tpu.dimension_semantics<subcore_parallel>], iteration_bounds = array<i64: 2, 16>, scalar_prefetch = 0 : i64, scratch_operands = 5 : i64, tpu.core_type = #tpu.core_type<sc_vector_subcore>, window_params = [{transform_indices = #map}, {transform_indices = #map}, {transform_indices = #map1}]} {
    %mul3A = arith.constant 2 : i32
    %mul3A_0 = arith.muli %arg1, %mul3A : i32
    %add3A = arith.addi %mul3A_0, %arg0 : i32
    %scan3A = arith.constant 0 : i32
    %scan3A_1 = arith.constant 0 : i32
    %scan3A_2 = arith.constant 368 : i32
    %scan3A_3 = arith.addi %scan3A_1, %scan3A_2 : i32
    %scan3A_4 = arith.constant 1 : i32
    scf.for %scan3A_48 = %scan3A_1 to %scan3A_3 step %scan3A_4  : i32 {
      %broadcast_in_dim3A = arith.constant 0.000000e+00 : f32
      %broadcast_in_dim3A_49 = vector.broadcast %broadcast_in_dim3A : f32 to vector<16xf32>
      %swap3A = arith.index_cast %scan3A_48 : i32 to index
      %swap3A_50 = arith.constant 0 : index
      %swap3A_51 = tpu.vector_load %arg7[%swap3A, %swap3A_50] {strides = array<i32>} : memref<368x16xf32, #tpu.memory_space<vmem>>, vector<1x16xf32>,
      %swap3A_52 = vector.shape_cast %swap3A_51 : vector<1x16xf32> to vector<16xf32>
      %swap3A_53 = vector.shape_cast %broadcast_in_dim3A_49 : vector<16xf32> to vector<1x16xf32>
      tpu.vector_store %arg7[%swap3A, %swap3A_50], %swap3A_53 {strides = array<i32>} : memref<368x16xf32, #tpu.memory_space<vmem>>, vector<1x16xf32>,
    }
    %scan3A_5 = arith.constant 368 : i32
    %scan3A_6 = arith.constant 0 : i32
    %scan3A_7 = arith.constant 0 : i32
    %scan3A_8 = arith.constant 17 : i32
    %scan3A_9 = arith.addi %scan3A_7, %scan3A_8 : i32
    %scan3A_10 = arith.constant 1 : i32
    scf.for %scan3A_48 = %scan3A_7 to %scan3A_9 step %scan3A_10  : i32 {
      %mul3A_49 = arith.constant 6256 : i32
      %mul3A_50 = arith.muli %arg1, %mul3A_49 : i32
      %mul3A_51 = arith.constant 368 : i32
      %mul3A_52 = arith.muli %scan3A_48, %mul3A_51 : i32
      %add3A_53 = arith.addi %mul3A_50, %mul3A_52 : i32
      "tpu.region"() ({
        %run_scoped3A = tpu.sem_alloc : memref<!tpu.dma_semaphore, #tpu.memory_space<semaphore_mem>>
        %dma_start3A = arith.constant 0 : i32
        %dma_start3A_54 = tpu.memref_slice %arg8[%add3A_53, %dma_start3A] : memref<100096x16xf32, #tpu.memory_space<vmem_shared>> -> memref<368x16xf32, #tpu.memory_space<vmem_shared>>
        %dma_start3A_55 = arith.constant 0 : i32
        %dma_start3A_56 = tpu.memref_slice %arg8[%add3A_53, %dma_start3A_55] : memref<100096x16xf32, #tpu.memory_space<vmem_shared>> -> memref<368x16xf32, #tpu.memory_space<vmem_shared>>
        tpu.enqueue_dma source(%arg7 : memref<368x16xf32, #tpu.memory_space<vmem>>) target(%dma_start3A_56 : memref<368x16xf32, #tpu.memory_space<vmem_shared>>) target_semaphore(%run_scoped3A : memref<!tpu.dma_semaphore, #tpu.memory_space<semaphore_mem>>)
        %dma_wait3A = arith.constant 0 : i32
        %dma_wait3A_57 = tpu.memref_slice %arg8[%add3A_53, %dma_wait3A] : memref<100096x16xf32, #tpu.memory_space<vmem_shared>> -> memref<368x16xf32, #tpu.memory_space<vmem_shared>>
        %dma_wait3A_58 = arith.constant 0 : i32
        %dma_wait3A_59 = tpu.memref_slice %arg8[%add3A_53, %dma_wait3A_58] : memref<100096x16xf32, #tpu.memory_space<vmem_shared>> -> memref<368x16xf32, #tpu.memory_space<vmem_shared>>
        tpu.wait_dma2 semaphore(%run_scoped3A : memref<!tpu.dma_semaphore, #tpu.memory_space<semaphore_mem>>) src(%arg7 : memref<368x16xf32, #tpu.memory_space<vmem>>) dst(%dma_wait3A_59 : memref<368x16xf32, #tpu.memory_space<vmem_shared>>)
        tpu.yield
      }) : () -> ()
    }
    %scan3A_11 = arith.constant 17 : i32
    %barrier3A = arith.constant 0 : index
    tpu.barrier barrier_id(%barrier3A)
    %sub3A = arith.constant 5000 : i32
    %sub3A_12 = arith.subi %sub3A, %add3A : i32
    %add3A_13 = arith.constant 32 : i32
    %add3A_14 = arith.addi %sub3A_12, %add3A_13 : i32
    %sub3A_15 = arith.constant 1 : i32
    %sub3A_16 = arith.subi %add3A_14, %sub3A_15 : i32
    %jit3A = arith.constant 32 : i32
    %div3A = arith.divsi %sub3A_16, %jit3A : i32
    %sign3A = arith.constant 0 : i32
    %sign3A_17 = arith.cmpi sgt, %sub3A_16, %sign3A : i32
    %sign3A_18 = arith.extui %sign3A_17 : i1 to i32
    %sign3A_19 = arith.constant 0 : i32
    %sign3A_20 = arith.cmpi slt, %sub3A_16, %sign3A_19 : i32
    %sign3A_21 = arith.extui %sign3A_20 : i1 to i32
    %sign3A_22 = arith.subi %sign3A_18, %sign3A_21 : i32
    %sign3A_23 = arith.constant 0 : i32
    %sign3A_24 = arith.cmpi sgt, %jit3A, %sign3A_23 : i32
    %sign3A_25 = arith.extui %sign3A_24 : i1 to i32
    %sign3A_26 = arith.constant 0 : i32
    %sign3A_27 = arith.cmpi slt, %jit3A, %sign3A_26 : i32
    %sign3A_28 = arith.extui %sign3A_27 : i1 to i32
    %sign3A_29 = arith.subi %sign3A_25, %sign3A_28 : i32
    %ne3A = arith.cmpi ne, %sign3A_22, %sign3A_29 : i32
    %rem3A = arith.remsi %sub3A_16, %jit3A : i32
    %ne3A_30 = arith.constant 0 : i32
    %ne3A_31 = arith.cmpi ne, %rem3A, %ne3A_30 : i32
    %and3A = arith.andi %ne3A, %ne3A_31 : i1
    %sub3A_32 = arith.constant 1 : i32
    %sub3A_33 = arith.subi %div3A, %sub3A_32 : i32
    %select_n3A = arith.select %and3A, %sub3A_33, %div3A : i32
    %while3A = arith.constant 0 : i32
    %while3A_34 = arith.constant 0 : i32
    %while3A_35 = arith.subi %select_n3A, %while3A_34 : i32
    %while3A_36 = arith.addi %while3A_34, %while3A_35 : i32
    %while3A_37 = arith.constant 1 : i32
    %while3A_38 = arith.divsi %while3A_35, %while3A_37 : i32
    %while3A_39 = arith.muli %while3A_38, %while3A_37 : i32
    %while3A_40 = arith.addi %while3A_34, %while3A_39 : i32
    %while3A_41 = arith.constant 1 : i32
    scf.for %while3A_48 = %while3A_34 to %while3A_40 step %while3A_41  : i32 {
      %mul3A_49 = arith.constant 32 : i32
      %mul3A_50 = arith.muli %while3A_48, %mul3A_49 : i32
      %add3A_51 = arith.addi %add3A, %mul3A_50 : i32
      %mul3A_52 = arith.constant 5 : i32
      %mul3A_53 = arith.muli %add3A_51, %mul3A_52 : i32
      "tpu.region"() ({
        %run_scoped3A = tpu.sem_alloc : memref<!tpu.dma_semaphore, #tpu.memory_space<semaphore_mem>>
        %dma_start3A_237 = arith.constant 0 : i32
        %dma_start3A_238 = tpu.memref_slice %arg2[%mul3A_53, %dma_start3A_237] : memref<25000x128xi32, #tpu.memory_space<hbm>> -> memref<5x128xi32, #tpu.memory_space<hbm>>
        %dma_start3A_239 = arith.constant 0 : i32
        %dma_start3A_240 = tpu.memref_slice %arg2[%mul3A_53, %dma_start3A_239] : memref<25000x128xi32, #tpu.memory_space<hbm>> -> memref<5x128xi32, #tpu.memory_space<hbm>>
        tpu.enqueue_dma source(%dma_start3A_240 : memref<5x128xi32, #tpu.memory_space<hbm>>) target(%arg5 : memref<5x128xi32, #tpu.memory_space<vmem>>) target_semaphore(%run_scoped3A : memref<!tpu.dma_semaphore, #tpu.memory_space<semaphore_mem>>)
        %dma_wait3A_241 = arith.constant 0 : i32
        %dma_wait3A_242 = tpu.memref_slice %arg2[%mul3A_53, %dma_wait3A_241] : memref<25000x128xi32, #tpu.memory_space<hbm>> -> memref<5x128xi32, #tpu.memory_space<hbm>>
        %dma_wait3A_243 = arith.constant 0 : i32
        %dma_wait3A_244 = tpu.memref_slice %arg2[%mul3A_53, %dma_wait3A_243] : memref<25000x128xi32, #tpu.memory_space<hbm>> -> memref<5x128xi32, #tpu.memory_space<hbm>>
        tpu.wait_dma2 semaphore(%run_scoped3A : memref<!tpu.dma_semaphore, #tpu.memory_space<semaphore_mem>>) src(%dma_wait3A_244 : memref<5x128xi32, #tpu.memory_space<hbm>>) dst(%arg5 : memref<5x128xi32, #tpu.memory_space<vmem>>)
        tpu.yield
      }) : () -> ()
      %mul3A_54 = arith.constant 640 : i32
      %mul3A_55 = arith.muli %add3A_51, %mul3A_54 : i32
      %jit3A_56 = arith.constant 5120 : i32
      %div3A_57 = arith.divsi %mul3A_55, %jit3A_56 : i32
      %sign3A_58 = arith.constant 0 : i32
      %sign3A_59 = arith.cmpi sgt, %mul3A_55, %sign3A_58 : i32
      %sign3A_60 = arith.extui %sign3A_59 : i1 to i32
      %sign3A_61 = arith.constant 0 : i32
      %sign3A_62 = arith.cmpi slt, %mul3A_55, %sign3A_61 : i32
      %sign3A_63 = arith.extui %sign3A_62 : i1 to i32
      %sign3A_64 = arith.subi %sign3A_60, %sign3A_63 : i32
      %sign3A_65 = arith.constant 0 : i32
      %sign3A_66 = arith.cmpi sgt, %jit3A_56, %sign3A_65 : i32
      %sign3A_67 = arith.extui %sign3A_66 : i1 to i32
      %sign3A_68 = arith.constant 0 : i32
      %sign3A_69 = arith.cmpi slt, %jit3A_56, %sign3A_68 : i32
      %sign3A_70 = arith.extui %sign3A_69 : i1 to i32
      %sign3A_71 = arith.subi %sign3A_67, %sign3A_70 : i32
      %ne3A_72 = arith.cmpi ne, %sign3A_64, %sign3A_71 : i32
      %rem3A_73 = arith.remsi %mul3A_55, %jit3A_56 : i32
      %ne3A_74 = arith.constant 0 : i32
      %ne3A_75 = arith.cmpi ne, %rem3A_73, %ne3A_74 : i32
      %and3A_76 = arith.andi %ne3A_72, %ne3A_75 : i1
      %sub3A_77 = arith.constant 1 : i32
      %sub3A_78 = arith.subi %div3A_57, %sub3A_77 : i32
      %select_n3A_79 = arith.select %and3A_76, %sub3A_78, %div3A_57 : i32
      %jit3A_80 = arith.constant 5120 : i32
      %eq3A = arith.constant 0 : i32
      %eq3A_81 = arith.cmpi eq, %jit3A_80, %eq3A : i32
      %jit3A_82 = arith.constant 1 : i32
      %select_n3A_83 = arith.select %eq3A_81, %jit3A_82, %jit3A_80 : i32
      %rem3A_84 = arith.remsi %mul3A_55, %select_n3A_83 : i32
      %ne3A_85 = arith.constant 0 : i32
      %ne3A_86 = arith.cmpi ne, %rem3A_84, %ne3A_85 : i32
      %lt3A = arith.constant 0 : i32
      %lt3A_87 = arith.cmpi slt, %rem3A_84, %lt3A : i32
      %lt3A_88 = arith.constant 0 : i32
      %lt3A_89 = arith.cmpi slt, %select_n3A_83, %lt3A_88 : i32
      %ne3A_90 = arith.xori %lt3A_87, %lt3A_89 : i1
      %and3A_91 = arith.andi %ne3A_90, %ne3A_86 : i1
      %add3A_92 = arith.addi %rem3A_84, %select_n3A_83 : i32
      %select_n3A_93 = arith.select %and3A_91, %add3A_92, %rem3A_84 : i32
      %jit3A_94 = arith.constant 640 : i32
      %div3A_95 = arith.divsi %select_n3A_93, %jit3A_94 : i32
      %sign3A_96 = arith.constant 0 : i32
      %sign3A_97 = arith.cmpi sgt, %select_n3A_93, %sign3A_96 : i32
      %sign3A_98 = arith.extui %sign3A_97 : i1 to i32
      %sign3A_99 = arith.constant 0 : i32
      %sign3A_100 = arith.cmpi slt, %select_n3A_93, %sign3A_99 : i32
      %sign3A_101 = arith.extui %sign3A_100 : i1 to i32
      %sign3A_102 = arith.subi %sign3A_98, %sign3A_101 : i32
      %sign3A_103 = arith.constant 0 : i32
      %sign3A_104 = arith.cmpi sgt, %jit3A_94, %sign3A_103 : i32
      %sign3A_105 = arith.extui %sign3A_104 : i1 to i32
      %sign3A_106 = arith.constant 0 : i32
      %sign3A_107 = arith.cmpi slt, %jit3A_94, %sign3A_106 : i32
      %sign3A_108 = arith.extui %sign3A_107 : i1 to i32
      %sign3A_109 = arith.subi %sign3A_105, %sign3A_108 : i32
      %ne3A_110 = arith.cmpi ne, %sign3A_102, %sign3A_109 : i32
      %rem3A_111 = arith.remsi %select_n3A_93, %jit3A_94 : i32
      %ne3A_112 = arith.constant 0 : i32
      %ne3A_113 = arith.cmpi ne, %rem3A_111, %ne3A_112 : i32
      %and3A_114 = arith.andi %ne3A_110, %ne3A_113 : i1
      %sub3A_115 = arith.constant 1 : i32
      %sub3A_116 = arith.subi %div3A_95, %sub3A_115 : i32
      %select_n3A_117 = arith.select %and3A_114, %sub3A_116, %div3A_95 : i32
      %jit3A_118 = arith.constant 640 : i32
      %eq3A_119 = arith.constant 0 : i32
      %eq3A_120 = arith.cmpi eq, %jit3A_118, %eq3A_119 : i32
      %jit3A_121 = arith.constant 1 : i32
      %select_n3A_122 = arith.select %eq3A_120, %jit3A_121, %jit3A_118 : i32
      %rem3A_123 = arith.remsi %select_n3A_93, %select_n3A_122 : i32
      %ne3A_124 = arith.constant 0 : i32
      %ne3A_125 = arith.cmpi ne, %rem3A_123, %ne3A_124 : i32
      %lt3A_126 = arith.constant 0 : i32
      %lt3A_127 = arith.cmpi slt, %rem3A_123, %lt3A_126 : i32
      %lt3A_128 = arith.constant 0 : i32
      %lt3A_129 = arith.cmpi slt, %select_n3A_122, %lt3A_128 : i32
      %ne3A_130 = arith.xori %lt3A_127, %lt3A_129 : i1
      %and3A_131 = arith.andi %ne3A_130, %ne3A_125 : i1
      %add3A_132 = arith.addi %rem3A_123, %select_n3A_122 : i32
      %select_n3A_133 = arith.select %and3A_131, %add3A_132, %rem3A_123 : i32
      %mul3A_134 = arith.constant 640 : i32
      %mul3A_135 = arith.muli %select_n3A_79, %mul3A_134 : i32
      %add3A_136 = arith.addi %mul3A_135, %select_n3A_133 : i32
      %mul3A_137 = arith.constant 16 : i32
      %mul3A_138 = arith.muli %select_n3A_117, %mul3A_137 : i32
      "tpu.region"() ({
        %run_scoped3A = tpu.sem_alloc : memref<!tpu.dma_semaphore, #tpu.memory_space<semaphore_mem>>
        %dma_start3A_237 = tpu.memref_slice %arg3[%add3A_136, %mul3A_138] : memref<400000x128xf32, #tpu.memory_space<hbm>> -> memref<640x16xf32, #tpu.memory_space<hbm>>
        %dma_start3A_238 = tpu.memref_slice %arg3[%add3A_136, %mul3A_138] : memref<400000x128xf32, #tpu.memory_space<hbm>> -> memref<640x16xf32, #tpu.memory_space<hbm>>
        tpu.enqueue_dma source(%dma_start3A_238 : memref<640x16xf32, #tpu.memory_space<hbm>>) target(%arg6 : memref<640x16xf32, #tpu.memory_space<vmem>>) target_semaphore(%run_scoped3A : memref<!tpu.dma_semaphore, #tpu.memory_space<semaphore_mem>>)
        %dma_wait3A_239 = tpu.memref_slice %arg3[%add3A_136, %mul3A_138] : memref<400000x128xf32, #tpu.memory_space<hbm>> -> memref<640x16xf32, #tpu.memory_space<hbm>>
        %dma_wait3A_240 = tpu.memref_slice %arg3[%add3A_136, %mul3A_138] : memref<400000x128xf32, #tpu.memory_space<hbm>> -> memref<640x16xf32, #tpu.memory_space<hbm>>
        tpu.wait_dma2 semaphore(%run_scoped3A : memref<!tpu.dma_semaphore, #tpu.memory_space<semaphore_mem>>) src(%dma_wait3A_240 : memref<640x16xf32, #tpu.memory_space<hbm>>) dst(%arg6 : memref<640x16xf32, #tpu.memory_space<vmem>>)
        tpu.yield
      }) : () -> ()
      %dma_start3A = arith.constant 0 : i32
      %dma_start3A_139 = arith.constant 0 : i32
      %dma_start3A_140 = arith.constant 0 : i32
      %dma_start3A_141 = tpu.memref_slice %arg6[%dma_start3A_139, %dma_start3A_140] : memref<640x16xf32, #tpu.memory_space<vmem>> -> memref<128x16xf32, #tpu.memory_space<vmem>>
      %dma_start3A_142 = arith.constant 0 : i32
      %dma_start3A_143 = tpu.memref_slice %arg5[%dma_start3A, %dma_start3A_142] : memref<5x128xi32, #tpu.memory_space<vmem>> -> memref<1x128xi32, #tpu.memory_space<vmem>>
      %dma_start3A_144 = tpu.memref_squeeze %dma_start3A_143 : memref<1x128xi32, #tpu.memory_space<vmem>> -> memref<128xi32, #tpu.memory_space<vmem>>
      %dma_start3A_145 = arith.constant 0 : i32
      %dma_start3A_146 = arith.constant 0 : i32
      %dma_start3A_147 = tpu.memref_slice %arg8[%dma_start3A_145, %dma_start3A_146] : memref<100096x16xf32, #tpu.memory_space<vmem_shared>> -> memref<100096x16xf32, #tpu.memory_space<vmem_shared>>
      tpu.enqueue_indirect_dma source(%dma_start3A_141 : memref<128x16xf32, #tpu.memory_space<vmem>>) target(%dma_start3A_147 : memref<100096x16xf32, #tpu.memory_space<vmem_shared>>) offsets(%dma_start3A_144 : memref<128xi32, #tpu.memory_space<vmem>>) semaphore(%arg9 : memref<!tpu.dma_semaphore, #tpu.memory_space<semaphore_mem>>) {add = true}
      %dma_start3A_148 = arith.constant 1 : i32
      %dma_start3A_149 = arith.constant 128 : i32
      %dma_start3A_150 = arith.constant 0 : i32
      %dma_start3A_151 = tpu.memref_slice %arg6[%dma_start3A_149, %dma_start3A_150] : memref<640x16xf32, #tpu.memory_space<vmem>> -> memref<128x16xf32, #tpu.memory_space<vmem>>
      %dma_start3A_152 = arith.constant 0 : i32
      %dma_start3A_153 = tpu.memref_slice %arg5[%dma_start3A_148, %dma_start3A_152] : memref<5x128xi32, #tpu.memory_space<vmem>> -> memref<1x128xi32, #tpu.memory_space<vmem>>
      %dma_start3A_154 = tpu.memref_squeeze %dma_start3A_153 : memref<1x128xi32, #tpu.memory_space<vmem>> -> memref<128xi32, #tpu.memory_space<vmem>>
      %dma_start3A_155 = arith.constant 0 : i32
      %dma_start3A_156 = arith.constant 0 : i32
      %dma_start3A_157 = tpu.memref_slice %arg8[%dma_start3A_155, %dma_start3A_156] : memref<100096x16xf32, #tpu.memory_space<vmem_shared>> -> memref<100096x16xf32, #tpu.memory_space<vmem_shared>>
      tpu.enqueue_indirect_dma source(%dma_start3A_151 : memref<128x16xf32, #tpu.memory_space<vmem>>) target(%dma_start3A_157 : memref<100096x16xf32, #tpu.memory_space<vmem_shared>>) offsets(%dma_start3A_154 : memref<128xi32, #tpu.memory_space<vmem>>) semaphore(%arg9 : memref<!tpu.dma_semaphore, #tpu.memory_space<semaphore_mem>>) {add = true}
      %dma_start3A_158 = arith.constant 2 : i32
      %dma_start3A_159 = arith.constant 256 : i32
      %dma_start3A_160 = arith.constant 0 : i32
      %dma_start3A_161 = tpu.memref_slice %arg6[%dma_start3A_159, %dma_start3A_160] : memref<640x16xf32, #tpu.memory_space<vmem>> -> memref<128x16xf32, #tpu.memory_space<vmem>>
      %dma_start3A_162 = arith.constant 0 : i32
      %dma_start3A_163 = tpu.memref_slice %arg5[%dma_start3A_158, %dma_start3A_162] : memref<5x128xi32, #tpu.memory_space<vmem>> -> memref<1x128xi32, #tpu.memory_space<vmem>>
      %dma_start3A_164 = tpu.memref_squeeze %dma_start3A_163 : memref<1x128xi32, #tpu.memory_space<vmem>> -> memref<128xi32, #tpu.memory_space<vmem>>
      %dma_start3A_165 = arith.constant 0 : i32
      %dma_start3A_166 = arith.constant 0 : i32
      %dma_start3A_167 = tpu.memref_slice %arg8[%dma_start3A_165, %dma_start3A_166] : memref<100096x16xf32, #tpu.memory_space<vmem_shared>> -> memref<100096x16xf32, #tpu.memory_space<vmem_shared>>
      tpu.enqueue_indirect_dma source(%dma_start3A_161 : memref<128x16xf32, #tpu.memory_space<vmem>>) target(%dma_start3A_167 : memref<100096x16xf32, #tpu.memory_space<vmem_shared>>) offsets(%dma_start3A_164 : memref<128xi32, #tpu.memory_space<vmem>>) semaphore(%arg9 : memref<!tpu.dma_semaphore, #tpu.memory_space<semaphore_mem>>) {add = true}
      %dma_start3A_168 = arith.constant 3 : i32
      %dma_start3A_169 = arith.constant 384 : i32
      %dma_start3A_170 = arith.constant 0 : i32
      %dma_start3A_171 = tpu.memref_slice %arg6[%dma_start3A_169, %dma_start3A_170] : memref<640x16xf32, #tpu.memory_space<vmem>> -> memref<128x16xf32, #tpu.memory_space<vmem>>
      %dma_start3A_172 = arith.constant 0 : i32
      %dma_start3A_173 = tpu.memref_slice %arg5[%dma_start3A_168, %dma_start3A_172] : memref<5x128xi32, #tpu.memory_space<vmem>> -> memref<1x128xi32, #tpu.memory_space<vmem>>
      %dma_start3A_174 = tpu.memref_squeeze %dma_start3A_173 : memref<1x128xi32, #tpu.memory_space<vmem>> -> memref<128xi32, #tpu.memory_space<vmem>>
      %dma_start3A_175 = arith.constant 0 : i32
      %dma_start3A_176 = arith.constant 0 : i32
      %dma_start3A_177 = tpu.memref_slice %arg8[%dma_start3A_175, %dma_start3A_176] : memref<100096x16xf32, #tpu.memory_space<vmem_shared>> -> memref<100096x16xf32, #tpu.memory_space<vmem_shared>>
      tpu.enqueue_indirect_dma source(%dma_start3A_171 : memref<128x16xf32, #tpu.memory_space<vmem>>) target(%dma_start3A_177 : memref<100096x16xf32, #tpu.memory_space<vmem_shared>>) offsets(%dma_start3A_174 : memref<128xi32, #tpu.memory_space<vmem>>) semaphore(%arg9 : memref<!tpu.dma_semaphore, #tpu.memory_space<semaphore_mem>>) {add = true}
      %dma_start3A_178 = arith.constant 4 : i32
      %dma_start3A_179 = arith.constant 512 : i32
      %dma_start3A_180 = arith.constant 0 : i32
      %dma_start3A_181 = tpu.memref_slice %arg6[%dma_start3A_179, %dma_start3A_180] : memref<640x16xf32, #tpu.memory_space<vmem>> -> memref<128x16xf32, #tpu.memory_space<vmem>>
      %dma_start3A_182 = arith.constant 0 : i32
      %dma_start3A_183 = tpu.memref_slice %arg5[%dma_start3A_178, %dma_start3A_182] : memref<5x128xi32, #tpu.memory_space<vmem>> -> memref<1x128xi32, #tpu.memory_space<vmem>>
      %dma_start3A_184 = tpu.memref_squeeze %dma_start3A_183 : memref<1x128xi32, #tpu.memory_space<vmem>> -> memref<128xi32, #tpu.memory_space<vmem>>
      %dma_start3A_185 = arith.constant 0 : i32
      %dma_start3A_186 = arith.constant 0 : i32
      %dma_start3A_187 = tpu.memref_slice %arg8[%dma_start3A_185, %dma_start3A_186] : memref<100096x16xf32, #tpu.memory_space<vmem_shared>> -> memref<100096x16xf32, #tpu.memory_space<vmem_shared>>
      tpu.enqueue_indirect_dma source(%dma_start3A_181 : memref<128x16xf32, #tpu.memory_space<vmem>>) target(%dma_start3A_187 : memref<100096x16xf32, #tpu.memory_space<vmem_shared>>) offsets(%dma_start3A_184 : memref<128xi32, #tpu.memory_space<vmem>>) semaphore(%arg9 : memref<!tpu.dma_semaphore, #tpu.memory_space<semaphore_mem>>) {add = true}
      %dma_wait3A = arith.constant 0 : i32
      %dma_wait3A_188 = arith.constant 0 : i32
      %dma_wait3A_189 = arith.constant 0 : i32
      %dma_wait3A_190 = tpu.memref_slice %arg6[%dma_wait3A_188, %dma_wait3A_189] : memref<640x16xf32, #tpu.memory_space<vmem>> -> memref<128x16xf32, #tpu.memory_space<vmem>>
      %dma_wait3A_191 = arith.constant 0 : i32
      %dma_wait3A_192 = tpu.memref_slice %arg5[%dma_wait3A, %dma_wait3A_191] : memref<5x128xi32, #tpu.memory_space<vmem>> -> memref<1x128xi32, #tpu.memory_space<vmem>>
      %dma_wait3A_193 = tpu.memref_squeeze %dma_wait3A_192 : memref<1x128xi32, #tpu.memory_space<vmem>> -> memref<128xi32, #tpu.memory_space<vmem>>
      %dma_wait3A_194 = arith.constant 0 : i32
      %dma_wait3A_195 = arith.constant 0 : i32
      %dma_wait3A_196 = tpu.memref_slice %arg8[%dma_wait3A_194, %dma_wait3A_195] : memref<100096x16xf32, #tpu.memory_space<vmem_shared>> -> memref<100096x16xf32, #tpu.memory_space<vmem_shared>>
      tpu.wait_indirect_dma semaphore(%arg9 : memref<!tpu.dma_semaphore, #tpu.memory_space<semaphore_mem>>) src(%dma_wait3A_190 : memref<128x16xf32, #tpu.memory_space<vmem>>) dst(%dma_wait3A_196 : memref<100096x16xf32, #tpu.memory_space<vmem_shared>>)
      %dma_wait3A_197 = arith.constant 1 : i32
      %dma_wait3A_198 = arith.constant 128 : i32
      %dma_wait3A_199 = arith.constant 0 : i32
      %dma_wait3A_200 = tpu.memref_slice %arg6[%dma_wait3A_198, %dma_wait3A_199] : memref<640x16xf32, #tpu.memory_space<vmem>> -> memref<128x16xf32, #tpu.memory_space<vmem>>
      %dma_wait3A_201 = arith.constant 0 : i32
      %dma_wait3A_202 = tpu.memref_slice %arg5[%dma_wait3A_197, %dma_wait3A_201] : memref<5x128xi32, #tpu.memory_space<vmem>> -> memref<1x128xi32, #tpu.memory_space<vmem>>
      %dma_wait3A_203 = tpu.memref_squeeze %dma_wait3A_202 : memref<1x128xi32, #tpu.memory_space<vmem>> -> memref<128xi32, #tpu.memory_space<vmem>>
      %dma_wait3A_204 = arith.constant 0 : i32
      %dma_wait3A_205 = arith.constant 0 : i32
      %dma_wait3A_206 = tpu.memref_slice %arg8[%dma_wait3A_204, %dma_wait3A_205] : memref<100096x16xf32, #tpu.memory_space<vmem_shared>> -> memref<100096x16xf32, #tpu.memory_space<vmem_shared>>
      tpu.wait_indirect_dma semaphore(%arg9 : memref<!tpu.dma_semaphore, #tpu.memory_space<semaphore_mem>>) src(%dma_wait3A_200 : memref<128x16xf32, #tpu.memory_space<vmem>>) dst(%dma_wait3A_206 : memref<100096x16xf32, #tpu.memory_space<vmem_shared>>)
      %dma_wait3A_207 = arith.constant 2 : i32
      %dma_wait3A_208 = arith.constant 256 : i32
      %dma_wait3A_209 = arith.constant 0 : i32
      %dma_wait3A_210 = tpu.memref_slice %arg6[%dma_wait3A_208, %dma_wait3A_209] : memref<640x16xf32, #tpu.memory_space<vmem>> -> memref<128x16xf32, #tpu.memory_space<vmem>>
      %dma_wait3A_211 = arith.constant 0 : i32
      %dma_wait3A_212 = tpu.memref_slice %arg5[%dma_wait3A_207, %dma_wait3A_211] : memref<5x128xi32, #tpu.memory_space<vmem>> -> memref<1x128xi32, #tpu.memory_space<vmem>>
      %dma_wait3A_213 = tpu.memref_squeeze %dma_wait3A_212 : memref<1x128xi32, #tpu.memory_space<vmem>> -> memref<128xi32, #tpu.memory_space<vmem>>
      %dma_wait3A_214 = arith.constant 0 : i32
      %dma_wait3A_215 = arith.constant 0 : i32
      %dma_wait3A_216 = tpu.memref_slice %arg8[%dma_wait3A_214, %dma_wait3A_215] : memref<100096x16xf32, #tpu.memory_space<vmem_shared>> -> memref<100096x16xf32, #tpu.memory_space<vmem_shared>>
      tpu.wait_indirect_dma semaphore(%arg9 : memref<!tpu.dma_semaphore, #tpu.memory_space<semaphore_mem>>) src(%dma_wait3A_210 : memref<128x16xf32, #tpu.memory_space<vmem>>) dst(%dma_wait3A_216 : memref<100096x16xf32, #tpu.memory_space<vmem_shared>>)
      %dma_wait3A_217 = arith.constant 3 : i32
      %dma_wait3A_218 = arith.constant 384 : i32
      %dma_wait3A_219 = arith.constant 0 : i32
      %dma_wait3A_220 = tpu.memref_slice %arg6[%dma_wait3A_218, %dma_wait3A_219] : memref<640x16xf32, #tpu.memory_space<vmem>> -> memref<128x16xf32, #tpu.memory_space<vmem>>
      %dma_wait3A_221 = arith.constant 0 : i32
      %dma_wait3A_222 = tpu.memref_slice %arg5[%dma_wait3A_217, %dma_wait3A_221] : memref<5x128xi32, #tpu.memory_space<vmem>> -> memref<1x128xi32, #tpu.memory_space<vmem>>
      %dma_wait3A_223 = tpu.memref_squeeze %dma_wait3A_222 : memref<1x128xi32, #tpu.memory_space<vmem>> -> memref<128xi32, #tpu.memory_space<vmem>>
      %dma_wait3A_224 = arith.constant 0 : i32
      %dma_wait3A_225 = arith.constant 0 : i32
      %dma_wait3A_226 = tpu.memref_slice %arg8[%dma_wait3A_224, %dma_wait3A_225] : memref<100096x16xf32, #tpu.memory_space<vmem_shared>> -> memref<100096x16xf32, #tpu.memory_space<vmem_shared>>
      tpu.wait_indirect_dma semaphore(%arg9 : memref<!tpu.dma_semaphore, #tpu.memory_space<semaphore_mem>>) src(%dma_wait3A_220 : memref<128x16xf32, #tpu.memory_space<vmem>>) dst(%dma_wait3A_226 : memref<100096x16xf32, #tpu.memory_space<vmem_shared>>)
      %dma_wait3A_227 = arith.constant 4 : i32
      %dma_wait3A_228 = arith.constant 512 : i32
      %dma_wait3A_229 = arith.constant 0 : i32
      %dma_wait3A_230 = tpu.memref_slice %arg6[%dma_wait3A_228, %dma_wait3A_229] : memref<640x16xf32, #tpu.memory_space<vmem>> -> memref<128x16xf32, #tpu.memory_space<vmem>>
      %dma_wait3A_231 = arith.constant 0 : i32
      %dma_wait3A_232 = tpu.memref_slice %arg5[%dma_wait3A_227, %dma_wait3A_231] : memref<5x128xi32, #tpu.memory_space<vmem>> -> memref<1x128xi32, #tpu.memory_space<vmem>>
      %dma_wait3A_233 = tpu.memref_squeeze %dma_wait3A_232 : memref<1x128xi32, #tpu.memory_space<vmem>> -> memref<128xi32, #tpu.memory_space<vmem>>
      %dma_wait3A_234 = arith.constant 0 : i32
      %dma_wait3A_235 = arith.constant 0 : i32
      %dma_wait3A_236 = tpu.memref_slice %arg8[%dma_wait3A_234, %dma_wait3A_235] : memref<100096x16xf32, #tpu.memory_space<vmem_shared>> -> memref<100096x16xf32, #tpu.memory_space<vmem_shared>>
      tpu.wait_indirect_dma semaphore(%arg9 : memref<!tpu.dma_semaphore, #tpu.memory_space<semaphore_mem>>) src(%dma_wait3A_230 : memref<128x16xf32, #tpu.memory_space<vmem>>) dst(%dma_wait3A_236 : memref<100096x16xf32, #tpu.memory_space<vmem_shared>>)
    }
    %while3A_42 = arith.constant 1 : i32
    scf.for %while3A_48 = %while3A_40 to %while3A_36 step %while3A_42  : i32 {
      %mul3A_49 = arith.constant 32 : i32
      %mul3A_50 = arith.muli %while3A_48, %mul3A_49 : i32
      %add3A_51 = arith.addi %add3A, %mul3A_50 : i32
      %mul3A_52 = arith.constant 5 : i32
      %mul3A_53 = arith.muli %add3A_51, %mul3A_52 : i32
      "tpu.region"() ({
        %run_scoped3A = tpu.sem_alloc : memref<!tpu.dma_semaphore, #tpu.memory_space<semaphore_mem>>
        %dma_start3A_237 = arith.constant 0 : i32
        %dma_start3A_238 = tpu.memref_slice %arg2[%mul3A_53, %dma_start3A_237] : memref<25000x128xi32, #tpu.memory_space<hbm>> -> memref<5x128xi32, #tpu.memory_space<hbm>>
        %dma_start3A_239 = arith.constant 0 : i32
        %dma_start3A_240 = tpu.memref_slice %arg2[%mul3A_53, %dma_start3A_239] : memref<25000x128xi32, #tpu.memory_space<hbm>> -> memref<5x128xi32, #tpu.memory_space<hbm>>
        tpu.enqueue_dma source(%dma_start3A_240 : memref<5x128xi32, #tpu.memory_space<hbm>>) target(%arg5 : memref<5x128xi32, #tpu.memory_space<vmem>>) target_semaphore(%run_scoped3A : memref<!tpu.dma_semaphore, #tpu.memory_space<semaphore_mem>>)
        %dma_wait3A_241 = arith.constant 0 : i32
        %dma_wait3A_242 = tpu.memref_slice %arg2[%mul3A_53, %dma_wait3A_241] : memref<25000x128xi32, #tpu.memory_space<hbm>> -> memref<5x128xi32, #tpu.memory_space<hbm>>
        %dma_wait3A_243 = arith.constant 0 : i32
        %dma_wait3A_244 = tpu.memref_slice %arg2[%mul3A_53, %dma_wait3A_243] : memref<25000x128xi32, #tpu.memory_space<hbm>> -> memref<5x128xi32, #tpu.memory_space<hbm>>
        tpu.wait_dma2 semaphore(%run_scoped3A : memref<!tpu.dma_semaphore, #tpu.memory_space<semaphore_mem>>) src(%dma_wait3A_244 : memref<5x128xi32, #tpu.memory_space<hbm>>) dst(%arg5 : memref<5x128xi32, #tpu.memory_space<vmem>>)
        tpu.yield
      }) : () -> ()
      %mul3A_54 = arith.constant 640 : i32
      %mul3A_55 = arith.muli %add3A_51, %mul3A_54 : i32
      %jit3A_56 = arith.constant 5120 : i32
      %div3A_57 = arith.divsi %mul3A_55, %jit3A_56 : i32
      %sign3A_58 = arith.constant 0 : i32
      %sign3A_59 = arith.cmpi sgt, %mul3A_55, %sign3A_58 : i32
      %sign3A_60 = arith.extui %sign3A_59 : i1 to i32
      %sign3A_61 = arith.constant 0 : i32
      %sign3A_62 = arith.cmpi slt, %mul3A_55, %sign3A_61 : i32
      %sign3A_63 = arith.extui %sign3A_62 : i1 to i32
      %sign3A_64 = arith.subi %sign3A_60, %sign3A_63 : i32
      %sign3A_65 = arith.constant 0 : i32
      %sign3A_66 = arith.cmpi sgt, %jit3A_56, %sign3A_65 : i32
      %sign3A_67 = arith.extui %sign3A_66 : i1 to i32
      %sign3A_68 = arith.constant 0 : i32
      %sign3A_69 = arith.cmpi slt, %jit3A_56, %sign3A_68 : i32
      %sign3A_70 = arith.extui %sign3A_69 : i1 to i32
      %sign3A_71 = arith.subi %sign3A_67, %sign3A_70 : i32
      %ne3A_72 = arith.cmpi ne, %sign3A_64, %sign3A_71 : i32
      %rem3A_73 = arith.remsi %mul3A_55, %jit3A_56 : i32
      %ne3A_74 = arith.constant 0 : i32
      %ne3A_75 = arith.cmpi ne, %rem3A_73, %ne3A_74 : i32
      %and3A_76 = arith.andi %ne3A_72, %ne3A_75 : i1
      %sub3A_77 = arith.constant 1 : i32
      %sub3A_78 = arith.subi %div3A_57, %sub3A_77 : i32
      %select_n3A_79 = arith.select %and3A_76, %sub3A_78, %div3A_57 : i32
      %jit3A_80 = arith.constant 5120 : i32
      %eq3A = arith.constant 0 : i32
      %eq3A_81 = arith.cmpi eq, %jit3A_80, %eq3A : i32
      %jit3A_82 = arith.constant 1 : i32
      %select_n3A_83 = arith.select %eq3A_81, %jit3A_82, %jit3A_80 : i32
      %rem3A_84 = arith.remsi %mul3A_55, %select_n3A_83 : i32
      %ne3A_85 = arith.constant 0 : i32
      %ne3A_86 = arith.cmpi ne, %rem3A_84, %ne3A_85 : i32
      %lt3A = arith.constant 0 : i32
      %lt3A_87 = arith.cmpi slt, %rem3A_84, %lt3A : i32
      %lt3A_88 = arith.constant 0 : i32
      %lt3A_89 = arith.cmpi slt, %select_n3A_83, %lt3A_88 : i32
      %ne3A_90 = arith.xori %lt3A_87, %lt3A_89 : i1
      %and3A_91 = arith.andi %ne3A_90, %ne3A_86 : i1
      %add3A_92 = arith.addi %rem3A_84, %select_n3A_83 : i32
      %select_n3A_93 = arith.select %and3A_91, %add3A_92, %rem3A_84 : i32
      %jit3A_94 = arith.constant 640 : i32
      %div3A_95 = arith.divsi %select_n3A_93, %jit3A_94 : i32
      %sign3A_96 = arith.constant 0 : i32
      %sign3A_97 = arith.cmpi sgt, %select_n3A_93, %sign3A_96 : i32
      %sign3A_98 = arith.extui %sign3A_97 : i1 to i32
      %sign3A_99 = arith.constant 0 : i32
      %sign3A_100 = arith.cmpi slt, %select_n3A_93, %sign3A_99 : i32
      %sign3A_101 = arith.extui %sign3A_100 : i1 to i32
      %sign3A_102 = arith.subi %sign3A_98, %sign3A_101 : i32
      %sign3A_103 = arith.constant 0 : i32
      %sign3A_104 = arith.cmpi sgt, %jit3A_94, %sign3A_103 : i32
      %sign3A_105 = arith.extui %sign3A_104 : i1 to i32
      %sign3A_106 = arith.constant 0 : i32
      %sign3A_107 = arith.cmpi slt, %jit3A_94, %sign3A_106 : i32
      %sign3A_108 = arith.extui %sign3A_107 : i1 to i32
      %sign3A_109 = arith.subi %sign3A_105, %sign3A_108 : i32
      %ne3A_110 = arith.cmpi ne, %sign3A_102, %sign3A_109 : i32
      %rem3A_111 = arith.remsi %select_n3A_93, %jit3A_94 : i32
      %ne3A_112 = arith.constant 0 : i32
      %ne3A_113 = arith.cmpi ne, %rem3A_111, %ne3A_112 : i32
      %and3A_114 = arith.andi %ne3A_110, %ne3A_113 : i1
      %sub3A_115 = arith.constant 1 : i32
      %sub3A_116 = arith.subi %div3A_95, %sub3A_115 : i32
      %select_n3A_117 = arith.select %and3A_114, %sub3A_116, %div3A_95 : i32
      %jit3A_118 = arith.constant 640 : i32
      %eq3A_119 = arith.constant 0 : i32
      %eq3A_120 = arith.cmpi eq, %jit3A_118, %eq3A_119 : i32
      %jit3A_121 = arith.constant 1 : i32
      %select_n3A_122 = arith.select %eq3A_120, %jit3A_121, %jit3A_118 : i32
      %rem3A_123 = arith.remsi %select_n3A_93, %select_n3A_122 : i32
      %ne3A_124 = arith.constant 0 : i32
      %ne3A_125 = arith.cmpi ne, %rem3A_123, %ne3A_124 : i32
      %lt3A_126 = arith.constant 0 : i32
      %lt3A_127 = arith.cmpi slt, %rem3A_123, %lt3A_126 : i32
      %lt3A_128 = arith.constant 0 : i32
      %lt3A_129 = arith.cmpi slt, %select_n3A_122, %lt3A_128 : i32
      %ne3A_130 = arith.xori %lt3A_127, %lt3A_129 : i1
      %and3A_131 = arith.andi %ne3A_130, %ne3A_125 : i1
      %add3A_132 = arith.addi %rem3A_123, %select_n3A_122 : i32
      %select_n3A_133 = arith.select %and3A_131, %add3A_132, %rem3A_123 : i32
      %mul3A_134 = arith.constant 640 : i32
      %mul3A_135 = arith.muli %select_n3A_79, %mul3A_134 : i32
      %add3A_136 = arith.addi %mul3A_135, %select_n3A_133 : i32
      %mul3A_137 = arith.constant 16 : i32
      %mul3A_138 = arith.muli %select_n3A_117, %mul3A_137 : i32
      "tpu.region"() ({
        %run_scoped3A = tpu.sem_alloc : memref<!tpu.dma_semaphore, #tpu.memory_space<semaphore_mem>>
        %dma_start3A_237 = tpu.memref_slice %arg3[%add3A_136, %mul3A_138] : memref<400000x128xf32, #tpu.memory_space<hbm>> -> memref<640x16xf32, #tpu.memory_space<hbm>>
        %dma_start3A_238 = tpu.memref_slice %arg3[%add3A_136, %mul3A_138] : memref<400000x128xf32, #tpu.memory_space<hbm>> -> memref<640x16xf32, #tpu.memory_space<hbm>>
        tpu.enqueue_dma source(%dma_start3A_238 : memref<640x16xf32, #tpu.memory_space<hbm>>) target(%arg6 : memref<640x16xf32, #tpu.memory_space<vmem>>) target_semaphore(%run_scoped3A : memref<!tpu.dma_semaphore, #tpu.memory_space<semaphore_mem>>)
        %dma_wait3A_239 = tpu.memref_slice %arg3[%add3A_136, %mul3A_138] : memref<400000x128xf32, #tpu.memory_space<hbm>> -> memref<640x16xf32, #tpu.memory_space<hbm>>
        %dma_wait3A_240 = tpu.memref_slice %arg3[%add3A_136, %mul3A_138] : memref<400000x128xf32, #tpu.memory_space<hbm>> -> memref<640x16xf32, #tpu.memory_space<hbm>>
        tpu.wait_dma2 semaphore(%run_scoped3A : memref<!tpu.dma_semaphore, #tpu.memory_space<semaphore_mem>>) src(%dma_wait3A_240 : memref<640x16xf32, #tpu.memory_space<hbm>>) dst(%arg6 : memref<640x16xf32, #tpu.memory_space<vmem>>)
        tpu.yield
      }) : () -> ()
      %dma_start3A = arith.constant 0 : i32
      %dma_start3A_139 = arith.constant 0 : i32
      %dma_start3A_140 = arith.constant 0 : i32
      %dma_start3A_141 = tpu.memref_slice %arg6[%dma_start3A_139, %dma_start3A_140] : memref<640x16xf32, #tpu.memory_space<vmem>> -> memref<128x16xf32, #tpu.memory_space<vmem>>
      %dma_start3A_142 = arith.constant 0 : i32
      %dma_start3A_143 = tpu.memref_slice %arg5[%dma_start3A, %dma_start3A_142] : memref<5x128xi32, #tpu.memory_space<vmem>> -> memref<1x128xi32, #tpu.memory_space<vmem>>
      %dma_start3A_144 = tpu.memref_squeeze %dma_start3A_143 : memref<1x128xi32, #tpu.memory_space<vmem>> -> memref<128xi32, #tpu.memory_space<vmem>>
      %dma_start3A_145 = arith.constant 0 : i32
      %dma_start3A_146 = arith.constant 0 : i32
      %dma_start3A_147 = tpu.memref_slice %arg8[%dma_start3A_145, %dma_start3A_146] : memref<100096x16xf32, #tpu.memory_space<vmem_shared>> -> memref<100096x16xf32, #tpu.memory_space<vmem_shared>>
      tpu.enqueue_indirect_dma source(%dma_start3A_141 : memref<128x16xf32, #tpu.memory_space<vmem>>) target(%dma_start3A_147 : memref<100096x16xf32, #tpu.memory_space<vmem_shared>>) offsets(%dma_start3A_144 : memref<128xi32, #tpu.memory_space<vmem>>) semaphore(%arg9 : memref<!tpu.dma_semaphore, #tpu.memory_space<semaphore_mem>>) {add = true}
      %dma_start3A_148 = arith.constant 1 : i32
      %dma_start3A_149 = arith.constant 128 : i32
      %dma_start3A_150 = arith.constant 0 : i32
      %dma_start3A_151 = tpu.memref_slice %arg6[%dma_start3A_149, %dma_start3A_150] : memref<640x16xf32, #tpu.memory_space<vmem>> -> memref<128x16xf32, #tpu.memory_space<vmem>>
      %dma_start3A_152 = arith.constant 0 : i32
      %dma_start3A_153 = tpu.memref_slice %arg5[%dma_start3A_148, %dma_start3A_152] : memref<5x128xi32, #tpu.memory_space<vmem>> -> memref<1x128xi32, #tpu.memory_space<vmem>>
      %dma_start3A_154 = tpu.memref_squeeze %dma_start3A_153 : memref<1x128xi32, #tpu.memory_space<vmem>> -> memref<128xi32, #tpu.memory_space<vmem>>
      %dma_start3A_155 = arith.constant 0 : i32
      %dma_start3A_156 = arith.constant 0 : i32
      %dma_start3A_157 = tpu.memref_slice %arg8[%dma_start3A_155, %dma_start3A_156] : memref<100096x16xf32, #tpu.memory_space<vmem_shared>> -> memref<100096x16xf32, #tpu.memory_space<vmem_shared>>
      tpu.enqueue_indirect_dma source(%dma_start3A_151 : memref<128x16xf32, #tpu.memory_space<vmem>>) target(%dma_start3A_157 : memref<100096x16xf32, #tpu.memory_space<vmem_shared>>) offsets(%dma_start3A_154 : memref<128xi32, #tpu.memory_space<vmem>>) semaphore(%arg9 : memref<!tpu.dma_semaphore, #tpu.memory_space<semaphore_mem>>) {add = true}
      %dma_start3A_158 = arith.constant 2 : i32
      %dma_start3A_159 = arith.constant 256 : i32
      %dma_start3A_160 = arith.constant 0 : i32
      %dma_start3A_161 = tpu.memref_slice %arg6[%dma_start3A_159, %dma_start3A_160] : memref<640x16xf32, #tpu.memory_space<vmem>> -> memref<128x16xf32, #tpu.memory_space<vmem>>
      %dma_start3A_162 = arith.constant 0 : i32
      %dma_start3A_163 = tpu.memref_slice %arg5[%dma_start3A_158, %dma_start3A_162] : memref<5x128xi32, #tpu.memory_space<vmem>> -> memref<1x128xi32, #tpu.memory_space<vmem>>
      %dma_start3A_164 = tpu.memref_squeeze %dma_start3A_163 : memref<1x128xi32, #tpu.memory_space<vmem>> -> memref<128xi32, #tpu.memory_space<vmem>>
      %dma_start3A_165 = arith.constant 0 : i32
      %dma_start3A_166 = arith.constant 0 : i32
      %dma_start3A_167 = tpu.memref_slice %arg8[%dma_start3A_165, %dma_start3A_166] : memref<100096x16xf32, #tpu.memory_space<vmem_shared>> -> memref<100096x16xf32, #tpu.memory_space<vmem_shared>>
      tpu.enqueue_indirect_dma source(%dma_start3A_161 : memref<128x16xf32, #tpu.memory_space<vmem>>) target(%dma_start3A_167 : memref<100096x16xf32, #tpu.memory_space<vmem_shared>>) offsets(%dma_start3A_164 : memref<128xi32, #tpu.memory_space<vmem>>) semaphore(%arg9 : memref<!tpu.dma_semaphore, #tpu.memory_space<semaphore_mem>>) {add = true}
      %dma_start3A_168 = arith.constant 3 : i32
      %dma_start3A_169 = arith.constant 384 : i32
      %dma_start3A_170 = arith.constant 0 : i32
      %dma_start3A_171 = tpu.memref_slice %arg6[%dma_start3A_169, %dma_start3A_170] : memref<640x16xf32, #tpu.memory_space<vmem>> -> memref<128x16xf32, #tpu.memory_space<vmem>>
      %dma_start3A_172 = arith.constant 0 : i32
      %dma_start3A_173 = tpu.memref_slice %arg5[%dma_start3A_168, %dma_start3A_172] : memref<5x128xi32, #tpu.memory_space<vmem>> -> memref<1x128xi32, #tpu.memory_space<vmem>>
      %dma_start3A_174 = tpu.memref_squeeze %dma_start3A_173 : memref<1x128xi32, #tpu.memory_space<vmem>> -> memref<128xi32, #tpu.memory_space<vmem>>
      %dma_start3A_175 = arith.constant 0 : i32
      %dma_start3A_176 = arith.constant 0 : i32
      %dma_start3A_177 = tpu.memref_slice %arg8[%dma_start3A_175, %dma_start3A_176] : memref<100096x16xf32, #tpu.memory_space<vmem_shared>> -> memref<100096x16xf32, #tpu.memory_space<vmem_shared>>
      tpu.enqueue_indirect_dma source(%dma_start3A_171 : memref<128x16xf32, #tpu.memory_space<vmem>>) target(%dma_start3A_177 : memref<100096x16xf32, #tpu.memory_space<vmem_shared>>) offsets(%dma_start3A_174 : memref<128xi32, #tpu.memory_space<vmem>>) semaphore(%arg9 : memref<!tpu.dma_semaphore, #tpu.memory_space<semaphore_mem>>) {add = true}
      %dma_start3A_178 = arith.constant 4 : i32
      %dma_start3A_179 = arith.constant 512 : i32
      %dma_start3A_180 = arith.constant 0 : i32
      %dma_start3A_181 = tpu.memref_slice %arg6[%dma_start3A_179, %dma_start3A_180] : memref<640x16xf32, #tpu.memory_space<vmem>> -> memref<128x16xf32, #tpu.memory_space<vmem>>
      %dma_start3A_182 = arith.constant 0 : i32
      %dma_start3A_183 = tpu.memref_slice %arg5[%dma_start3A_178, %dma_start3A_182] : memref<5x128xi32, #tpu.memory_space<vmem>> -> memref<1x128xi32, #tpu.memory_space<vmem>>
      %dma_start3A_184 = tpu.memref_squeeze %dma_start3A_183 : memref<1x128xi32, #tpu.memory_space<vmem>> -> memref<128xi32, #tpu.memory_space<vmem>>
      %dma_start3A_185 = arith.constant 0 : i32
      %dma_start3A_186 = arith.constant 0 : i32
      %dma_start3A_187 = tpu.memref_slice %arg8[%dma_start3A_185, %dma_start3A_186] : memref<100096x16xf32, #tpu.memory_space<vmem_shared>> -> memref<100096x16xf32, #tpu.memory_space<vmem_shared>>
      tpu.enqueue_indirect_dma source(%dma_start3A_181 : memref<128x16xf32, #tpu.memory_space<vmem>>) target(%dma_start3A_187 : memref<100096x16xf32, #tpu.memory_space<vmem_shared>>) offsets(%dma_start3A_184 : memref<128xi32, #tpu.memory_space<vmem>>) semaphore(%arg9 : memref<!tpu.dma_semaphore, #tpu.memory_space<semaphore_mem>>) {add = true}
      %dma_wait3A = arith.constant 0 : i32
      %dma_wait3A_188 = arith.constant 0 : i32
      %dma_wait3A_189 = arith.constant 0 : i32
      %dma_wait3A_190 = tpu.memref_slice %arg6[%dma_wait3A_188, %dma_wait3A_189] : memref<640x16xf32, #tpu.memory_space<vmem>> -> memref<128x16xf32, #tpu.memory_space<vmem>>
      %dma_wait3A_191 = arith.constant 0 : i32
      %dma_wait3A_192 = tpu.memref_slice %arg5[%dma_wait3A, %dma_wait3A_191] : memref<5x128xi32, #tpu.memory_space<vmem>> -> memref<1x128xi32, #tpu.memory_space<vmem>>
      %dma_wait3A_193 = tpu.memref_squeeze %dma_wait3A_192 : memref<1x128xi32, #tpu.memory_space<vmem>> -> memref<128xi32, #tpu.memory_space<vmem>>
      %dma_wait3A_194 = arith.constant 0 : i32
      %dma_wait3A_195 = arith.constant 0 : i32
      %dma_wait3A_196 = tpu.memref_slice %arg8[%dma_wait3A_194, %dma_wait3A_195] : memref<100096x16xf32, #tpu.memory_space<vmem_shared>> -> memref<100096x16xf32, #tpu.memory_space<vmem_shared>>
      tpu.wait_indirect_dma semaphore(%arg9 : memref<!tpu.dma_semaphore, #tpu.memory_space<semaphore_mem>>) src(%dma_wait3A_190 : memref<128x16xf32, #tpu.memory_space<vmem>>) dst(%dma_wait3A_196 : memref<100096x16xf32, #tpu.memory_space<vmem_shared>>)
      %dma_wait3A_197 = arith.constant 1 : i32
      %dma_wait3A_198 = arith.constant 128 : i32
      %dma_wait3A_199 = arith.constant 0 : i32
      %dma_wait3A_200 = tpu.memref_slice %arg6[%dma_wait3A_198, %dma_wait3A_199] : memref<640x16xf32, #tpu.memory_space<vmem>> -> memref<128x16xf32, #tpu.memory_space<vmem>>
      %dma_wait3A_201 = arith.constant 0 : i32
      %dma_wait3A_202 = tpu.memref_slice %arg5[%dma_wait3A_197, %dma_wait3A_201] : memref<5x128xi32, #tpu.memory_space<vmem>> -> memref<1x128xi32, #tpu.memory_space<vmem>>
      %dma_wait3A_203 = tpu.memref_squeeze %dma_wait3A_202 : memref<1x128xi32, #tpu.memory_space<vmem>> -> memref<128xi32, #tpu.memory_space<vmem>>
      %dma_wait3A_204 = arith.constant 0 : i32
      %dma_wait3A_205 = arith.constant 0 : i32
      %dma_wait3A_206 = tpu.memref_slice %arg8[%dma_wait3A_204, %dma_wait3A_205] : memref<100096x16xf32, #tpu.memory_space<vmem_shared>> -> memref<100096x16xf32, #tpu.memory_space<vmem_shared>>
      tpu.wait_indirect_dma semaphore(%arg9 : memref<!tpu.dma_semaphore, #tpu.memory_space<semaphore_mem>>) src(%dma_wait3A_200 : memref<128x16xf32, #tpu.memory_space<vmem>>) dst(%dma_wait3A_206 : memref<100096x16xf32, #tpu.memory_space<vmem_shared>>)
      %dma_wait3A_207 = arith.constant 2 : i32
      %dma_wait3A_208 = arith.constant 256 : i32
      %dma_wait3A_209 = arith.constant 0 : i32
      %dma_wait3A_210 = tpu.memref_slice %arg6[%dma_wait3A_208, %dma_wait3A_209] : memref<640x16xf32, #tpu.memory_space<vmem>> -> memref<128x16xf32, #tpu.memory_space<vmem>>
      %dma_wait3A_211 = arith.constant 0 : i32
      %dma_wait3A_212 = tpu.memref_slice %arg5[%dma_wait3A_207, %dma_wait3A_211] : memref<5x128xi32, #tpu.memory_space<vmem>> -> memref<1x128xi32, #tpu.memory_space<vmem>>
      %dma_wait3A_213 = tpu.memref_squeeze %dma_wait3A_212 : memref<1x128xi32, #tpu.memory_space<vmem>> -> memref<128xi32, #tpu.memory_space<vmem>>
      %dma_wait3A_214 = arith.constant 0 : i32
      %dma_wait3A_215 = arith.constant 0 : i32
      %dma_wait3A_216 = tpu.memref_slice %arg8[%dma_wait3A_214, %dma_wait3A_215] : memref<100096x16xf32, #tpu.memory_space<vmem_shared>> -> memref<100096x16xf32, #tpu.memory_space<vmem_shared>>
      tpu.wait_indirect_dma semaphore(%arg9 : memref<!tpu.dma_semaphore, #tpu.memory_space<semaphore_mem>>) src(%dma_wait3A_210 : memref<128x16xf32, #tpu.memory_space<vmem>>) dst(%dma_wait3A_216 : memref<100096x16xf32, #tpu.memory_space<vmem_shared>>)
      %dma_wait3A_217 = arith.constant 3 : i32
      %dma_wait3A_218 = arith.constant 384 : i32
      %dma_wait3A_219 = arith.constant 0 : i32
      %dma_wait3A_220 = tpu.memref_slice %arg6[%dma_wait3A_218, %dma_wait3A_219] : memref<640x16xf32, #tpu.memory_space<vmem>> -> memref<128x16xf32, #tpu.memory_space<vmem>>
      %dma_wait3A_221 = arith.constant 0 : i32
      %dma_wait3A_222 = tpu.memref_slice %arg5[%dma_wait3A_217, %dma_wait3A_221] : memref<5x128xi32, #tpu.memory_space<vmem>> -> memref<1x128xi32, #tpu.memory_space<vmem>>
      %dma_wait3A_223 = tpu.memref_squeeze %dma_wait3A_222 : memref<1x128xi32, #tpu.memory_space<vmem>> -> memref<128xi32, #tpu.memory_space<vmem>>
      %dma_wait3A_224 = arith.constant 0 : i32
      %dma_wait3A_225 = arith.constant 0 : i32
      %dma_wait3A_226 = tpu.memref_slice %arg8[%dma_wait3A_224, %dma_wait3A_225] : memref<100096x16xf32, #tpu.memory_space<vmem_shared>> -> memref<100096x16xf32, #tpu.memory_space<vmem_shared>>
      tpu.wait_indirect_dma semaphore(%arg9 : memref<!tpu.dma_semaphore, #tpu.memory_space<semaphore_mem>>) src(%dma_wait3A_220 : memref<128x16xf32, #tpu.memory_space<vmem>>) dst(%dma_wait3A_226 : memref<100096x16xf32, #tpu.memory_space<vmem_shared>>)
      %dma_wait3A_227 = arith.constant 4 : i32
      %dma_wait3A_228 = arith.constant 512 : i32
      %dma_wait3A_229 = arith.constant 0 : i32
      %dma_wait3A_230 = tpu.memref_slice %arg6[%dma_wait3A_228, %dma_wait3A_229] : memref<640x16xf32, #tpu.memory_space<vmem>> -> memref<128x16xf32, #tpu.memory_space<vmem>>
      %dma_wait3A_231 = arith.constant 0 : i32
      %dma_wait3A_232 = tpu.memref_slice %arg5[%dma_wait3A_227, %dma_wait3A_231] : memref<5x128xi32, #tpu.memory_space<vmem>> -> memref<1x128xi32, #tpu.memory_space<vmem>>
      %dma_wait3A_233 = tpu.memref_squeeze %dma_wait3A_232 : memref<1x128xi32, #tpu.memory_space<vmem>> -> memref<128xi32, #tpu.memory_space<vmem>>
      %dma_wait3A_234 = arith.constant 0 : i32
      %dma_wait3A_235 = arith.constant 0 : i32
      %dma_wait3A_236 = tpu.memref_slice %arg8[%dma_wait3A_234, %dma_wait3A_235] : memref<100096x16xf32, #tpu.memory_space<vmem_shared>> -> memref<100096x16xf32, #tpu.memory_space<vmem_shared>>
      tpu.wait_indirect_dma semaphore(%arg9 : memref<!tpu.dma_semaphore, #tpu.memory_space<semaphore_mem>>) src(%dma_wait3A_230 : memref<128x16xf32, #tpu.memory_space<vmem>>) dst(%dma_wait3A_236 : memref<100096x16xf32, #tpu.memory_space<vmem_shared>>)
    }
    %barrier3A_43 = arith.constant 0 : index
    tpu.barrier barrier_id(%barrier3A_43)
    %mul3A_44 = arith.constant 6256 : i32
    %mul3A_45 = arith.muli %arg1, %mul3A_44 : i32
    %mul3A_46 = arith.constant 6256 : i32
    %mul3A_47 = arith.muli %arg1, %mul3A_46 : i32
    "tpu.region"() ({
      %run_scoped3A = tpu.sem_alloc : memref<!tpu.dma_semaphore, #tpu.memory_space<semaphore_mem>>
      %dma_start3A = arith.constant 0 : i32
      %dma_start3A_48 = tpu.memref_slice %arg4[%arg0, %mul3A_47, %dma_start3A] : memref<2x100096x16xf32, #tpu.memory_space<hbm>> -> memref<1x6256x16xf32, #tpu.memory_space<hbm>>
      %dma_start3A_49 = tpu.memref_squeeze %dma_start3A_48 : memref<1x6256x16xf32, #tpu.memory_space<hbm>> -> memref<6256x16xf32, #tpu.memory_space<hbm>>
      %dma_start3A_50 = arith.constant 0 : i32
      %dma_start3A_51 = tpu.memref_slice %arg8[%mul3A_45, %dma_start3A_50] : memref<100096x16xf32, #tpu.memory_space<vmem_shared>> -> memref<6256x16xf32, #tpu.memory_space<vmem_shared>>
      tpu.enqueue_dma source(%dma_start3A_51 : memref<6256x16xf32, #tpu.memory_space<vmem_shared>>) target(%dma_start3A_49 : memref<6256x16xf32, #tpu.memory_space<hbm>>) target_semaphore(%run_scoped3A : memref<!tpu.dma_semaphore, #tpu.memory_space<semaphore_mem>>)
      %dma_wait3A = arith.constant 0 : i32
      %dma_wait3A_52 = tpu.memref_slice %arg4[%arg0, %mul3A_47, %dma_wait3A] : memref<2x100096x16xf32, #tpu.memory_space<hbm>> -> memref<1x6256x16xf32, #tpu.memory_space<hbm>>
      %dma_wait3A_53 = tpu.memref_squeeze %dma_wait3A_52 : memref<1x6256x16xf32, #tpu.memory_space<hbm>> -> memref<6256x16xf32, #tpu.memory_space<hbm>>
      %dma_wait3A_54 = arith.constant 0 : i32
      %dma_wait3A_55 = tpu.memref_slice %arg8[%mul3A_45, %dma_wait3A_54] : memref<100096x16xf32, #tpu.memory_space<vmem_shared>> -> memref<6256x16xf32, #tpu.memory_space<vmem_shared>>
      tpu.wait_dma2 semaphore(%run_scoped3A : memref<!tpu.dma_semaphore, #tpu.memory_space<semaphore_mem>>) src(%dma_wait3A_55 : memref<6256x16xf32, #tpu.memory_space<vmem_shared>>) dst(%dma_wait3A_53 : memref<6256x16xf32, #tpu.memory_space<hbm>>)
      tpu.yield
    }) : () -> ()
    return
  }
}

module attributes {stable_mosaic.version = 14 : i64} {
  func.func @_edge_mlp_body(%arg0: i32, %arg1: memref<640x128xf32, #tpu.memory_space<vmem>>, %arg2: memref<640x128xf32, #tpu.memory_space<vmem>>, %arg3: memref<5120x16xf32, #tpu.memory_space<vmem>>, %arg4: memref<16x64xf32, #tpu.memory_space<vmem>>, %arg5: memref<16x64xf32, #tpu.memory_space<vmem>>, %arg6: memref<16x64xf32, #tpu.memory_space<vmem>>, %arg7: memref<1x64xf32, #tpu.memory_space<vmem>>, %arg8: memref<64x16xf32, #tpu.memory_space<vmem>>, %arg9: memref<1x16xf32, #tpu.memory_space<vmem>>, %arg10: memref<5120x16xf32, #tpu.memory_space<vmem>>, %arg11: memref<640x128xf32, #tpu.memory_space<vmem>>) attributes {dimension_semantics = [#tpu.dimension_semantics<arbitrary>], iteration_bounds = array<i64: 625>, scalar_prefetch = 0 : i64, scratch_operands = 0 : i64, tpu.core_type = #tpu.core_type<tc>, window_params = [{transform_indices = @transform_0, window_bounds = array<i64: 640, 128>}, {transform_indices = @transform_1, window_bounds = array<i64: 640, 128>}, {transform_indices = @transform_2, window_bounds = array<i64: 5120, 16>}, {pipeline_mode = #tpu.pipeline_mode<synchronous>, transform_indices = @transform_3, window_bounds = array<i64: 16, 64>}, {pipeline_mode = #tpu.pipeline_mode<synchronous>, transform_indices = @transform_4, window_bounds = array<i64: 16, 64>}, {pipeline_mode = #tpu.pipeline_mode<synchronous>, transform_indices = @transform_5, window_bounds = array<i64: 16, 64>}, {pipeline_mode = #tpu.pipeline_mode<synchronous>, transform_indices = @transform_6, window_bounds = array<i64: 1, 64>}, {pipeline_mode = #tpu.pipeline_mode<synchronous>, transform_indices = @transform_7, window_bounds = array<i64: 64, 16>}, {pipeline_mode = #tpu.pipeline_mode<synchronous>, transform_indices = @transform_8, window_bounds = array<i64: 1, 16>}, {transform_indices = @transform_9, window_bounds = array<i64: 5120, 16>}, {transform_indices = @transform_10, window_bounds = array<i64: 640, 128>}]} {
    %get3A = arith.constant 0 : index
    %get3A_0 = arith.constant 0 : index
    %get3A_1 = vector.load %arg3[%get3A, %get3A_0] : memref<5120x16xf32, #tpu.memory_space<vmem>>, vector<5120x16xf32>
    %get3A_2 = arith.constant 0 : index
    %get3A_3 = arith.constant 0 : index
    %get3A_4 = vector.load %arg6[%get3A_2, %get3A_3] : memref<16x64xf32, #tpu.memory_space<vmem>>, vector<16x64xf32>
    %dot_general3A = arith.constant dense<0.000000e+00> : vector<5120x64xf32>
    %dot_general3A_5 = tpu.matmul %get3A_1, %get3A_4, %dot_general3A {dimension_numbers = #tpu.dot_dimension_numbers<[1], [0], [0], [1], [0, 0, 1, 1], [], []>, transpose_lhs_hint = false} : vector<5120x16xf32>, vector<16x64xf32>, vector<5120x64xf32> -> vector<5120x64xf32>
    %get3A_6 = arith.constant 0 : index
    %get3A_7 = arith.constant 0 : index
    %get3A_8 = vector.load %arg7[%get3A_6, %get3A_7] : memref<1x64xf32, #tpu.memory_space<vmem>>, vector<1x64xf32>
    %add3A = vector.broadcast %get3A_8 : vector<1x64xf32> to vector<5120x64xf32>
    %add3A_9 = arith.addf %dot_general3A_5, %add3A : vector<5120x64xf32>
    %get3A_10 = arith.constant 0 : index
    %get3A_11 = arith.constant 0 : index
    %get3A_12 = vector.load %arg1[%get3A_10, %get3A_11] : memref<640x128xf32, #tpu.memory_space<vmem>>, vector<640x16xf32>
    %get3A_13 = arith.constant 0 : index
    %get3A_14 = arith.constant 0 : index
    %get3A_15 = vector.load %arg2[%get3A_13, %get3A_14] : memref<640x128xf32, #tpu.memory_space<vmem>>, vector<640x16xf32>
    %get3A_16 = arith.constant 0 : index
    %get3A_17 = arith.constant 0 : index
    %get3A_18 = vector.load %arg4[%get3A_16, %get3A_17] : memref<16x64xf32, #tpu.memory_space<vmem>>, vector<16x64xf32>
    %dot_general3A_19 = arith.constant dense<0.000000e+00> : vector<640x64xf32>
    %dot_general3A_20 = tpu.matmul %get3A_12, %get3A_18, %dot_general3A_19 {dimension_numbers = #tpu.dot_dimension_numbers<[1], [0], [0], [1], [0, 0, 1, 1], [], []>, transpose_lhs_hint = false} : vector<640x16xf32>, vector<16x64xf32>, vector<640x64xf32> -> vector<640x64xf32>
    %get3A_21 = arith.constant 0 : index
    %get3A_22 = arith.constant 0 : index
    %get3A_23 = vector.load %arg5[%get3A_21, %get3A_22] : memref<16x64xf32, #tpu.memory_space<vmem>>, vector<16x64xf32>
    %dot_general3A_24 = arith.constant dense<0.000000e+00> : vector<640x64xf32>
    %dot_general3A_25 = tpu.matmul %get3A_15, %get3A_23, %dot_general3A_24 {dimension_numbers = #tpu.dot_dimension_numbers<[1], [0], [0], [1], [0, 0, 1, 1], [], []>, transpose_lhs_hint = false} : vector<640x16xf32>, vector<16x64xf32>, vector<640x64xf32> -> vector<640x64xf32>
    %add3A_26 = arith.addf %dot_general3A_20, %dot_general3A_25 : vector<640x64xf32>
    %slice3A = vector.extract_strided_slice %add3A_9 {offsets = [0, 0], sizes = [640, 64], strides = [1, 1]} : vector<5120x64xf32> to vector<640x64xf32>
    %add3A_27 = arith.addf %add3A_26, %slice3A : vector<640x64xf32>
    %max3A = arith.constant 0.000000e+00 : f32
    %max3A_28 = vector.broadcast %max3A : f32 to vector<640x64xf32>
    %max3A_29 = arith.maximumf %add3A_27, %max3A_28 : vector<640x64xf32>
    %get3A_30 = arith.constant 0 : index
    %get3A_31 = arith.constant 0 : index
    %get3A_32 = vector.load %arg8[%get3A_30, %get3A_31] : memref<64x16xf32, #tpu.memory_space<vmem>>, vector<64x16xf32>
    %dot_general3A_33 = arith.constant dense<0.000000e+00> : vector<640x16xf32>
    %dot_general3A_34 = tpu.matmul %max3A_29, %get3A_32, %dot_general3A_33 {dimension_numbers = #tpu.dot_dimension_numbers<[1], [0], [0], [1], [0, 0, 1, 1], [], []>, transpose_lhs_hint = false} : vector<640x64xf32>, vector<64x16xf32>, vector<640x16xf32> -> vector<640x16xf32>
    %get3A_35 = arith.constant 0 : index
    %get3A_36 = arith.constant 0 : index
    %get3A_37 = vector.load %arg9[%get3A_35, %get3A_36] : memref<1x16xf32, #tpu.memory_space<vmem>>, vector<1x16xf32>
    %add3A_38 = vector.broadcast %get3A_37 : vector<1x16xf32> to vector<640x16xf32>
    %add3A_39 = arith.addf %dot_general3A_34, %add3A_38 : vector<640x16xf32>
    %swap3A = arith.constant 0 : index
    %swap3A_40 = arith.constant 0 : index
    %swap3A_41 = vector.load %arg10[%swap3A, %swap3A_40] : memref<5120x16xf32, #tpu.memory_space<vmem>>, vector<640x16xf32>
    tpu.vector_store %arg10[%swap3A, %swap3A_40], %add3A_39 {strides = array<i32>} : memref<5120x16xf32, #tpu.memory_space<vmem>>, vector<640x16xf32>,
    %swap3A_42 = arith.constant 0 : index
    %swap3A_43 = arith.constant 0 : index
    %swap3A_44 = vector.load %arg11[%swap3A_42, %swap3A_43] : memref<640x128xf32, #tpu.memory_space<vmem>>, vector<640x16xf32>
    tpu.vector_store %arg11[%swap3A_42, %swap3A_43], %add3A_39 {strides = array<i32>} : memref<640x128xf32, #tpu.memory_space<vmem>>, vector<640x16xf32>,
    %get3A_45 = arith.constant 0 : index
    %get3A_46 = arith.constant 16 : index
    %get3A_47 = vector.load %arg1[%get3A_45, %get3A_46] : memref<640x128xf32, #tpu.memory_space<vmem>>, vector<640x16xf32>
    %get3A_48 = arith.constant 0 : index
    %get3A_49 = arith.constant 16 : index
    %get3A_50 = vector.load %arg2[%get3A_48, %get3A_49] : memref<640x128xf32, #tpu.memory_space<vmem>>, vector<640x16xf32>
    %get3A_51 = arith.constant 0 : index
    %get3A_52 = arith.constant 0 : index
    %get3A_53 = vector.load %arg4[%get3A_51, %get3A_52] : memref<16x64xf32, #tpu.memory_space<vmem>>, vector<16x64xf32>
    %dot_general3A_54 = arith.constant dense<0.000000e+00> : vector<640x64xf32>
    %dot_general3A_55 = tpu.matmul %get3A_47, %get3A_53, %dot_general3A_54 {dimension_numbers = #tpu.dot_dimension_numbers<[1], [0], [0], [1], [0, 0, 1, 1], [], []>, transpose_lhs_hint = false} : vector<640x16xf32>, vector<16x64xf32>, vector<640x64xf32> -> vector<640x64xf32>
    %get3A_56 = arith.constant 0 : index
    %get3A_57 = arith.constant 0 : index
    %get3A_58 = vector.load %arg5[%get3A_56, %get3A_57] : memref<16x64xf32, #tpu.memory_space<vmem>>, vector<16x64xf32>
    %dot_general3A_59 = arith.constant dense<0.000000e+00> : vector<640x64xf32>
    %dot_general3A_60 = tpu.matmul %get3A_50, %get3A_58, %dot_general3A_59 {dimension_numbers = #tpu.dot_dimension_numbers<[1], [0], [0], [1], [0, 0, 1, 1], [], []>, transpose_lhs_hint = false} : vector<640x16xf32>, vector<16x64xf32>, vector<640x64xf32> -> vector<640x64xf32>
    %add3A_61 = arith.addf %dot_general3A_55, %dot_general3A_60 : vector<640x64xf32>
    %slice3A_62 = vector.extract_strided_slice %add3A_9 {offsets = [640, 0], sizes = [640, 64], strides = [1, 1]} : vector<5120x64xf32> to vector<640x64xf32>
    %add3A_63 = arith.addf %add3A_61, %slice3A_62 : vector<640x64xf32>
    %max3A_64 = arith.constant 0.000000e+00 : f32
    %max3A_65 = vector.broadcast %max3A_64 : f32 to vector<640x64xf32>
    %max3A_66 = arith.maximumf %add3A_63, %max3A_65 : vector<640x64xf32>
    %get3A_67 = arith.constant 0 : index
    %get3A_68 = arith.constant 0 : index
    %get3A_69 = vector.load %arg8[%get3A_67, %get3A_68] : memref<64x16xf32, #tpu.memory_space<vmem>>, vector<64x16xf32>
    %dot_general3A_70 = arith.constant dense<0.000000e+00> : vector<640x16xf32>
    %dot_general3A_71 = tpu.matmul %max3A_66, %get3A_69, %dot_general3A_70 {dimension_numbers = #tpu.dot_dimension_numbers<[1], [0], [0], [1], [0, 0, 1, 1], [], []>, transpose_lhs_hint = false} : vector<640x64xf32>, vector<64x16xf32>, vector<640x16xf32> -> vector<640x16xf32>
    %get3A_72 = arith.constant 0 : index
    %get3A_73 = arith.constant 0 : index
    %get3A_74 = vector.load %arg9[%get3A_72, %get3A_73] : memref<1x16xf32, #tpu.memory_space<vmem>>, vector<1x16xf32>
    %add3A_75 = vector.broadcast %get3A_74 : vector<1x16xf32> to vector<640x16xf32>
    %add3A_76 = arith.addf %dot_general3A_71, %add3A_75 : vector<640x16xf32>
    %swap3A_77 = arith.constant 640 : index
    %swap3A_78 = arith.constant 0 : index
    %swap3A_79 = vector.load %arg10[%swap3A_77, %swap3A_78] : memref<5120x16xf32, #tpu.memory_space<vmem>>, vector<640x16xf32>
    tpu.vector_store %arg10[%swap3A_77, %swap3A_78], %add3A_76 {strides = array<i32>} : memref<5120x16xf32, #tpu.memory_space<vmem>>, vector<640x16xf32>,
    %swap3A_80 = arith.constant 0 : index
    %swap3A_81 = arith.constant 16 : index
    %swap3A_82 = vector.load %arg11[%swap3A_80, %swap3A_81] : memref<640x128xf32, #tpu.memory_space<vmem>>, vector<640x16xf32>
    tpu.vector_store %arg11[%swap3A_80, %swap3A_81], %add3A_76 {strides = array<i32>} : memref<640x128xf32, #tpu.memory_space<vmem>>, vector<640x16xf32>,
    %get3A_83 = arith.constant 0 : index
    %get3A_84 = arith.constant 32 : index
    %get3A_85 = vector.load %arg1[%get3A_83, %get3A_84] : memref<640x128xf32, #tpu.memory_space<vmem>>, vector<640x16xf32>
    %get3A_86 = arith.constant 0 : index
    %get3A_87 = arith.constant 32 : index
    %get3A_88 = vector.load %arg2[%get3A_86, %get3A_87] : memref<640x128xf32, #tpu.memory_space<vmem>>, vector<640x16xf32>
    %get3A_89 = arith.constant 0 : index
    %get3A_90 = arith.constant 0 : index
    %get3A_91 = vector.load %arg4[%get3A_89, %get3A_90] : memref<16x64xf32, #tpu.memory_space<vmem>>, vector<16x64xf32>
    %dot_general3A_92 = arith.constant dense<0.000000e+00> : vector<640x64xf32>
    %dot_general3A_93 = tpu.matmul %get3A_85, %get3A_91, %dot_general3A_92 {dimension_numbers = #tpu.dot_dimension_numbers<[1], [0], [0], [1], [0, 0, 1, 1], [], []>, transpose_lhs_hint = false} : vector<640x16xf32>, vector<16x64xf32>, vector<640x64xf32> -> vector<640x64xf32>
    %get3A_94 = arith.constant 0 : index
    %get3A_95 = arith.constant 0 : index
    %get3A_96 = vector.load %arg5[%get3A_94, %get3A_95] : memref<16x64xf32, #tpu.memory_space<vmem>>, vector<16x64xf32>
    %dot_general3A_97 = arith.constant dense<0.000000e+00> : vector<640x64xf32>
    %dot_general3A_98 = tpu.matmul %get3A_88, %get3A_96, %dot_general3A_97 {dimension_numbers = #tpu.dot_dimension_numbers<[1], [0], [0], [1], [0, 0, 1, 1], [], []>, transpose_lhs_hint = false} : vector<640x16xf32>, vector<16x64xf32>, vector<640x64xf32> -> vector<640x64xf32>
    %add3A_99 = arith.addf %dot_general3A_93, %dot_general3A_98 : vector<640x64xf32>
    %slice3A_100 = vector.extract_strided_slice %add3A_9 {offsets = [1280, 0], sizes = [640, 64], strides = [1, 1]} : vector<5120x64xf32> to vector<640x64xf32>
    %add3A_101 = arith.addf %add3A_99, %slice3A_100 : vector<640x64xf32>
    %max3A_102 = arith.constant 0.000000e+00 : f32
    %max3A_103 = vector.broadcast %max3A_102 : f32 to vector<640x64xf32>
    %max3A_104 = arith.maximumf %add3A_101, %max3A_103 : vector<640x64xf32>
    %get3A_105 = arith.constant 0 : index
    %get3A_106 = arith.constant 0 : index
    %get3A_107 = vector.load %arg8[%get3A_105, %get3A_106] : memref<64x16xf32, #tpu.memory_space<vmem>>, vector<64x16xf32>
    %dot_general3A_108 = arith.constant dense<0.000000e+00> : vector<640x16xf32>
    %dot_general3A_109 = tpu.matmul %max3A_104, %get3A_107, %dot_general3A_108 {dimension_numbers = #tpu.dot_dimension_numbers<[1], [0], [0], [1], [0, 0, 1, 1], [], []>, transpose_lhs_hint = false} : vector<640x64xf32>, vector<64x16xf32>, vector<640x16xf32> -> vector<640x16xf32>
    %get3A_110 = arith.constant 0 : index
    %get3A_111 = arith.constant 0 : index
    %get3A_112 = vector.load %arg9[%get3A_110, %get3A_111] : memref<1x16xf32, #tpu.memory_space<vmem>>, vector<1x16xf32>
    %add3A_113 = vector.broadcast %get3A_112 : vector<1x16xf32> to vector<640x16xf32>
    %add3A_114 = arith.addf %dot_general3A_109, %add3A_113 : vector<640x16xf32>
    %swap3A_115 = arith.constant 1280 : index
    %swap3A_116 = arith.constant 0 : index
    %swap3A_117 = vector.load %arg10[%swap3A_115, %swap3A_116] : memref<5120x16xf32, #tpu.memory_space<vmem>>, vector<640x16xf32>
    tpu.vector_store %arg10[%swap3A_115, %swap3A_116], %add3A_114 {strides = array<i32>} : memref<5120x16xf32, #tpu.memory_space<vmem>>, vector<640x16xf32>,
    %swap3A_118 = arith.constant 0 : index
    %swap3A_119 = arith.constant 32 : index
    %swap3A_120 = vector.load %arg11[%swap3A_118, %swap3A_119] : memref<640x128xf32, #tpu.memory_space<vmem>>, vector<640x16xf32>
    tpu.vector_store %arg11[%swap3A_118, %swap3A_119], %add3A_114 {strides = array<i32>} : memref<640x128xf32, #tpu.memory_space<vmem>>, vector<640x16xf32>,
    %get3A_121 = arith.constant 0 : index
    %get3A_122 = arith.constant 48 : index
    %get3A_123 = vector.load %arg1[%get3A_121, %get3A_122] : memref<640x128xf32, #tpu.memory_space<vmem>>, vector<640x16xf32>
    %get3A_124 = arith.constant 0 : index
    %get3A_125 = arith.constant 48 : index
    %get3A_126 = vector.load %arg2[%get3A_124, %get3A_125] : memref<640x128xf32, #tpu.memory_space<vmem>>, vector<640x16xf32>
    %get3A_127 = arith.constant 0 : index
    %get3A_128 = arith.constant 0 : index
    %get3A_129 = vector.load %arg4[%get3A_127, %get3A_128] : memref<16x64xf32, #tpu.memory_space<vmem>>, vector<16x64xf32>
    %dot_general3A_130 = arith.constant dense<0.000000e+00> : vector<640x64xf32>
    %dot_general3A_131 = tpu.matmul %get3A_123, %get3A_129, %dot_general3A_130 {dimension_numbers = #tpu.dot_dimension_numbers<[1], [0], [0], [1], [0, 0, 1, 1], [], []>, transpose_lhs_hint = false} : vector<640x16xf32>, vector<16x64xf32>, vector<640x64xf32> -> vector<640x64xf32>
    %get3A_132 = arith.constant 0 : index
    %get3A_133 = arith.constant 0 : index
    %get3A_134 = vector.load %arg5[%get3A_132, %get3A_133] : memref<16x64xf32, #tpu.memory_space<vmem>>, vector<16x64xf32>
    %dot_general3A_135 = arith.constant dense<0.000000e+00> : vector<640x64xf32>
    %dot_general3A_136 = tpu.matmul %get3A_126, %get3A_134, %dot_general3A_135 {dimension_numbers = #tpu.dot_dimension_numbers<[1], [0], [0], [1], [0, 0, 1, 1], [], []>, transpose_lhs_hint = false} : vector<640x16xf32>, vector<16x64xf32>, vector<640x64xf32> -> vector<640x64xf32>
    %add3A_137 = arith.addf %dot_general3A_131, %dot_general3A_136 : vector<640x64xf32>
    %slice3A_138 = vector.extract_strided_slice %add3A_9 {offsets = [1920, 0], sizes = [640, 64], strides = [1, 1]} : vector<5120x64xf32> to vector<640x64xf32>
    %add3A_139 = arith.addf %add3A_137, %slice3A_138 : vector<640x64xf32>
    %max3A_140 = arith.constant 0.000000e+00 : f32
    %max3A_141 = vector.broadcast %max3A_140 : f32 to vector<640x64xf32>
    %max3A_142 = arith.maximumf %add3A_139, %max3A_141 : vector<640x64xf32>
    %get3A_143 = arith.constant 0 : index
    %get3A_144 = arith.constant 0 : index
    %get3A_145 = vector.load %arg8[%get3A_143, %get3A_144] : memref<64x16xf32, #tpu.memory_space<vmem>>, vector<64x16xf32>
    %dot_general3A_146 = arith.constant dense<0.000000e+00> : vector<640x16xf32>
    %dot_general3A_147 = tpu.matmul %max3A_142, %get3A_145, %dot_general3A_146 {dimension_numbers = #tpu.dot_dimension_numbers<[1], [0], [0], [1], [0, 0, 1, 1], [], []>, transpose_lhs_hint = false} : vector<640x64xf32>, vector<64x16xf32>, vector<640x16xf32> -> vector<640x16xf32>
    %get3A_148 = arith.constant 0 : index
    %get3A_149 = arith.constant 0 : index
    %get3A_150 = vector.load %arg9[%get3A_148, %get3A_149] : memref<1x16xf32, #tpu.memory_space<vmem>>, vector<1x16xf32>
    %add3A_151 = vector.broadcast %get3A_150 : vector<1x16xf32> to vector<640x16xf32>
    %add3A_152 = arith.addf %dot_general3A_147, %add3A_151 : vector<640x16xf32>
    %swap3A_153 = arith.constant 1920 : index
    %swap3A_154 = arith.constant 0 : index
    %swap3A_155 = vector.load %arg10[%swap3A_153, %swap3A_154] : memref<5120x16xf32, #tpu.memory_space<vmem>>, vector<640x16xf32>
    tpu.vector_store %arg10[%swap3A_153, %swap3A_154], %add3A_152 {strides = array<i32>} : memref<5120x16xf32, #tpu.memory_space<vmem>>, vector<640x16xf32>,
    %swap3A_156 = arith.constant 0 : index
    %swap3A_157 = arith.constant 48 : index
    %swap3A_158 = vector.load %arg11[%swap3A_156, %swap3A_157] : memref<640x128xf32, #tpu.memory_space<vmem>>, vector<640x16xf32>
    tpu.vector_store %arg11[%swap3A_156, %swap3A_157], %add3A_152 {strides = array<i32>} : memref<640x128xf32, #tpu.memory_space<vmem>>, vector<640x16xf32>,
    %get3A_159 = arith.constant 0 : index
    %get3A_160 = arith.constant 64 : index
    %get3A_161 = vector.load %arg1[%get3A_159, %get3A_160] : memref<640x128xf32, #tpu.memory_space<vmem>>, vector<640x16xf32>
    %get3A_162 = arith.constant 0 : index
    %get3A_163 = arith.constant 64 : index
    %get3A_164 = vector.load %arg2[%get3A_162, %get3A_163] : memref<640x128xf32, #tpu.memory_space<vmem>>, vector<640x16xf32>
    %get3A_165 = arith.constant 0 : index
    %get3A_166 = arith.constant 0 : index
    %get3A_167 = vector.load %arg4[%get3A_165, %get3A_166] : memref<16x64xf32, #tpu.memory_space<vmem>>, vector<16x64xf32>
    %dot_general3A_168 = arith.constant dense<0.000000e+00> : vector<640x64xf32>
    %dot_general3A_169 = tpu.matmul %get3A_161, %get3A_167, %dot_general3A_168 {dimension_numbers = #tpu.dot_dimension_numbers<[1], [0], [0], [1], [0, 0, 1, 1], [], []>, transpose_lhs_hint = false} : vector<640x16xf32>, vector<16x64xf32>, vector<640x64xf32> -> vector<640x64xf32>
    %get3A_170 = arith.constant 0 : index
    %get3A_171 = arith.constant 0 : index
    %get3A_172 = vector.load %arg5[%get3A_170, %get3A_171] : memref<16x64xf32, #tpu.memory_space<vmem>>, vector<16x64xf32>
    %dot_general3A_173 = arith.constant dense<0.000000e+00> : vector<640x64xf32>
    %dot_general3A_174 = tpu.matmul %get3A_164, %get3A_172, %dot_general3A_173 {dimension_numbers = #tpu.dot_dimension_numbers<[1], [0], [0], [1], [0, 0, 1, 1], [], []>, transpose_lhs_hint = false} : vector<640x16xf32>, vector<16x64xf32>, vector<640x64xf32> -> vector<640x64xf32>
    %add3A_175 = arith.addf %dot_general3A_169, %dot_general3A_174 : vector<640x64xf32>
    %slice3A_176 = vector.extract_strided_slice %add3A_9 {offsets = [2560, 0], sizes = [640, 64], strides = [1, 1]} : vector<5120x64xf32> to vector<640x64xf32>
    %add3A_177 = arith.addf %add3A_175, %slice3A_176 : vector<640x64xf32>
    %max3A_178 = arith.constant 0.000000e+00 : f32
    %max3A_179 = vector.broadcast %max3A_178 : f32 to vector<640x64xf32>
    %max3A_180 = arith.maximumf %add3A_177, %max3A_179 : vector<640x64xf32>
    %get3A_181 = arith.constant 0 : index
    %get3A_182 = arith.constant 0 : index
    %get3A_183 = vector.load %arg8[%get3A_181, %get3A_182] : memref<64x16xf32, #tpu.memory_space<vmem>>, vector<64x16xf32>
    %dot_general3A_184 = arith.constant dense<0.000000e+00> : vector<640x16xf32>
    %dot_general3A_185 = tpu.matmul %max3A_180, %get3A_183, %dot_general3A_184 {dimension_numbers = #tpu.dot_dimension_numbers<[1], [0], [0], [1], [0, 0, 1, 1], [], []>, transpose_lhs_hint = false} : vector<640x64xf32>, vector<64x16xf32>, vector<640x16xf32> -> vector<640x16xf32>
    %get3A_186 = arith.constant 0 : index
    %get3A_187 = arith.constant 0 : index
    %get3A_188 = vector.load %arg9[%get3A_186, %get3A_187] : memref<1x16xf32, #tpu.memory_space<vmem>>, vector<1x16xf32>
    %add3A_189 = vector.broadcast %get3A_188 : vector<1x16xf32> to vector<640x16xf32>
    %add3A_190 = arith.addf %dot_general3A_185, %add3A_189 : vector<640x16xf32>
    %swap3A_191 = arith.constant 2560 : index
    %swap3A_192 = arith.constant 0 : index
    %swap3A_193 = vector.load %arg10[%swap3A_191, %swap3A_192] : memref<5120x16xf32, #tpu.memory_space<vmem>>, vector<640x16xf32>
    tpu.vector_store %arg10[%swap3A_191, %swap3A_192], %add3A_190 {strides = array<i32>} : memref<5120x16xf32, #tpu.memory_space<vmem>>, vector<640x16xf32>,
    %swap3A_194 = arith.constant 0 : index
    %swap3A_195 = arith.constant 64 : index
    %swap3A_196 = vector.load %arg11[%swap3A_194, %swap3A_195] : memref<640x128xf32, #tpu.memory_space<vmem>>, vector<640x16xf32>
    tpu.vector_store %arg11[%swap3A_194, %swap3A_195], %add3A_190 {strides = array<i32>} : memref<640x128xf32, #tpu.memory_space<vmem>>, vector<640x16xf32>,
    %get3A_197 = arith.constant 0 : index
    %get3A_198 = arith.constant 80 : index
    %get3A_199 = vector.load %arg1[%get3A_197, %get3A_198] : memref<640x128xf32, #tpu.memory_space<vmem>>, vector<640x16xf32>
    %get3A_200 = arith.constant 0 : index
    %get3A_201 = arith.constant 80 : index
    %get3A_202 = vector.load %arg2[%get3A_200, %get3A_201] : memref<640x128xf32, #tpu.memory_space<vmem>>, vector<640x16xf32>
    %get3A_203 = arith.constant 0 : index
    %get3A_204 = arith.constant 0 : index
    %get3A_205 = vector.load %arg4[%get3A_203, %get3A_204] : memref<16x64xf32, #tpu.memory_space<vmem>>, vector<16x64xf32>
    %dot_general3A_206 = arith.constant dense<0.000000e+00> : vector<640x64xf32>
    %dot_general3A_207 = tpu.matmul %get3A_199, %get3A_205, %dot_general3A_206 {dimension_numbers = #tpu.dot_dimension_numbers<[1], [0], [0], [1], [0, 0, 1, 1], [], []>, transpose_lhs_hint = false} : vector<640x16xf32>, vector<16x64xf32>, vector<640x64xf32> -> vector<640x64xf32>
    %get3A_208 = arith.constant 0 : index
    %get3A_209 = arith.constant 0 : index
    %get3A_210 = vector.load %arg5[%get3A_208, %get3A_209] : memref<16x64xf32, #tpu.memory_space<vmem>>, vector<16x64xf32>
    %dot_general3A_211 = arith.constant dense<0.000000e+00> : vector<640x64xf32>
    %dot_general3A_212 = tpu.matmul %get3A_202, %get3A_210, %dot_general3A_211 {dimension_numbers = #tpu.dot_dimension_numbers<[1], [0], [0], [1], [0, 0, 1, 1], [], []>, transpose_lhs_hint = false} : vector<640x16xf32>, vector<16x64xf32>, vector<640x64xf32> -> vector<640x64xf32>
    %add3A_213 = arith.addf %dot_general3A_207, %dot_general3A_212 : vector<640x64xf32>
    %slice3A_214 = vector.extract_strided_slice %add3A_9 {offsets = [3200, 0], sizes = [640, 64], strides = [1, 1]} : vector<5120x64xf32> to vector<640x64xf32>
    %add3A_215 = arith.addf %add3A_213, %slice3A_214 : vector<640x64xf32>
    %max3A_216 = arith.constant 0.000000e+00 : f32
    %max3A_217 = vector.broadcast %max3A_216 : f32 to vector<640x64xf32>
    %max3A_218 = arith.maximumf %add3A_215, %max3A_217 : vector<640x64xf32>
    %get3A_219 = arith.constant 0 : index
    %get3A_220 = arith.constant 0 : index
    %get3A_221 = vector.load %arg8[%get3A_219, %get3A_220] : memref<64x16xf32, #tpu.memory_space<vmem>>, vector<64x16xf32>
    %dot_general3A_222 = arith.constant dense<0.000000e+00> : vector<640x16xf32>
    %dot_general3A_223 = tpu.matmul %max3A_218, %get3A_221, %dot_general3A_222 {dimension_numbers = #tpu.dot_dimension_numbers<[1], [0], [0], [1], [0, 0, 1, 1], [], []>, transpose_lhs_hint = false} : vector<640x64xf32>, vector<64x16xf32>, vector<640x16xf32> -> vector<640x16xf32>
    %get3A_224 = arith.constant 0 : index
    %get3A_225 = arith.constant 0 : index
    %get3A_226 = vector.load %arg9[%get3A_224, %get3A_225] : memref<1x16xf32, #tpu.memory_space<vmem>>, vector<1x16xf32>
    %add3A_227 = vector.broadcast %get3A_226 : vector<1x16xf32> to vector<640x16xf32>
    %add3A_228 = arith.addf %dot_general3A_223, %add3A_227 : vector<640x16xf32>
    %swap3A_229 = arith.constant 3200 : index
    %swap3A_230 = arith.constant 0 : index
    %swap3A_231 = vector.load %arg10[%swap3A_229, %swap3A_230] : memref<5120x16xf32, #tpu.memory_space<vmem>>, vector<640x16xf32>
    tpu.vector_store %arg10[%swap3A_229, %swap3A_230], %add3A_228 {strides = array<i32>} : memref<5120x16xf32, #tpu.memory_space<vmem>>, vector<640x16xf32>,
    %swap3A_232 = arith.constant 0 : index
    %swap3A_233 = arith.constant 80 : index
    %swap3A_234 = vector.load %arg11[%swap3A_232, %swap3A_233] : memref<640x128xf32, #tpu.memory_space<vmem>>, vector<640x16xf32>
    tpu.vector_store %arg11[%swap3A_232, %swap3A_233], %add3A_228 {strides = array<i32>} : memref<640x128xf32, #tpu.memory_space<vmem>>, vector<640x16xf32>,
    %get3A_235 = arith.constant 0 : index
    %get3A_236 = arith.constant 96 : index
    %get3A_237 = vector.load %arg1[%get3A_235, %get3A_236] : memref<640x128xf32, #tpu.memory_space<vmem>>, vector<640x16xf32>
    %get3A_238 = arith.constant 0 : index
    %get3A_239 = arith.constant 96 : index
    %get3A_240 = vector.load %arg2[%get3A_238, %get3A_239] : memref<640x128xf32, #tpu.memory_space<vmem>>, vector<640x16xf32>
    %get3A_241 = arith.constant 0 : index
    %get3A_242 = arith.constant 0 : index
    %get3A_243 = vector.load %arg4[%get3A_241, %get3A_242] : memref<16x64xf32, #tpu.memory_space<vmem>>, vector<16x64xf32>
    %dot_general3A_244 = arith.constant dense<0.000000e+00> : vector<640x64xf32>
    %dot_general3A_245 = tpu.matmul %get3A_237, %get3A_243, %dot_general3A_244 {dimension_numbers = #tpu.dot_dimension_numbers<[1], [0], [0], [1], [0, 0, 1, 1], [], []>, transpose_lhs_hint = false} : vector<640x16xf32>, vector<16x64xf32>, vector<640x64xf32> -> vector<640x64xf32>
    %get3A_246 = arith.constant 0 : index
    %get3A_247 = arith.constant 0 : index
    %get3A_248 = vector.load %arg5[%get3A_246, %get3A_247] : memref<16x64xf32, #tpu.memory_space<vmem>>, vector<16x64xf32>
    %dot_general3A_249 = arith.constant dense<0.000000e+00> : vector<640x64xf32>
    %dot_general3A_250 = tpu.matmul %get3A_240, %get3A_248, %dot_general3A_249 {dimension_numbers = #tpu.dot_dimension_numbers<[1], [0], [0], [1], [0, 0, 1, 1], [], []>, transpose_lhs_hint = false} : vector<640x16xf32>, vector<16x64xf32>, vector<640x64xf32> -> vector<640x64xf32>
    %add3A_251 = arith.addf %dot_general3A_245, %dot_general3A_250 : vector<640x64xf32>
    %slice3A_252 = vector.extract_strided_slice %add3A_9 {offsets = [3840, 0], sizes = [640, 64], strides = [1, 1]} : vector<5120x64xf32> to vector<640x64xf32>
    %add3A_253 = arith.addf %add3A_251, %slice3A_252 : vector<640x64xf32>
    %max3A_254 = arith.constant 0.000000e+00 : f32
    %max3A_255 = vector.broadcast %max3A_254 : f32 to vector<640x64xf32>
    %max3A_256 = arith.maximumf %add3A_253, %max3A_255 : vector<640x64xf32>
    %get3A_257 = arith.constant 0 : index
    %get3A_258 = arith.constant 0 : index
    %get3A_259 = vector.load %arg8[%get3A_257, %get3A_258] : memref<64x16xf32, #tpu.memory_space<vmem>>, vector<64x16xf32>
    %dot_general3A_260 = arith.constant dense<0.000000e+00> : vector<640x16xf32>
    %dot_general3A_261 = tpu.matmul %max3A_256, %get3A_259, %dot_general3A_260 {dimension_numbers = #tpu.dot_dimension_numbers<[1], [0], [0], [1], [0, 0, 1, 1], [], []>, transpose_lhs_hint = false} : vector<640x64xf32>, vector<64x16xf32>, vector<640x16xf32> -> vector<640x16xf32>
    %get3A_262 = arith.constant 0 : index
    %get3A_263 = arith.constant 0 : index
    %get3A_264 = vector.load %arg9[%get3A_262, %get3A_263] : memref<1x16xf32, #tpu.memory_space<vmem>>, vector<1x16xf32>
    %add3A_265 = vector.broadcast %get3A_264 : vector<1x16xf32> to vector<640x16xf32>
    %add3A_266 = arith.addf %dot_general3A_261, %add3A_265 : vector<640x16xf32>
    %swap3A_267 = arith.constant 3840 : index
    %swap3A_268 = arith.constant 0 : index
    %swap3A_269 = vector.load %arg10[%swap3A_267, %swap3A_268] : memref<5120x16xf32, #tpu.memory_space<vmem>>, vector<640x16xf32>
    tpu.vector_store %arg10[%swap3A_267, %swap3A_268], %add3A_266 {strides = array<i32>} : memref<5120x16xf32, #tpu.memory_space<vmem>>, vector<640x16xf32>,
    %swap3A_270 = arith.constant 0 : index
    %swap3A_271 = arith.constant 96 : index
    %swap3A_272 = vector.load %arg11[%swap3A_270, %swap3A_271] : memref<640x128xf32, #tpu.memory_space<vmem>>, vector<640x16xf32>
    tpu.vector_store %arg11[%swap3A_270, %swap3A_271], %add3A_266 {strides = array<i32>} : memref<640x128xf32, #tpu.memory_space<vmem>>, vector<640x16xf32>,
    %get3A_273 = arith.constant 0 : index
    %get3A_274 = arith.constant 112 : index
    %get3A_275 = vector.load %arg1[%get3A_273, %get3A_274] : memref<640x128xf32, #tpu.memory_space<vmem>>, vector<640x16xf32>
    %get3A_276 = arith.constant 0 : index
    %get3A_277 = arith.constant 112 : index
    %get3A_278 = vector.load %arg2[%get3A_276, %get3A_277] : memref<640x128xf32, #tpu.memory_space<vmem>>, vector<640x16xf32>
    %get3A_279 = arith.constant 0 : index
    %get3A_280 = arith.constant 0 : index
    %get3A_281 = vector.load %arg4[%get3A_279, %get3A_280] : memref<16x64xf32, #tpu.memory_space<vmem>>, vector<16x64xf32>
    %dot_general3A_282 = arith.constant dense<0.000000e+00> : vector<640x64xf32>
    %dot_general3A_283 = tpu.matmul %get3A_275, %get3A_281, %dot_general3A_282 {dimension_numbers = #tpu.dot_dimension_numbers<[1], [0], [0], [1], [0, 0, 1, 1], [], []>, transpose_lhs_hint = false} : vector<640x16xf32>, vector<16x64xf32>, vector<640x64xf32> -> vector<640x64xf32>
    %get3A_284 = arith.constant 0 : index
    %get3A_285 = arith.constant 0 : index
    %get3A_286 = vector.load %arg5[%get3A_284, %get3A_285] : memref<16x64xf32, #tpu.memory_space<vmem>>, vector<16x64xf32>
    %dot_general3A_287 = arith.constant dense<0.000000e+00> : vector<640x64xf32>
    %dot_general3A_288 = tpu.matmul %get3A_278, %get3A_286, %dot_general3A_287 {dimension_numbers = #tpu.dot_dimension_numbers<[1], [0], [0], [1], [0, 0, 1, 1], [], []>, transpose_lhs_hint = false} : vector<640x16xf32>, vector<16x64xf32>, vector<640x64xf32> -> vector<640x64xf32>
    %add3A_289 = arith.addf %dot_general3A_283, %dot_general3A_288 : vector<640x64xf32>
    %slice3A_290 = vector.extract_strided_slice %add3A_9 {offsets = [4480, 0], sizes = [640, 64], strides = [1, 1]} : vector<5120x64xf32> to vector<640x64xf32>
    %add3A_291 = arith.addf %add3A_289, %slice3A_290 : vector<640x64xf32>
    %max3A_292 = arith.constant 0.000000e+00 : f32
    %max3A_293 = vector.broadcast %max3A_292 : f32 to vector<640x64xf32>
    %max3A_294 = arith.maximumf %add3A_291, %max3A_293 : vector<640x64xf32>
    %get3A_295 = arith.constant 0 : index
    %get3A_296 = arith.constant 0 : index
    %get3A_297 = vector.load %arg8[%get3A_295, %get3A_296] : memref<64x16xf32, #tpu.memory_space<vmem>>, vector<64x16xf32>
    %dot_general3A_298 = arith.constant dense<0.000000e+00> : vector<640x16xf32>
    %dot_general3A_299 = tpu.matmul %max3A_294, %get3A_297, %dot_general3A_298 {dimension_numbers = #tpu.dot_dimension_numbers<[1], [0], [0], [1], [0, 0, 1, 1], [], []>, transpose_lhs_hint = false} : vector<640x64xf32>, vector<64x16xf32>, vector<640x16xf32> -> vector<640x16xf32>
    %get3A_300 = arith.constant 0 : index
    %get3A_301 = arith.constant 0 : index
    %get3A_302 = vector.load %arg9[%get3A_300, %get3A_301] : memref<1x16xf32, #tpu.memory_space<vmem>>, vector<1x16xf32>
    %add3A_303 = vector.broadcast %get3A_302 : vector<1x16xf32> to vector<640x16xf32>
    %add3A_304 = arith.addf %dot_general3A_299, %add3A_303 : vector<640x16xf32>
    %swap3A_305 = arith.constant 4480 : index
    %swap3A_306 = arith.constant 0 : index
    %swap3A_307 = vector.load %arg10[%swap3A_305, %swap3A_306] : memref<5120x16xf32, #tpu.memory_space<vmem>>, vector<640x16xf32>
    tpu.vector_store %arg10[%swap3A_305, %swap3A_306], %add3A_304 {strides = array<i32>} : memref<5120x16xf32, #tpu.memory_space<vmem>>, vector<640x16xf32>,
    %swap3A_308 = arith.constant 0 : index
    %swap3A_309 = arith.constant 112 : index
    %swap3A_310 = vector.load %arg11[%swap3A_308, %swap3A_309] : memref<640x128xf32, #tpu.memory_space<vmem>>, vector<640x16xf32>
    tpu.vector_store %arg11[%swap3A_308, %swap3A_309], %add3A_304 {strides = array<i32>} : memref<640x128xf32, #tpu.memory_space<vmem>>, vector<640x16xf32>,
    return
  }
  func.func @transform_0(%arg0: i32) -> (i32, i32) {
    %c0_i32 = arith.constant 0 : i32
    %c0_i32_0 = arith.constant 0 : i32
    return %arg0, %c0_i32 : i32, i32
  }
  func.func @transform_1(%arg0: i32) -> (i32, i32) {
    %c0_i32 = arith.constant 0 : i32
    %c0_i32_0 = arith.constant 0 : i32
    return %arg0, %c0_i32 : i32, i32
  }
  func.func @transform_2(%arg0: i32) -> (i32, i32) {
    %c0_i32 = arith.constant 0 : i32
    %c0_i32_0 = arith.constant 0 : i32
    return %arg0, %c0_i32 : i32, i32
  }
  func.func @transform_3(%arg0: i32) -> (i32, i32) {
    %c0_i32 = arith.constant 0 : i32
    %c0_i32_0 = arith.constant 0 : i32
    %c0_i32_1 = arith.constant 0 : i32
    return %c0_i32, %c0_i32_0 : i32, i32
  }
  func.func @transform_4(%arg0: i32) -> (i32, i32) {
    %c0_i32 = arith.constant 0 : i32
    %c0_i32_0 = arith.constant 0 : i32
    %c0_i32_1 = arith.constant 0 : i32
    return %c0_i32, %c0_i32_0 : i32, i32
  }
  func.func @transform_5(%arg0: i32) -> (i32, i32) {
    %c0_i32 = arith.constant 0 : i32
    %c0_i32_0 = arith.constant 0 : i32
    %c0_i32_1 = arith.constant 0 : i32
    return %c0_i32, %c0_i32_0 : i32, i32
  }
  func.func @transform_6(%arg0: i32) -> (i32, i32) {
    %c0_i32 = arith.constant 0 : i32
    %c0_i32_0 = arith.constant 0 : i32
    %c0_i32_1 = arith.constant 0 : i32
    return %c0_i32, %c0_i32_0 : i32, i32
  }
  func.func @transform_7(%arg0: i32) -> (i32, i32) {
    %c0_i32 = arith.constant 0 : i32
    %c0_i32_0 = arith.constant 0 : i32
    %c0_i32_1 = arith.constant 0 : i32
    return %c0_i32, %c0_i32_0 : i32, i32
  }
  func.func @transform_8(%arg0: i32) -> (i32, i32) {
    %c0_i32 = arith.constant 0 : i32
    %c0_i32_0 = arith.constant 0 : i32
    %c0_i32_1 = arith.constant 0 : i32
    return %c0_i32, %c0_i32_0 : i32, i32
  }
  func.func @transform_9(%arg0: i32) -> (i32, i32) {
    %c0_i32 = arith.constant 0 : i32
    %c0_i32_0 = arith.constant 0 : i32
    return %arg0, %c0_i32 : i32, i32
  }
  func.func @transform_10(%arg0: i32) -> (i32, i32) {
    %c0_i32 = arith.constant 0 : i32
    %c0_i32_0 = arith.constant 0 : i32
    return %arg0, %c0_i32 : i32, i32
  }
}

module attributes {stable_mosaic.version = 14 : i64} {
  func.func @_node_mlp_body(%arg0: i32, %arg1: memref<5000x16xf32, #tpu.memory_space<vmem>>, %arg2: memref<5000x16xf32, #tpu.memory_space<vmem>>, %arg3: memref<5000x16xf32, #tpu.memory_space<vmem>>, %arg4: memref<5000x1xf32, #tpu.memory_space<vmem>>, %arg5: memref<5000x1xf32, #tpu.memory_space<vmem>>, %arg6: memref<16x64xf32, #tpu.memory_space<vmem>>, %arg7: memref<16x64xf32, #tpu.memory_space<vmem>>, %arg8: memref<1x64xf32, #tpu.memory_space<vmem>>, %arg9: memref<64x16xf32, #tpu.memory_space<vmem>>, %arg10: memref<1x16xf32, #tpu.memory_space<vmem>>, %arg11: memref<5000x16xf32, #tpu.memory_space<vmem>>) attributes {dimension_semantics = [#tpu.dimension_semantics<arbitrary>], iteration_bounds = array<i64: 20>, scalar_prefetch = 0 : i64, scratch_operands = 0 : i64, tpu.core_type = #tpu.core_type<tc>, window_params = [{transform_indices = @transform_0, window_bounds = array<i64: 5000, 16>}, {transform_indices = @transform_1, window_bounds = array<i64: 5000, 16>}, {transform_indices = @transform_2, window_bounds = array<i64: 5000, 16>}, {transform_indices = @transform_3, window_bounds = array<i64: 5000, 1>}, {transform_indices = @transform_4, window_bounds = array<i64: 5000, 1>}, {pipeline_mode = #tpu.pipeline_mode<synchronous>, transform_indices = @transform_5, window_bounds = array<i64: 16, 64>}, {pipeline_mode = #tpu.pipeline_mode<synchronous>, transform_indices = @transform_6, window_bounds = array<i64: 16, 64>}, {pipeline_mode = #tpu.pipeline_mode<synchronous>, transform_indices = @transform_7, window_bounds = array<i64: 1, 64>}, {pipeline_mode = #tpu.pipeline_mode<synchronous>, transform_indices = @transform_8, window_bounds = array<i64: 64, 16>}, {pipeline_mode = #tpu.pipeline_mode<synchronous>, transform_indices = @transform_9, window_bounds = array<i64: 1, 16>}, {transform_indices = @transform_10, window_bounds = array<i64: 5000, 16>}]} {
    %get3A = arith.constant 0 : index
    %get3A_0 = arith.constant 0 : index
    %get3A_1 = vector.load %arg4[%get3A, %get3A_0] : memref<5000x1xf32, #tpu.memory_space<vmem>>, vector<5000x1xf32>
    %get3A_2 = arith.constant 0 : index
    %get3A_3 = arith.constant 0 : index
    %get3A_4 = vector.load %arg5[%get3A_2, %get3A_3] : memref<5000x1xf32, #tpu.memory_space<vmem>>, vector<5000x1xf32>
    %add3A = arith.addf %get3A_1, %get3A_4 : vector<5000x1xf32>
    %max3A = arith.constant 1.000000e+00 : f32
    %max3A_5 = vector.broadcast %max3A : f32 to vector<5000x1xf32>
    %max3A_6 = arith.maximumf %add3A, %max3A_5 : vector<5000x1xf32>
    %div3A = arith.constant 1.000000e+00 : f32
    %div3A_7 = vector.broadcast %div3A : f32 to vector<5000x1xf32>
    %div3A_8 = arith.divf %div3A_7, %max3A_6 : vector<5000x1xf32>
    %get3A_9 = arith.constant 0 : index
    %get3A_10 = arith.constant 0 : index
    %get3A_11 = vector.load %arg2[%get3A_9, %get3A_10] : memref<5000x16xf32, #tpu.memory_space<vmem>>, vector<5000x16xf32>
    %get3A_12 = arith.constant 0 : index
    %get3A_13 = arith.constant 0 : index
    %get3A_14 = vector.load %arg3[%get3A_12, %get3A_13] : memref<5000x16xf32, #tpu.memory_space<vmem>>, vector<5000x16xf32>
    %add3A_15 = arith.addf %get3A_11, %get3A_14 : vector<5000x16xf32>
    %mul3A = vector.broadcast %div3A_8 : vector<5000x1xf32> to vector<5000x16xf32>
    %mul3A_16 = arith.mulf %add3A_15, %mul3A : vector<5000x16xf32>
    %get3A_17 = arith.constant 0 : index
    %get3A_18 = arith.constant 0 : index
    %get3A_19 = vector.load %arg1[%get3A_17, %get3A_18] : memref<5000x16xf32, #tpu.memory_space<vmem>>, vector<5000x16xf32>
    %get3A_20 = arith.constant 0 : index
    %get3A_21 = arith.constant 0 : index
    %get3A_22 = vector.load %arg6[%get3A_20, %get3A_21] : memref<16x64xf32, #tpu.memory_space<vmem>>, vector<16x64xf32>
    %dot_general3A = arith.constant dense<0.000000e+00> : vector<5000x64xf32>
    %dot_general3A_23 = tpu.matmul %get3A_19, %get3A_22, %dot_general3A {dimension_numbers = #tpu.dot_dimension_numbers<[1], [0], [0], [1], [0, 0, 1, 1], [], []>, transpose_lhs_hint = false} : vector<5000x16xf32>, vector<16x64xf32>, vector<5000x64xf32> -> vector<5000x64xf32>
    %get3A_24 = arith.constant 0 : index
    %get3A_25 = arith.constant 0 : index
    %get3A_26 = vector.load %arg7[%get3A_24, %get3A_25] : memref<16x64xf32, #tpu.memory_space<vmem>>, vector<16x64xf32>
    %dot_general3A_27 = arith.constant dense<0.000000e+00> : vector<5000x64xf32>
    %dot_general3A_28 = tpu.matmul %mul3A_16, %get3A_26, %dot_general3A_27 {dimension_numbers = #tpu.dot_dimension_numbers<[1], [0], [0], [1], [0, 0, 1, 1], [], []>, transpose_lhs_hint = false} : vector<5000x16xf32>, vector<16x64xf32>, vector<5000x64xf32> -> vector<5000x64xf32>
    %add3A_29 = arith.addf %dot_general3A_23, %dot_general3A_28 : vector<5000x64xf32>
    %get3A_30 = arith.constant 0 : index
    %get3A_31 = arith.constant 0 : index
    %get3A_32 = vector.load %arg8[%get3A_30, %get3A_31] : memref<1x64xf32, #tpu.memory_space<vmem>>, vector<1x64xf32>
    %add3A_33 = vector.broadcast %get3A_32 : vector<1x64xf32> to vector<5000x64xf32>
    %add3A_34 = arith.addf %add3A_29, %add3A_33 : vector<5000x64xf32>
    %max3A_35 = arith.constant 0.000000e+00 : f32
    %max3A_36 = vector.broadcast %max3A_35 : f32 to vector<5000x64xf32>
    %max3A_37 = arith.maximumf %add3A_34, %max3A_36 : vector<5000x64xf32>
    %get3A_38 = arith.constant 0 : index
    %get3A_39 = arith.constant 0 : index
    %get3A_40 = vector.load %arg9[%get3A_38, %get3A_39] : memref<64x16xf32, #tpu.memory_space<vmem>>, vector<64x16xf32>
    %dot_general3A_41 = arith.constant dense<0.000000e+00> : vector<5000x16xf32>
    %dot_general3A_42 = tpu.matmul %max3A_37, %get3A_40, %dot_general3A_41 {dimension_numbers = #tpu.dot_dimension_numbers<[1], [0], [0], [1], [0, 0, 1, 1], [], []>, transpose_lhs_hint = false} : vector<5000x64xf32>, vector<64x16xf32>, vector<5000x16xf32> -> vector<5000x16xf32>
    %get3A_43 = arith.constant 0 : index
    %get3A_44 = arith.constant 0 : index
    %get3A_45 = vector.load %arg10[%get3A_43, %get3A_44] : memref<1x16xf32, #tpu.memory_space<vmem>>, vector<1x16xf32>
    %add3A_46 = vector.broadcast %get3A_45 : vector<1x16xf32> to vector<5000x16xf32>
    %add3A_47 = arith.addf %dot_general3A_42, %add3A_46 : vector<5000x16xf32>
    %swap3A = arith.constant 0 : index
    %swap3A_48 = arith.constant 0 : index
    %swap3A_49 = vector.load %arg11[%swap3A, %swap3A_48] : memref<5000x16xf32, #tpu.memory_space<vmem>>, vector<5000x16xf32>
    tpu.vector_store %arg11[%swap3A, %swap3A_48], %add3A_47 {strides = array<i32>} : memref<5000x16xf32, #tpu.memory_space<vmem>>, vector<5000x16xf32>,
    return
  }
  func.func @transform_0(%arg0: i32) -> (i32, i32) {
    %c0_i32 = arith.constant 0 : i32
    %c0_i32_0 = arith.constant 0 : i32
    return %arg0, %c0_i32 : i32, i32
  }
  func.func @transform_1(%arg0: i32) -> (i32, i32) {
    %c0_i32 = arith.constant 0 : i32
    %c0_i32_0 = arith.constant 0 : i32
    return %arg0, %c0_i32 : i32, i32
  }
  func.func @transform_2(%arg0: i32) -> (i32, i32) {
    %c0_i32 = arith.constant 0 : i32
    %c0_i32_0 = arith.constant 0 : i32
    return %arg0, %c0_i32 : i32, i32
  }
  func.func @transform_3(%arg0: i32) -> (i32, i32) {
    %c0_i32 = arith.constant 0 : i32
    %c0_i32_0 = arith.constant 0 : i32
    return %arg0, %c0_i32 : i32, i32
  }
  func.func @transform_4(%arg0: i32) -> (i32, i32) {
    %c0_i32 = arith.constant 0 : i32
    %c0_i32_0 = arith.constant 0 : i32
    return %arg0, %c0_i32 : i32, i32
  }
  func.func @transform_5(%arg0: i32) -> (i32, i32) {
    %c0_i32 = arith.constant 0 : i32
    %c0_i32_0 = arith.constant 0 : i32
    %c0_i32_1 = arith.constant 0 : i32
    return %c0_i32, %c0_i32_0 : i32, i32
  }
  func.func @transform_6(%arg0: i32) -> (i32, i32) {
    %c0_i32 = arith.constant 0 : i32
    %c0_i32_0 = arith.constant 0 : i32
    %c0_i32_1 = arith.constant 0 : i32
    return %c0_i32, %c0_i32_0 : i32, i32
  }
  func.func @transform_7(%arg0: i32) -> (i32, i32) {
    %c0_i32 = arith.constant 0 : i32
    %c0_i32_0 = arith.constant 0 : i32
    %c0_i32_1 = arith.constant 0 : i32
    return %c0_i32, %c0_i32_0 : i32, i32
  }
  func.func @transform_8(%arg0: i32) -> (i32, i32) {
    %c0_i32 = arith.constant 0 : i32
    %c0_i32_0 = arith.constant 0 : i32
    %c0_i32_1 = arith.constant 0 : i32
    return %c0_i32, %c0_i32_0 : i32, i32
  }
  func.func @transform_9(%arg0: i32) -> (i32, i32) {
    %c0_i32 = arith.constant 0 : i32
    %c0_i32_0 = arith.constant 0 : i32
    %c0_i32_1 = arith.constant 0 : i32
    return %c0_i32, %c0_i32_0 : i32, i32
  }
  func.func @transform_10(%arg0: i32) -> (i32, i32) {
    %c0_i32 = arith.constant 0 : i32
    %c0_i32_0 = arith.constant 0 : i32
    return %arg0, %c0_i32 : i32, i32
  }
}

</mosaic_0001>

<sc_bundles>
// kernel: kernel.6.cloned.1.call-start
scs
__scs_entry_jumppad:
0x0: {  	(pc) =	sbr.rel $0x88, $3  }
0x1: {  	(tag) =	ssettag $0x0;
	lr =	simm.s32 $0x1  }
0x2: {  	[smem:$0x3F96] =	sst lr;
	_ =	strace $0xD0000000  }
0x3: {  	_ = 	snop  }
0x4: {  	_ = 	snop  }
0x5: {  	_ = 	snop  }
0x6: {  	_ = 	snop  }
0x7: {  	_ = 	snop  }
__scs_overlays_trampoline_lowered:
0x8: {  	[smem:$0x3FA5] =	sst s0  }
0x9: {  	[smem:$0x3FA6] =	sst s1  }
0xa: {  	[smem:$0x3FA7] =	sst s2  }
0xb: {  	[smem:$0x3FA8] =	sst s3  }
0xc: {  	[smem:$0x3FA9] =	sst s4  }
0xd: {  	[smem:$0x3FAA] =	sst s5  }
0xe: {  	[smem:$0x3FAB] =	sst s6  }
0xf: {  	[smem:$0x3FAC] =	sst s7  }
0x10: {  	[smem:$0x3FAD] =	sst s8  }
0x11: {  	[smem:$0x3FAE] =	sst s9;
	s0 =	simm.s32 @!p0 $0x0  }
0x12: {  	s1 =	sld [smem:$0x3F94];
	s0 =	simm.s32 @p0 $0x1  }
0x13: {  	[smem:$0x3FAF] =	sst s0;
	s0 =	simm.s32 @!p1 $0x0  }
0x14: {  	s2 =	sld [smem:$0x3F93];
	s0 =	simm.s32 @p1 $0x1  }
0x15: {  	[smem:$0x3FB0] =	sst s0;
	s0 =	simm.s32 @!p2 $0x0  }
0x16: {  	s3 =	sld [smem:$0x3FDB];
	s0 =	simm.s32 @p2 $0x1  }
0x17: {  	s4 =	simm.s32 $0x1BF5;
	[smem:$0x3FB2] =	sst s0  }
0x18: {  	s0 =	sld [smem:$0x3F95];
	_ =	swait.ge [sflag:s4], $0x0  }
0x19: {  	s7 =	sld [smem:$0x3F96]  }
0x1a: {  	s8 =	sadd.s32 $0xFFFFE003, lr  }
0x1b: {  	s9 =	sadd.s32 $0xFFFFFEF7, lr;
	s5 =	simm.s32 $0xFFFFFFFF;
	p2 =	slt.u32 s8, $0xFFFFF086  }
0x1c: {  	p1 =	slt.u32 s9, $0xF7A;
	s5 =	simm.s32 @!p2 $0x0  }
0x1d: {  	s5 =	simm.s32 @p1 $0x1;
	p0 =	seq.s32 s7, s2  }
0x1e: {  	s7 =	smul.u32 @!p0 $0xF7A, s2;
	p2 =	seq.s32 @!p0 s5, $0x0  }
0x1f: {  	s9 =	smul.u32 $0xF7A, s1;
	s8 =	simm.s32 @!p0 $0x1BF5;
	p2 =	por !p2, p0  }
0x20: {  	[sflag:s8] =	ssyncset.s32 @!p0 $0xFFFFF086;
	s6 =	sadd.s32 @!p0 s3, s7;
	s7 =	simm.s32 @!p0 $0x108  }
0x21: {  	s3 =	sadd.s32 s3, s9;
	s6 =	sadd.s32 @!p0 $0x88, s6;
	s7 =	simm.s32 @p2 $0x1082  }
0x22: {  	[simem:s7], [sflag:s8] =	dma.local @!p0 [hbm:s6], $0xF7A  }
0x23: {  	s9 =	sor.u32 $0xD0000000, s2;
	s6 =	simm.s32 $0x108;
	_ =	swait.ge @!p0 [sflag:s8], $0x0  }
0x24: {  	s3 =	sadd.s32 $0x88, s3;
	s6 =	simm.s32 @!p1 $0x1082;
	[sflag:s4] =	ssyncset.s32 $0xFFFFF086  }
0x25: {  	[simem:s6], [sflag:s4] =	dma.local [hbm:s3], $0xF7A  }
0x26: {  	[smem:$0x3F96] =	sst s1;
	(tag) =	ssettag s2;
	_ =	strace s9  }
0x27: {  	s1 =	sld [smem:$0x3FA6]  }
0x28: {  	s2 =	sld [smem:$0x3FA7]  }
0x29: {  	s4 =	sld [smem:$0x3FA9]  }
0x2a: {  	p0 =	seq.s32 s5, $0x0;
	s5 =	sld [smem:$0x3FAA]  }
0x2b: {  	s6 =	sld [smem:$0x3FAB]  }
0x2c: {  	s7 =	sld [smem:$0x3FAC]  }
0x2d: {  	s3 =	simm.s32 $0x108;
	s8 =	sld [smem:$0x3FAD]  }
0x2e: {  	s3 =	simm.s32 @!p0 $0x1082;
	s9 =	sld [smem:$0x3FAE]  }
0x2f: {  	lr =	sadd.s32 s0, s3;
	s0 =	sld [smem:$0x3FA5]  }
0x30: {  	s3 =	sld [smem:$0x3FA8]  }
0x31: {  	[smem:$0x3FB1] =	sst s10  }
0x32: {  	s10 =	sld [smem:$0x3FAF];
	_ =	sdelay $0x3  }
0x33: {  	p0 =	seq.s32 s10, $0x1;
	s10 =	sld [smem:$0x3FB1];
	_ =	sdelay $0x3  }
0x34: {  	[smem:$0x3FB1] =	sst s10  }
0x35: {  	s10 =	sld [smem:$0x3FB0];
	_ =	sdelay $0x3  }
0x36: {  	p1 =	seq.s32 s10, $0x1;
	s10 =	sld [smem:$0x3FB1];
	_ =	sdelay $0x3  }
0x37: {  	[smem:$0x3FB1] =	sst s10  }
0x38: {  	s10 =	sld [smem:$0x3FB2]  }
0x39: {  	_ = 	snop;
	(pc) =	sbr.ind lr, $3  }
0x3a: {  	_ = 	snop  }
0x3b: {  	_ = 	snop  }
0x3c: {  	p2 =	seq.s32 s10, $0x1;
	s10 =	sld [smem:$0x3FB1]  }
0x3d: {  	_ =	shalt  }
0x3e: {  	_ =	shalt  }
0x3f: {  	_ =	shalt  }
0x40: {  	_ =	shalt  }
0x41: {  	_ =	shalt  }
0x42: {  	_ =	shalt  }
0x43: {  	_ =	shalt  }
0x44: {  	_ =	shalt  }
0x45: {  	_ =	shalt  }
0x46: {  	_ =	shalt  }
0x47: {  	_ =	shalt  }
0x48: {  	_ =	shalt  }
0x49: {  	_ =	shalt  }
0x4a: {  	_ =	shalt  }
0x4b: {  	_ =	shalt  }
0x4c: {  	_ =	shalt  }
0x4d: {  	_ =	shalt  }
0x4e: {  	_ =	shalt  }
0x4f: {  	_ =	shalt  }
0x50: {  	_ =	shalt  }
0x51: {  	_ =	shalt  }
0x52: {  	_ =	shalt  }
0x53: {  	_ =	shalt  }
0x54: {  	_ =	shalt  }
0x55: {  	_ =	shalt  }
0x56: {  	_ =	shalt  }
0x57: {  	_ =	shalt  }
0x58: {  	_ =	shalt  }
0x59: {  	_ =	shalt  }
0x5a: {  	_ =	shalt  }
0x5b: {  	_ =	shalt  }
0x5c: {  	_ =	shalt  }
0x5d: {  	_ =	shalt  }
0x5e: {  	_ =	shalt  }
0x5f: {  	_ =	shalt  }
0x60: {  	_ =	shalt  }
0x61: {  	_ =	shalt  }
0x62: {  	_ =	shalt  }
0x63: {  	_ =	shalt  }
0x64: {  	_ =	shalt  }
0x65: {  	_ =	shalt  }
0x66: {  	_ =	shalt  }
0x67: {  	_ =	shalt  }
0x68: {  	_ =	shalt  }
0x69: {  	_ =	shalt  }
0x6a: {  	_ =	shalt  }
0x6b: {  	_ =	shalt  }
0x6c: {  	_ =	shalt  }
0x6d: {  	_ =	shalt  }
0x6e: {  	_ =	shalt  }
0x6f: {  	_ =	shalt  }
0x70: {  	_ =	shalt  }
0x71: {  	_ =	shalt  }
0x72: {  	_ =	shalt  }
0x73: {  	_ =	shalt  }
0x74: {  	_ =	shalt  }
0x75: {  	_ =	shalt  }
0x76: {  	_ =	shalt  }
0x77: {  	_ =	shalt  }
0x78: {  	_ =	shalt  }
0x79: {  	_ =	shalt  }
0x7a: {  	_ =	shalt  }
0x7b: {  	_ =	shalt  }
0x7c: {  	_ =	shalt  }
0x7d: {  	_ =	shalt  }
0x7e: {  	_ =	shalt  }
0x7f: {  	_ =	shalt  }
0x80: {  	_ =	shalt  }
0x81: {  	_ =	shalt  }
0x82: {  	_ =	shalt  }
0x83: {  	_ =	shalt  }
0x84: {  	_ =	shalt  }
0x85: {  	_ =	shalt  }
0x86: {  	_ =	shalt  }
0x87: {  	_ =	shalt  }
.Lfunc_end0:
.L_simem_size_0:
called_computation_lowered:
.L_overlay_start_0:
0x88: {  	s2 =	sld [smem:$0x3FD9]  }
0x89: {  	s3 =	sld [smem:$0x3FFE];
	_ =	sdelay $0x1  }
0x8a: {  	s1 =	srdreg.scid  }
0x8b: {  	s0 =	sand.u32 $0x1, s1  }
0x8c: {  	s14 =	sshll.u32 s0, $0xA;
	s2 =	sadd.s32 s3, s2  }
0x8d: {  	s2 =	sadd.s32 s2, s14  }
0x8e: {  	[smem:$0x3FBD] =	sst s2  }
0x8f: {  	_ = 	snop  }
0x90: {  	s2 =	sld [smem:$0x3FD0];
	_ =	sdelay $0x2  }
0x91: {  	s15 =	simm.s32 $0xA;
	s4 =	simm.s32 $0x10  }
0x92: {  	[smem:s4], [sflag:s15] =	dma.local [hbm:s2], $0x1  }
0x93: {  	_ =	swait.eq [sflag:s15], $0x1  }
0x94: {  	[sflag:s15] =	ssyncset.done $0x0  }
0x95: {  	s16 =	sld [smem:$0x10];
	[sflag:s15] =	ssyncadd.s32 $0xFFFFFFFF  }
0x96: {  	s17 =	sld [smem:$0x11];
	(tm) =	ssettm $0x1  }
0x97: {  	s18 =	sld [smem:$0x3FFB];
	_ =	sdelay $0x3  }
0x98: {  	_ =	strace s18  }
0x99: {  	s4 =	sld [smem:$0x3FFC];
	_ =	sdelay $0x3  }
0x9a: {  	_ =	strace s4  }
0x9b: {  	s4 =	sld [smem:$0x3FFD];
	_ =	sdelay $0x3  }
0x9c: {  	_ =	strace s4  }
0x9d: {  	_ =	strace $0x8FFFFFFF  }
0x9e: {  	s19 =	sld [smem:$0x3FDB];
	_ =	sdelay $0x1  }
0x9f: {  	s5 =	simm.s32 $_scs_section_size  }
0xa0: {  	s6 =	simm.s32 $_size__tile_overlayer_lowered;
	s7 =	simm.s32 $_tile_overlayer_lowered  }
0xa1: {  	s22 =	simm.s32 $0x1BFF;
	s21 =	sshll.u32 s7, $0x1;
	s4 =	sadd.s32 s5, s19  }
0xa2: {  	s8 =	simm.s32 $0x0;
	s20 =	sshll.u32 s6, $0x1;
	s6 =	sadd.s32 s21, s4  }
0xa3: {  	[timem:s8], [sflag:s22] =	dma.local [hbm:s6], s20  }
0xa4: {  	_ =	swait.ge [sflag:s22], s20  }
0xa5: {  	s5 =	ssub.s32 $0x0, s20;
	[sflag:s22] =	ssyncset.done $0x0  }
0xa6: {  	[sflag:s22] =	ssyncadd.s32 s5;
	_ =	sdelay $0x1  }
0xa7: {  	s23 =	simm.s32 $0x1B8B  }
0xa8: {  	_ =	swait.ge [sflag:s23], $0x1  }
0xa9: {  	[sflag:s23] =	ssyncset.done $0x0  }
0xaa: {  	s25 =	simm.s32 $0x1B8E;
	s24 =	sld [smem:$0x3FFE];
	[sflag:s23] =	ssyncadd.s32 $0xFFFFFFFF  }
0xab: {  	s26 =	simm.s32 $execute0_lowered;
	[smem:$0x3FD2] =	sst s25  }
0xac: {  	s6 =	sshll.u32 s26, $0x1;
	_ =	strace $0x80000046;
	[dreg:$0x1] =	wrdreg $0xFFFFFFFF  }
0xad: {  	s28 =	simm.s32 $_size_execute0_lowered;
	s4 =	sadd.s32 s4, s6;
	[dreg:$0x0] =	wrdreg $0x0  }
0xae: {  	s6 =	sshll.u32 s28, $0x1;
	[dreg:$0x2] =	wrdreg s4  }
0xaf: {  	[dreg:$0x3] =	wrdreg s6  }
0xb0: {  	[dreg:$0x4] =	wrdreg $0xC0  }
0xb1: {  	_ =	task [dreg:s8], $0x5FFFF  }
0xb2: {  	[dreg:$0x1] =	wrdreg $0xFFFFFFFF  }
0xb3: {  	[dreg:$0x0] =	wrdreg $0x60  }
0xb4: {  	[dreg:$0x2] =	wrdreg s17  }
0xb5: {  	[dreg:$0x3] =	wrdreg s24  }
0xb6: {  	[dreg:$0x4] =	wrdreg s16  }
0xb7: {  	[dreg:$0x5] =	wrdreg $0x56F00  }
0xb8: {  	[dreg:$0x6] =	wrdreg $0x9  }
0xb9: {  	_ =	task.clear_ibuf [dreg:s8], $0x7FFFF;
	_ =	strace $0x90000046  }
0xba: {  	s29 =	simm.s32 $0x9;
	_ =	strace $0x80000048  }
0xbb: {  	_ =	swait.ge [sflag:s29], $0x1  }
0xbc: {  	[sflag:s29] =	ssyncadd.s32 $0xFFFFFFFF  }
0xbd: {  	_ =	strace $0x90000048  }
0xbe: {  	_ =	sfence  }
0xbf: {  	s30 =	sld [smem:$0x0];
	_ =	sdelay $0x2  }
0xc0: {  	s31 =	sshll.u32 s1, $0xD;
	s1 =	sshrl.u32 s1, $0x2  }
0xc1: {  	s3 =	sand.u32 $0x4000, s31;
	s1 =	sadd.s32 s1, s30  }
0xc2: {  	s0 =	sor.u32 s3, s0;
	s1 =	sshll.u32 s1, $0x11  }
0xc3: {  	s0 =	sor.u32 s1, s0  }
0xc4: {  	s0 =	sadd.s32 $0x8F2B, s0  }
0xc5: {  	[sflag:s0] =	ssyncadd.remote.s32 $0x1  }
0xc6: {  	_ =	sfence.sel $0xFFFF  }
0xc7: {  	[dreg:$0x0] =	wrdreg $0xFFFFFFFF;
	(pc) =	sbr.abs _section_cstart, $3  }
0xc8: {  	[dreg:$0x1] =	wrdreg $0xFFFFFFFF  }
0xc9: {  	_ =	task.clear_ibuf [dreg:s8], $0x2FFFF;
	_ =	strace $0x9FFFFFFF  }
0xca: {  	(tm) =	ssettm $0x7FFFFFFF  }
0xcb: {  	_ =	shalt  }
tec
execute0_lowered:
.L_overlay_start_1:
0x0: {  	(tag) =	ssettag $0x1  }
0x1: {  	s1 =	rddreg [dreg:$0x0]  }
0x2: {  	s0 =	rddreg [dreg:$0x1]  }
0x3: {  	s2 =	rddreg [dreg:$0x2]  }
0x4: {  	[dreg:$0x7] =	wrdreg s2  }
0x5: {  	s4 =	simm.s32 $0x0;
	s2 =	rddreg [dreg:$0x3]  }
0x6: {  	[smem:$0x7FF] =	sst s4;
	s6 =	sadd.s32 $0x65000, s0  }
0x7: {  	s9 =	sadd.s32 $0x3400, s0;
	_ =	strace $0x80000047;
	[dreg:$0x5] =	wrdreg s6  }
0x8: {  	s11 =	sadd.s32 $0x24D600, s0;
	[dreg:$0x6] =	wrdreg s9  }
0x9: {  	s19 =	simm.s32 $0xD00;
	[dreg:$0x8] =	wrdreg s11  }
0xa: {  	s21 =	simm.s32 $0x300;
	[dreg:$0x9] =	wrdreg s19  }
0xb: {  	s3 =	srdreg.scid;
	s23 =	simm.s32 $0x3500;
	[dreg:$0xa] =	wrdreg s21  }
0xc: {  	s10 =	stileid.u32;
	s25 =	simm.s32 $0x1500;
	[dreg:$0xb] =	wrdreg s23  }
0xd: {  	s3 =	sand.u32 $0x1, s3;
	[dreg:$0xc] =	wrdreg s25;
	s11 =	simm.s32 $0x3D00  }
0xe: {  	s7 =	smul.u32 $0x1870, s10;
	s19 =	simm.s32 $0x2500;
	[dreg:$0xe] =	wrdreg s11  }
0xf: {  	s8 =	ssub.s32 $0x2, s3;
	s21 =	simm.s32 $0x480;
	[dreg:$0x12] =	wrdreg s19  }
0x10: {  	s9 =	smul.u32 $0x61C0, s10;
	s23 =	simm.s32 $0x4D00;
	[dreg:$0x13] =	wrdreg s21  }
0x11: {  	s5 =	smul.u32 $0x18700, s3;
	s12 =	sshrl.u32 s8, $0x1;
	[dreg:$0x14] =	wrdreg s23  }
0x12: {  	s13 =	ssub.s32 s8, s12;
	s14 =	sshrl.u32 s9, $0x2;
	s9 =	simm.s32 $0x380  }
0x13: {  	s5 =	sadd.s32 s7, s5;
	s6 =	smax.u32 s13, $0x1;
	[dreg:$0xd] =	wrdreg s9  }
0x14: {  	s5 =	sshrl.u32 s5, $0x3;
	s13 =	simm.s32 $0x1D00;
	[dreg:$0x17] =	wrdreg s6  }
0x15: {  	s0 =	sadd.s32 s5, s0;
	s5 =	sadd.s32 s14, s2;
	[dreg:$0xf] =	wrdreg s13  }
0x16: {  	s0 =	sadd.s32 $0x867E00, s0;
	[dreg:$0x15] =	wrdreg s5  }
0x17: {  	s15 =	sadd.s32 $0x170, s5;
	[dreg:$0x16] =	wrdreg s0  }
0x18: {  	s16 =	sadd.s32 $0x2E0, s5;
	[dreg:$0x18] =	wrdreg s15  }
0x19: {  	s17 =	sadd.s32 $0x450, s5;
	[dreg:$0x19] =	wrdreg s16  }
0x1a: {  	s18 =	sadd.s32 $0x5C0, s5;
	[dreg:$0x1a] =	wrdreg s17  }
0x1b: {  	s20 =	sadd.s32 $0x730, s5;
	[dreg:$0x1b] =	wrdreg s18  }
0x1c: {  	s28 =	simm.s32 $0x5580;
	s22 =	sadd.s32 $0x8A0, s5;
	[dreg:$0x1c] =	wrdreg s20  }
0x1d: {  	s29 =	simm.s32 $0x4;
	s24 =	sadd.s32 $0xA10, s5;
	[dreg:$0x1d] =	wrdreg s22  }
0x1e: {  	s30 =	simm.s32 $0x280;
	s26 =	sadd.s32 $0xB80, s5;
	[dreg:$0x1e] =	wrdreg s24  }
0x1f: {  	s8 =	sshll.u32 s10, $0x1;
	s10 =	sadd.s32 $0xCF0, s5;
	[dreg:$0x1f] =	wrdreg s26  }
0x20: {  	s31 =	simm.s32 $0x80;
	s12 =	sadd.s32 $0xE60, s5;
	[smem:$0x7F3] =	sst s10  }
0x21: {  	s11 =	simm.s32 $0x5500;
	s14 =	sadd.s32 $0xFD0, s5;
	[smem:$0x7F4] =	sst s12  }
0x22: {  	s9 =	simm.s32 $0x1;
	[smem:$0x7F5] =	sst s14;
	s16 =	sadd.s32 $0x1140, s5  }
0x23: {  	s6 =	simm.s32 $0x100;
	s15 =	simm.s32 $0x400;
	[smem:$0x7F6] =	sst s16  }
0x24: {  	s13 =	simm.s32 $0x3;
	s18 =	sadd.s32 $0x12B0, s5;
	[dreg:$0x10] =	wrdreg s15  }
0x25: {  	s0 =	sadd.s32 s7, s2;
	s17 =	simm.s32 $0x4500;
	[smem:$0x7F7] =	sst s18  }
0x26: {  	s20 =	sadd.s32 $0x1420, s5;
	s22 =	sor.u32 s3, s8;
	[dreg:$0x11] =	wrdreg s17  }
0x27: {  	s24 =	sadd.s32 $0x1590, s5;
	s26 =	sadd.s32 $0x1700, s5;
	[smem:$0x7F8] =	sst s20  }
0x28: {  	s7 =	simm.s32 $0x180;
	s8 =	simm.s32 $0x200;
	[smem:$0x7F9] =	sst s24  }
0x29: {  	s10 =	simm.s32 $0x10;
	s12 =	simm.s32 $0x2;
	[smem:$0x7FA] =	sst s22  }
0x2a: {  	s25 =	ssub.s32 $0x13A7, s22;
	s0 =	sshrl.u32 s0, $0x3;
	[smem:$0x7FD] =	sst s26  }
0x2b: {  	s14 =	simm.s32 $0x0;
	s3 =	sshrl.u32 s25, $0x5;
	[smem:$0x7FC] =	sst s0  }
0x2c: {  	v0 =	vimm.f32 $0.0e+00;
	v1 =	vimm.f32 $1.000000000e+00;
	s0 =	simm.s32 $0x500;
	[smem:$0x7FB] =	sst s3;
	s3 =	simm.s32 $0x2D00  }
.LBB2_1:
0x2d: {  	[tilespmem:$0x5580] =	vst v0  }
0x2e: {  	[tilespmem:$0x5590] =	vst v0  }
0x2f: {  	[tilespmem:$0x55A0] =	vst v0  }
0x30: {  	[tilespmem:$0x55B0] =	vst v0  }
0x31: {  	[tilespmem:$0x55C0] =	vst v0  }
0x32: {  	[tilespmem:$0x55D0] =	vst v0  }
0x33: {  	[tilespmem:$0x55E0] =	vst v0  }
0x34: {  	[tilespmem:$0x55F0] =	vst v0  }
0x35: {  	[tilespmem:$0x5600] =	vst v0  }
0x36: {  	[tilespmem:$0x5610] =	vst v0  }
0x37: {  	[tilespmem:$0x5620] =	vst v0  }
0x38: {  	[tilespmem:$0x5630] =	vst v0  }
0x39: {  	[tilespmem:$0x5640] =	vst v0  }
0x3a: {  	[tilespmem:$0x5650] =	vst v0  }
0x3b: {  	[tilespmem:$0x5660] =	vst v0  }
0x3c: {  	[tilespmem:$0x5670] =	vst v0  }
0x3d: {  	[tilespmem:$0x5680] =	vst v0  }
0x3e: {  	[tilespmem:$0x5690] =	vst v0  }
0x3f: {  	[tilespmem:$0x56A0] =	vst v0  }
0x40: {  	[tilespmem:$0x56B0] =	vst v0  }
0x41: {  	[tilespmem:$0x56C0] =	vst v0  }
0x42: {  	[tilespmem:$0x56D0] =	vst v0  }
0x43: {  	[tilespmem:$0x56E0] =	vst v0  }
0x44: {  	[tilespmem:$0x5500] =	vst v1  }
0x45: {  	[tilespmem:$0x5510] =	vst v1  }
0x46: {  	[tilespmem:$0x5520] =	vst v1  }
0x47: {  	[tilespmem:$0x5530] =	vst v1  }
0x48: {  	[tilespmem:$0x5540] =	vst v1  }
0x49: {  	[tilespmem:$0x5550] =	vst v1  }
0x4a: {  	[tilespmem:$0x5560] =	vst v1  }
0x4b: {  	[tilespmem:$0x5570] =	vst v1;
	s5 =	rddreg [dreg:$0x15]  }
0x4c: {  	[spmem:s5] =	stream.linear.scatter [tilespmem:s28], [sflag:$0x4], $0x170, $0x38;
	[tilespmem:$0x6F60] =	vst v63  }
0x4d: {  	_ =	swait.ge [sflag:s29], $0x170  }
0x4e: {  	[sflag:s29] =	ssyncset.done $0x0  }
0x4f: {  	s16 =	rddreg [dreg:$0x18];
	[sflag:s29] =	ssyncadd.s32 $0xFFFFFE90  }
0x50: {  	[spmem:s16] =	stream.linear.scatter [tilespmem:s28], [sflag:$0x4], $0x170, $0x38;
	[tilespmem:$0x6F60] =	vst v63  }
0x51: {  	_ =	swait.ge [sflag:s29], $0x170  }
0x52: {  	[sflag:s29] =	ssyncset.done $0x0  }
0x53: {  	s17 =	rddreg [dreg:$0x19];
	[sflag:s29] =	ssyncadd.s32 $0xFFFFFE90  }
0x54: {  	[spmem:s17] =	stream.linear.scatter [tilespmem:s28], [sflag:$0x4], $0x170, $0x38;
	[tilespmem:$0x6F60] =	vst v63  }
0x55: {  	_ =	swait.ge [sflag:s29], $0x170  }
0x56: {  	[sflag:s29] =	ssyncset.done $0x0  }
0x57: {  	s18 =	rddreg [dreg:$0x1a];
	[sflag:s29] =	ssyncadd.s32 $0xFFFFFE90  }
0x58: {  	[spmem:s18] =	stream.linear.scatter [tilespmem:s28], [sflag:$0x4], $0x170, $0x38;
	[tilespmem:$0x6F60] =	vst v63  }
0x59: {  	_ =	swait.ge [sflag:s29], $0x170  }
0x5a: {  	[sflag:s29] =	ssyncset.done $0x0  }
0x5b: {  	s19 =	rddreg [dreg:$0x1b];
	[sflag:s29] =	ssyncadd.s32 $0xFFFFFE90  }
0x5c: {  	[spmem:s19] =	stream.linear.scatter [tilespmem:s28], [sflag:$0x4], $0x170, $0x38;
	[tilespmem:$0x6F60] =	vst v63  }
0x5d: {  	_ =	swait.ge [sflag:s29], $0x170  }
0x5e: {  	[sflag:s29] =	ssyncset.done $0x0  }
0x5f: {  	s20 =	rddreg [dreg:$0x1c];
	[sflag:s29] =	ssyncadd.s32 $0xFFFFFE90  }
0x60: {  	[spmem:s20] =	stream.linear.scatter [tilespmem:s28], [sflag:$0x4], $0x170, $0x38;
	[tilespmem:$0x6F60] =	vst v63  }
0x61: {  	_ =	swait.ge [sflag:s29], $0x170  }
0x62: {  	[sflag:s29] =	ssyncset.done $0x0  }
0x63: {  	s21 =	rddreg [dreg:$0x1d];
	[sflag:s29] =	ssyncadd.s32 $0xFFFFFE90  }
0x64: {  	[spmem:s21] =	stream.linear.scatter [tilespmem:s28], [sflag:$0x4], $0x170, $0x38;
	[tilespmem:$0x6F60] =	vst v63  }
0x65: {  	_ =	swait.ge [sflag:s29], $0x170  }
0x66: {  	[sflag:s29] =	ssyncset.done $0x0  }
0x67: {  	s22 =	rddreg [dreg:$0x1e];
	[sflag:s29] =	ssyncadd.s32 $0xFFFFFE90  }
0x68: {  	[spmem:s22] =	stream.linear.scatter [tilespmem:s28], [sflag:$0x4], $0x170, $0x38;
	[tilespmem:$0x6F60] =	vst v63  }
0x69: {  	_ =	swait.ge [sflag:s29], $0x170  }
0x6a: {  	[sflag:s29] =	ssyncset.done $0x0  }
0x6b: {  	s23 =	rddreg [dreg:$0x1f];
	[sflag:s29] =	ssyncadd.s32 $0xFFFFFE90  }
0x6c: {  	[spmem:s23] =	stream.linear.scatter [tilespmem:s28], [sflag:$0x4], $0x170, $0x38;
	[tilespmem:$0x6F60] =	vst v63  }
0x6d: {  	_ =	swait.ge [sflag:s29], $0x170  }
0x6e: {  	s24 =	sld [smem:$0x7F3]  }
0x6f: {  	[sflag:s29] =	ssyncset.done $0x0  }
0x70: {  	[sflag:s29] =	ssyncadd.s32 $0xFFFFFE90  }
0x71: {  	[spmem:s24] =	stream.linear.scatter [tilespmem:s28], [sflag:$0x4], $0x170, $0x38;
	[tilespmem:$0x6F60] =	vst v63  }
0x72: {  	_ =	swait.ge [sflag:s29], $0x170  }
0x73: {  	s25 =	sld [smem:$0x7F4]  }
0x74: {  	[sflag:s29] =	ssyncset.done $0x0  }
0x75: {  	[sflag:s29] =	ssyncadd.s32 $0xFFFFFE90  }
0x76: {  	[spmem:s25] =	stream.linear.scatter [tilespmem:s28], [sflag:$0x4], $0x170, $0x38;
	[tilespmem:$0x6F60] =	vst v63  }
0x77: {  	_ =	swait.ge [sflag:s29], $0x170  }
0x78: {  	s26 =	sld [smem:$0x7F5]  }
0x79: {  	[sflag:s29] =	ssyncset.done $0x0  }
0x7a: {  	[sflag:s29] =	ssyncadd.s32 $0xFFFFFE90  }
0x7b: {  	[spmem:s26] =	stream.linear.scatter [tilespmem:s28], [sflag:$0x4], $0x170, $0x38;
	[tilespmem:$0x6F60] =	vst v63  }
0x7c: {  	_ =	swait.ge [sflag:s29], $0x170  }
0x7d: {  	s15 =	sld [smem:$0x7F6]  }
0x7e: {  	[sflag:s29] =	ssyncset.done $0x0  }
0x7f: {  	[sflag:s29] =	ssyncadd.s32 $0xFFFFFE90  }
0x80: {  	[spmem:s15] =	stream.linear.scatter [tilespmem:s28], [sflag:$0x4], $0x170, $0x38;
	[tilespmem:$0x6F60] =	vst v63  }
0x81: {  	_ =	swait.ge [sflag:s29], $0x170  }
0x82: {  	s16 =	sld [smem:$0x7F7]  }
0x83: {  	[sflag:s29] =	ssyncset.done $0x0  }
0x84: {  	[sflag:s29] =	ssyncadd.s32 $0xFFFFFE90  }
0x85: {  	[spmem:s16] =	stream.linear.scatter [tilespmem:s28], [sflag:$0x4], $0x170, $0x38;
	[tilespmem:$0x6F60] =	vst v63  }
0x86: {  	_ =	swait.ge [sflag:s29], $0x170  }
0x87: {  	s17 =	sld [smem:$0x7F8]  }
0x88: {  	[sflag:s29] =	ssyncset.done $0x0  }
0x89: {  	[sflag:s29] =	ssyncadd.s32 $0xFFFFFE90  }
0x8a: {  	[spmem:s17] =	stream.linear.scatter [tilespmem:s28], [sflag:$0x4], $0x170, $0x38;
	[tilespmem:$0x6F60] =	vst v63  }
0x8b: {  	_ =	swait.ge [sflag:s29], $0x170  }
0x8c: {  	s18 =	sld [smem:$0x7F9]  }
0x8d: {  	[sflag:s29] =	ssyncset.done $0x0  }
0x8e: {  	[sflag:s29] =	ssyncadd.s32 $0xFFFFFE90  }
0x8f: {  	[spmem:s18] =	stream.linear.scatter [tilespmem:s28], [sflag:$0x4], $0x170, $0x38;
	[tilespmem:$0x6F60] =	vst v63  }
0x90: {  	_ =	swait.ge [sflag:s29], $0x170  }
0x91: {  	s19 =	sld [smem:$0x7FD]  }
0x92: {  	[sflag:s29] =	ssyncset.done $0x0  }
0x93: {  	[sflag:s29] =	ssyncadd.s32 $0xFFFFFE90  }
0x94: {  	[spmem:s19] =	stream.linear.scatter [tilespmem:s28], [sflag:$0x4], $0x170, $0x38;
	[tilespmem:$0x6F60] =	vst v63  }
0x95: {  	_ =	swait.ge [sflag:s29], $0x170  }
0x96: {  	[sflag:s29] =	ssyncset.done $0x0  }
0x97: {  	[sflag:s29] =	ssyncadd.s32 $0xFFFFFE90  }
0x98: {  	[bflag:$0x0] =	sbarrier.arrive $0xFFFF  }
0x99: {  	s5 =	sld [smem:$0x7FA];
	_ =	sdelay $0x2  }
0x9a: {  	s15 =	smul.u32 $0x280, s5;
	_ =	sdelay $0x1  }
0x9b: {  	s17 =	rddreg [dreg:$0x5];
	s18 =	sshrl.u32 s15, $0x3  }
0x9c: {  	s17 =	sadd.s32 s17, s18  }
0x9d: {  	[tilespmem:s4], [sflag:$0x4] =	stream.linear.gather [hbm4b:s17+s4], $0x280, $0x38;
	[tilespmem:$0x6F60] =	vst v63  }
0x9e: {  	_ =	swait.ge [sflag:s29], $0x280  }
0x9f: {  	s20 =	rddreg [dreg:$0x6];
	[sflag:s29] =	ssyncset.done $0x0  }
0xa0: {  	[sflag:s29] =	ssyncadd.s32 $0xFFFFFD80;
	s17 =	sadd.s32 s20, s18  }
0xa1: {  	[tilespmem:s30], [sflag:$0x4] =	stream.linear.gather [hbm4b:s17+s4], $0x280, $0x38;
	[tilespmem:$0x6F60] =	vst v63  }
0xa2: {  	_ =	swait.ge [sflag:s29], $0x280  }
0xa3: {  	s21 =	rddreg [dreg:$0xb]  }
0xa4: {  	[sflag:s29] =	ssyncset.done $0x0;
	s23 =	rddreg [dreg:$0x9]  }
0xa5: {  	s19 =	rddreg [dreg:$0x11];
	[sflag:s29] =	ssyncadd.s32 $0xFFFFFD80  }
0xa6: {  	[tilespmem:s0], [sflag:$0x1] =	stream.indirect.gather [hbm4b:s1+s31], $0x10, s4, s31, $0xb8;
	[tilespmem:$0x6F60] =	vst v63  }
0xa7: {  	s22 =	rddreg [dreg:$0xa]  }
0xa8: {  	[tilespmem:s3], [sflag:$0x1] =	stream.indirect.gather [hbm4b:s1+s31], $0x10, s30, s31, $0xb8;
	[tilespmem:$0x6F60] =	vst v63  }
0xa9: {  	s24 =	rddreg [dreg:$0xc]  }
0xaa: {  	[tilespmem:s23], [sflag:$0x1] =	stream.indirect.gather [hbm4b:s1+s31], $0x10, s31, s31, $0xb8;
	[tilespmem:$0x6F60] =	vst v63  }
0xab: {  	s25 =	rddreg [dreg:$0xe]  }
0xac: {  	[tilespmem:s21], [sflag:$0x1] =	stream.indirect.gather [hbm4b:s1+s31], $0x10, s22, s31, $0xb8;
	[tilespmem:$0x6F60] =	vst v63  }
0xad: {  	s26 =	rddreg [dreg:$0xd]  }
0xae: {  	[tilespmem:s24], [sflag:$0x1] =	stream.indirect.gather [hbm4b:s1+s31], $0x10, s6, s31, $0xb8;
	[tilespmem:$0x6F60] =	vst v63  }
0xaf: {  	s16 =	rddreg [dreg:$0xf]  }
0xb0: {  	[tilespmem:s25], [sflag:$0x1] =	stream.indirect.gather [hbm4b:s1+s31], $0x10, s26, s31, $0xb8;
	[tilespmem:$0x6F60] =	vst v63  }
0xb1: {  	s20 =	rddreg [dreg:$0x10]  }
0xb2: {  	[tilespmem:s16], [sflag:$0x1] =	stream.indirect.gather [hbm4b:s1+s31], $0x10, s7, s31, $0xb8;
	[tilespmem:$0x6F60] =	vst v63  }
0xb3: {  	s23 =	rddreg [dreg:$0x12]  }
0xb4: {  	[tilespmem:s19], [sflag:$0x1] =	stream.indirect.gather [hbm4b:s1+s31], $0x10, s20, s31, $0xb8;
	[tilespmem:$0x6F60] =	vst v63  }
0xb5: {  	s21 =	rddreg [dreg:$0x14];
	s24 =	sshra.s32 s15, $0x1F  }
0xb6: {  	[tilespmem:s23], [sflag:$0x1] =	stream.indirect.gather [hbm4b:s1+s31], $0x10, s8, s31, $0xb8;
	[tilespmem:$0x6F60] =	vst v63  }
0xb7: {  	s17 =	smul.u32 $0x66666667, s24;
	s25 =	rddreg [dreg:$0x13]  }
0xb8: {  	[tilespmem:s21], [sflag:$0x1] =	stream.indirect.gather [hbm4b:s1+s31], $0x10, s25, s31, $0xb8;
	[tilespmem:$0x6F60] =	vst v63  }
0xb9: {  	s26 =	smulhi.u32 $0x66666667, s15;
	_ =	swait.ge [sflag:s9], $0x800  }
0xba: {  	[sflag:s9] =	ssyncset.done $0x0  }
0xbb: {  	s17 =	sadd.s32 s17, s26;
	[sflag:s9] =	ssyncadd.s32 $0xFFFFF800  }
0xbc: {  	s18 =	sshrl.u32 s17, $0x1F;
	s17 =	sshra.s32 s17, $0xB;
	_ =	swait.ge [sflag:s9], $0x800  }
0xbd: {  	s17 =	sadd.s32 s18, s17;
	[sflag:s9] =	ssyncset.done $0x0  }
0xbe: {  	s18 =	smul.u32 $0xFFFFEC00, s17;
	[sflag:s9] =	ssyncadd.s32 $0xFFFFF800  }
0xbf: {  	_ =	swait.ge [sflag:s9], $0x800  }
0xc0: {  	s18 =	sadd.s32 s15, s18;
	[sflag:s9] =	ssyncset.done $0x0  }
0xc1: {  	p1 =	slt.s32 s18, $0x0;
	s19 =	sadd.s32 $0x1400, s18;
	[sflag:s9] =	ssyncadd.s32 $0xFFFFF800  }
0xc2: {  	p0 =	sne.s32 s18, $0x0;
	s18 =	smov.u32 @p1 s19;
	_ =	swait.ge [sflag:s9], $0x800  }
0xc3: {  	s19 =	sshll.u32 s18, $0x10;
	[sflag:s9] =	ssyncset.done $0x0  }
0xc4: {  	s19 =	sshra.s32 s19, $0x10;
	[sflag:s9] =	ssyncadd.s32 $0xFFFFF800  }
0xc5: {  	s19 =	smul.u32 $0x6667, s19;
	_ =	swait.ge [sflag:s9], $0x800  }
0xc6: {  	p4 =	slt.s32 s15, $0x1;
	s22 =	simm.s32 $0x1;
	[sflag:s9] =	ssyncset.done $0x0  }
0xc7: {  	s16 =	sshrl.u32 s19, $0x1F;
	s19 =	sshra.s32 s19, $0x18;
	[sflag:s9] =	ssyncadd.s32 $0xFFFFF800  }
0xc8: {  	p0 =	por !p4, !p0;
	s20 =	sadd.s32 s16, s19;
	_ =	swait.ge [sflag:s9], $0x800  }
0xc9: {  	p0 =	por !p0, !p0;
	s19 =	smul.u32 $0xFFFFFD80, s20;
	[sflag:s9] =	ssyncset.done $0x0  }
0xca: {  	p5 =	slt.s32 s18, $0x1;
	s22 =	simm.s32 @!p0 $0x0;
	[sflag:s9] =	ssyncadd.s32 $0xFFFFF800  }
0xcb: {  	s17 =	ssub.s32 s17, s22;
	s19 =	sadd.s32 s18, s19;
	_ =	swait.ge [sflag:s9], $0x800  }
0xcc: {  	s17 =	smul.u32 $0x280, s17;
	s21 =	sand.u32 $0xFF80, s19;
	[sflag:s9] =	ssyncset.done $0x0  }
0xcd: {  	s23 =	sshll.u32 s19, $0x10;
	s19 =	simm.s32 $0x1;
	[sflag:s9] =	ssyncadd.s32 $0xFFFFF800  }
0xce: {  	p6 =	sne.s32 s21, $0x0;
	s18 =	sshra.s32 s23, $0x10;
	_ =	swait.ge [sflag:s9], $0x800  }
0xcf: {  	p0 =	por !p5, !p6;
	p1 =	slt.s32 s18, $0x0;
	[sflag:s9] =	ssyncset.done $0x0  }
0xd0: {  	s22 =	sadd.s32 $0x280, s18;
	p0 =	por !p0, !p0;
	[sflag:s9] =	ssyncadd.s32 $0xFFFFF800  }
0xd1: {  	s18 =	smov.u32 @p1 s22;
	s19 =	simm.s32 @!p0 $0x0;
	_ =	swait.ge [sflag:s9], $0x800  }
0xd2: {  	s17 =	sadd.s32 s17, s18;
	s15 =	ssub.s32 s20, s19;
	[sflag:s9] =	ssyncset.done $0x0  }
0xd3: {  	s17 =	sshll.u32 s17, $0x7;
	s15 =	sshll.u32 s15, $0x4;
	[sflag:s9] =	ssyncadd.s32 $0xFFFFF800  }
0xd4: {  	s15 =	sadd.s32 s15, s17;
	_ =	swait.ge [sflag:s9], $0x800  }
0xd5: {  	s15 =	sshrl.u32 s15, $0x3;
	s24 =	rddreg [dreg:$0x7];
	[sflag:s9] =	ssyncset.done $0x0  }
0xd6: {  	s25 =	rddreg [dreg:$0x8];
	[sflag:s9] =	ssyncadd.s32 $0xFFFFF800;
	s18 =	sadd.s32 s24, s15  }
0xd7: {  	[hbm4b:s18+s10] =	stream.strided.scatter [tilespmem:s0], [sflag:$0x2], $0x2800, s31, s10, $0x38;
	[tilespmem:$0x6F60] =	vst v63  }
0xd8: {  	s15 =	sadd.s32 s25, s15  }
0xd9: {  	[hbm4b:s15+s10] =	stream.strided.scatter [tilespmem:s3], [sflag:$0x2], $0x2800, s31, s10, $0x38;
	[tilespmem:$0x6F60] =	vst v63  }
0xda: {  	_ = 	snop  }
0xdb: {  	[spmem:s2] =	stream.indirect.scatter.add.f32 [tilespmem:s11], [sflag:$0x3], $0x1, s4, s31, $0xb8;
	[tilespmem:$0x6F60] =	vst v63  }
0xdc: {  	_ = 	snop  }
0xdd: {  	[spmem:s2] =	stream.indirect.scatter.add.f32 [tilespmem:s11], [sflag:$0x3], $0x1, s31, s31, $0xb8;
	[tilespmem:$0x6F60] =	vst v63  }
0xde: {  	_ = 	snop  }
0xdf: {  	[spmem:s2] =	stream.indirect.scatter.add.f32 [tilespmem:s11], [sflag:$0x3], $0x1, s6, s31, $0xb8;
	[tilespmem:$0x6F60] =	vst v63  }
0xe0: {  	_ = 	snop  }
0xe1: {  	[spmem:s2] =	stream.indirect.scatter.add.f32 [tilespmem:s11], [sflag:$0x3], $0x1, s7, s31, $0xb8;
	[tilespmem:$0x6F60] =	vst v63  }
0xe2: {  	_ = 	snop  }
0xe3: {  	[spmem:s2] =	stream.indirect.scatter.add.f32 [tilespmem:s11], [sflag:$0x3], $0x1, s8, s31, $0xb8;
	[tilespmem:$0x6F60] =	vst v63  }
0xe4: {  	_ =	swait.ge [sflag:s12], $0x2800  }
0xe5: {  	s26 =	sld [smem:$0x7FB];
	_ =	sdelay $0x2  }
0xe6: {  	p0 =	sne.s32 s26, $0x1  }
.Ltmp0:
0xe7: {  	_ = 	snop;
	(pc) =	sbr.rel @!p0 .LBB2_3-.Ltmp0, $4  }
0xe8: {  	_ = 	snop  }
0xe9: {  	[sflag:s12] =	ssyncset.done $0x0  }
0xea: {  	[sflag:s12] =	ssyncadd.s32 $0xFFFFD800  }
0xeb: {  	s22 =	smov.u32 s5;
	_ =	swait.ge [sflag:s12], $0x2800;
	s15 =	sadd.s32 $0xFFFFFFFF, s26  }
.LBB2_2:
0xec: {  	[sflag:s12] =	ssyncset.done $0x0;
	s22 =	sadd.s32 $0x20, s22  }
0xed: {  	s17 =	smul.u32 $0x280, s22;
	[sflag:s12] =	ssyncadd.s32 $0xFFFFD800  }
0xee: {  	_ =	swait.ge [sflag:s13], $0x80  }
0xef: {  	s19 =	sshra.s32 s17, $0x1F;
	[sflag:s13] =	ssyncset.done $0x0;
	s20 =	smulhi.u32 $0x66666667, s17  }
0xf0: {  	s19 =	smul.u32 $0x66666667, s19;
	[sflag:s13] =	ssyncadd.s32 $0xFFFFFF80  }
0xf1: {  	_ =	swait.ge [sflag:s13], $0x80  }
0xf2: {  	[sflag:s13] =	ssyncset.done $0x0;
	s19 =	sadd.s32 s19, s20  }
0xf3: {  	[sflag:s13] =	ssyncadd.s32 $0xFFFFFF80;
	s20 =	sshrl.u32 s19, $0x1F;
	s19 =	sshra.s32 s19, $0xB  }
0xf4: {  	_ =	swait.ge [sflag:s13], $0x80;
	s19 =	sadd.s32 s20, s19  }
0xf5: {  	[sflag:s13] =	ssyncset.done $0x0;
	s20 =	smul.u32 $0xFFFFEC00, s19  }
0xf6: {  	s18 =	sshrl.u32 s17, $0x3;
	[sflag:s13] =	ssyncadd.s32 $0xFFFFFF80  }
0xf7: {  	p4 =	slt.s32 s17, $0x1;
	_ =	swait.ge [sflag:s13], $0x80;
	s20 =	sadd.s32 s17, s20  }
0xf8: {  	[sflag:s13] =	ssyncset.done $0x0;
	p1 =	slt.s32 s20, $0x0;
	s21 =	sadd.s32 $0x1400, s20  }
0xf9: {  	s23 =	smov.u32 s20;
	p2 =	sne.s32 s20, $0x0;
	[sflag:s13] =	ssyncadd.s32 $0xFFFFFF80  }
0xfa: {  	s23 =	smov.u32 @p1 s21;
	p1 =	por !p4, !p2;
	_ =	swait.ge [sflag:s13], $0x80  }
0xfb: {  	s25 =	sshll.u32 s23, $0x10;
	p1 =	por !p1, !p1;
	s16 =	rddreg [dreg:$0x5]  }
0xfc: {  	[sflag:s13] =	ssyncset.done $0x0;
	s20 =	sshra.s32 s25, $0x10;
	s25 =	simm.s32 $0x1  }
0xfd: {  	[sflag:s13] =	ssyncadd.s32 $0xFFFFFF80;
	s21 =	sadd.s32 s16, s18;
	s17 =	smul.u32 $0x6667, s20  }
0xfe: {  	[tilespmem:s4], [sflag:$0x4] =	stream.linear.gather [hbm4b:s21+s4], $0x280, $0x38;
	[tilespmem:$0x6F60] =	vst v63  }
0xff: {  	_ =	swait.ge [sflag:s29], $0x280;
	s26 =	sshrl.u32 s17, $0x1F;
	s17 =	sshra.s32 s17, $0x18  }
0x100: {  	s24 =	rddreg [dreg:$0x6];
	[sflag:s29] =	ssyncset.done $0x0;
	s21 =	sadd.s32 s26, s17  }
0x101: {  	[sflag:s29] =	ssyncadd.s32 $0xFFFFFD80;
	s5 =	smul.u32 $0xFFFFFD80, s21;
	s18 =	sadd.s32 s24, s18  }
0x102: {  	[tilespmem:s30], [sflag:$0x4] =	stream.linear.gather [hbm4b:s18+s4], $0x280, $0x38;
	[tilespmem:$0x6F60] =	vst v63  }
0x103: {  	p5 =	slt.s32 s23, $0x1;
	s25 =	simm.s32 @!p1 $0x0;
	_ =	swait.ge [sflag:s29], $0x280  }
0x104: {  	s17 =	ssub.s32 s19, s25;
	s16 =	sadd.s32 s23, s5;
	s20 =	rddreg [dreg:$0xb]  }
0x105: {  	s19 =	sand.u32 $0xFF80, s16;
	[sflag:s29] =	ssyncset.done $0x0;
	s23 =	rddreg [dreg:$0x9]  }
0x106: {  	s25 =	rddreg [dreg:$0x11];
	p6 =	sne.s32 s19, $0x0;
	[sflag:s29] =	ssyncadd.s32 $0xFFFFFD80  }
0x107: {  	[tilespmem:s0], [sflag:$0x1] =	stream.indirect.gather [hbm4b:s1+s31], $0x10, s4, s31, $0xb8;
	[tilespmem:$0x6F60] =	vst v63  }
0x108: {  	s26 =	rddreg [dreg:$0xe];
	p1 =	por !p5, !p6  }
0x109: {  	[tilespmem:s3], [sflag:$0x1] =	stream.indirect.gather [hbm4b:s1+s31], $0x10, s30, s31, $0xb8;
	[tilespmem:$0x6F60] =	vst v63  }
0x10a: {  	s5 =	rddreg [dreg:$0xa];
	s19 =	simm.s32 $0x1;
	p1 =	por !p1, !p1  }
0x10b: {  	[tilespmem:s23], [sflag:$0x1] =	stream.indirect.gather [hbm4b:s1+s31], $0x10, s31, s31, $0xb8;
	[tilespmem:$0x6F60] =	vst v63  }
0x10c: {  	s24 =	rddreg [dreg:$0xc];
	s19 =	simm.s32 @!p1 $0x0  }
0x10d: {  	[tilespmem:s20], [sflag:$0x1] =	stream.indirect.gather [hbm4b:s1+s31], $0x10, s5, s31, $0xb8;
	[tilespmem:$0x6F60] =	vst v63  }
0x10e: {  	s19 =	ssub.s32 s21, s19;
	s21 =	rddreg [dreg:$0xd]  }
0x10f: {  	[tilespmem:s24], [sflag:$0x1] =	stream.indirect.gather [hbm4b:s1+s31], $0x10, s6, s31, $0xb8;
	[tilespmem:$0x6F60] =	vst v63  }
0x110: {  	s23 =	rddreg [dreg:$0x10]  }
0x111: {  	[tilespmem:s26], [sflag:$0x1] =	stream.indirect.gather [hbm4b:s1+s31], $0x10, s21, s31, $0xb8;
	[tilespmem:$0x6F60] =	vst v63  }
0x112: {  	s20 =	rddreg [dreg:$0xf]  }
0x113: {  	[tilespmem:s20], [sflag:$0x1] =	stream.indirect.gather [hbm4b:s1+s31], $0x10, s7, s31, $0xb8;
	[tilespmem:$0x6F60] =	vst v63  }
0x114: {  	s24 =	rddreg [dreg:$0x14]  }
0x115: {  	[tilespmem:s25], [sflag:$0x1] =	stream.indirect.gather [hbm4b:s1+s31], $0x10, s23, s31, $0xb8;
	[tilespmem:$0x6F60] =	vst v63  }
0x116: {  	s26 =	rddreg [dreg:$0x12]  }
0x117: {  	[tilespmem:s26], [sflag:$0x1] =	stream.indirect.gather [hbm4b:s1+s31], $0x10, s8, s31, $0xb8;
	[tilespmem:$0x6F60] =	vst v63  }
0x118: {  	s21 =	rddreg [dreg:$0x13]  }
0x119: {  	[tilespmem:s24], [sflag:$0x1] =	stream.indirect.gather [hbm4b:s1+s31], $0x10, s21, s31, $0xb8;
	[tilespmem:$0x6F60] =	vst v63  }
0x11a: {  	_ =	swait.ge [sflag:s9], $0x800  }
0x11b: {  	[sflag:s9] =	ssyncset.done $0x0  }
0x11c: {  	[sflag:s9] =	ssyncadd.s32 $0xFFFFF800  }
0x11d: {  	_ =	swait.ge [sflag:s9], $0x800  }
0x11e: {  	[sflag:s9] =	ssyncset.done $0x0  }
0x11f: {  	[sflag:s9] =	ssyncadd.s32 $0xFFFFF800  }
0x120: {  	_ =	swait.ge [sflag:s9], $0x800  }
0x121: {  	[sflag:s9] =	ssyncset.done $0x0  }
0x122: {  	[sflag:s9] =	ssyncadd.s32 $0xFFFFF800  }
0x123: {  	_ =	swait.ge [sflag:s9], $0x800  }
0x124: {  	[sflag:s9] =	ssyncset.done $0x0  }
0x125: {  	[sflag:s9] =	ssyncadd.s32 $0xFFFFF800  }
0x126: {  	_ =	swait.ge [sflag:s9], $0x800  }
0x127: {  	[sflag:s9] =	ssyncset.done $0x0  }
0x128: {  	[sflag:s9] =	ssyncadd.s32 $0xFFFFF800  }
0x129: {  	_ =	swait.ge [sflag:s9], $0x800  }
0x12a: {  	[sflag:s9] =	ssyncset.done $0x0  }
0x12b: {  	[sflag:s9] =	ssyncadd.s32 $0xFFFFF800  }
0x12c: {  	_ =	swait.ge [sflag:s9], $0x800  }
0x12d: {  	[sflag:s9] =	ssyncset.done $0x0  }
0x12e: {  	s18 =	sshll.u32 s16, $0x10;
	[sflag:s9] =	ssyncadd.s32 $0xFFFFF800  }
0x12f: {  	s18 =	sshra.s32 s18, $0x10;
	_ =	swait.ge [sflag:s9], $0x800  }
0x130: {  	p2 =	slt.s32 s18, $0x0;
	[sflag:s9] =	ssyncset.done $0x0  }
0x131: {  	s16 =	sadd.s32 $0x280, s18;
	s23 =	smul.u32 $0x280, s17;
	[sflag:s9] =	ssyncadd.s32 $0xFFFFF800  }
0x132: {  	s18 =	smov.u32 @p2 s16;
	_ =	swait.ge [sflag:s9], $0x800  }
0x133: {  	s5 =	sadd.s32 s23, s18;
	[sflag:s9] =	ssyncset.done $0x0  }
0x134: {  	s5 =	sshll.u32 s5, $0x7;
	s24 =	sshll.u32 s19, $0x4;
	[sflag:s9] =	ssyncadd.s32 $0xFFFFF800  }
0x135: {  	s5 =	sadd.s32 s24, s5;
	_ =	swait.ge [sflag:s9], $0x800  }
0x136: {  	s5 =	sshrl.u32 s5, $0x3;
	s25 =	rddreg [dreg:$0x7];
	[sflag:s9] =	ssyncset.done $0x0  }
0x137: {  	s26 =	rddreg [dreg:$0x8];
	[sflag:s9] =	ssyncadd.s32 $0xFFFFF800;
	s16 =	sadd.s32 s25, s5  }
0x138: {  	[hbm4b:s16+s10] =	stream.strided.scatter [tilespmem:s0], [sflag:$0x2], $0x2800, s31, s10, $0x38;
	[tilespmem:$0x6F60] =	vst v63  }
0x139: {  	s5 =	sadd.s32 s26, s5  }
0x13a: {  	[hbm4b:s5+s10] =	stream.strided.scatter [tilespmem:s3], [sflag:$0x2], $0x2800, s31, s10, $0x38;
	[tilespmem:$0x6F60] =	vst v63  }
0x13b: {  	_ = 	snop  }
0x13c: {  	[spmem:s2] =	stream.indirect.scatter.add.f32 [tilespmem:s11], [sflag:$0x3], $0x1, s4, s31, $0xb8;
	[tilespmem:$0x6F60] =	vst v63  }
0x13d: {  	_ = 	snop  }
0x13e: {  	[spmem:s2] =	stream.indirect.scatter.add.f32 [tilespmem:s11], [sflag:$0x3], $0x1, s31, s31, $0xb8;
	[tilespmem:$0x6F60] =	vst v63  }
0x13f: {  	_ = 	snop  }
0x140: {  	[spmem:s2] =	stream.indirect.scatter.add.f32 [tilespmem:s11], [sflag:$0x3], $0x1, s6, s31, $0xb8;
	[tilespmem:$0x6F60] =	vst v63  }
0x141: {  	_ = 	snop  }
0x142: {  	[spmem:s2] =	stream.indirect.scatter.add.f32 [tilespmem:s11], [sflag:$0x3], $0x1, s7, s31, $0xb8;
	[tilespmem:$0x6F60] =	vst v63  }
0x143: {  	p0 =	sne.s32 s15, $0x1  }
0x144: {  	[spmem:s2] =	stream.indirect.scatter.add.f32 [tilespmem:s11], [sflag:$0x3], $0x1, s8, s31, $0xb8;
	[tilespmem:$0x6F60] =	vst v63  }
.Ltmp1:
0x145: {  	_ = 	snop;
	(pc) =	sbr.rel @p0 .LBB2_2-.Ltmp1, $4  }
0x146: {  	_ =	swait.ge [sflag:s12], $0x2800  }
0x147: {  	[sflag:s12] =	ssyncset.done $0x0  }
0x148: {  	[sflag:s12] =	ssyncadd.s32 $0xFFFFD800  }
0x149: {  	s15 =	sadd.s32 $0xFFFFFFFF, s15;
	_ =	swait.ge [sflag:s12], $0x2800  }
.LBB2_3:
0x14a: {  	[sflag:s12] =	ssyncset.done $0x0  }
0x14b: {  	[sflag:s12] =	ssyncadd.s32 $0xFFFFD800  }
0x14c: {  	_ =	swait.ge [sflag:s13], $0x80  }
0x14d: {  	[sflag:s13] =	ssyncset.done $0x0  }
0x14e: {  	[sflag:s13] =	ssyncadd.s32 $0xFFFFFF80  }
0x14f: {  	_ =	swait.ge [sflag:s13], $0x80  }
0x150: {  	[sflag:s13] =	ssyncset.done $0x0  }
0x151: {  	[sflag:s13] =	ssyncadd.s32 $0xFFFFFF80  }
0x152: {  	_ =	swait.ge [sflag:s13], $0x80  }
0x153: {  	[sflag:s13] =	ssyncset.done $0x0  }
0x154: {  	[sflag:s13] =	ssyncadd.s32 $0xFFFFFF80  }
0x155: {  	_ =	swait.ge [sflag:s13], $0x80  }
0x156: {  	[sflag:s13] =	ssyncset.done $0x0  }
0x157: {  	[sflag:s13] =	ssyncadd.s32 $0xFFFFFF80  }
0x158: {  	_ =	swait.ge [sflag:s13], $0x80  }
0x159: {  	[sflag:s13] =	ssyncset.done $0x0  }
0x15a: {  	[sflag:s13] =	ssyncadd.s32 $0xFFFFFF80  }
0x15b: {  	[bflag:$0x0] =	sbarrier.arrive $0xFFFF  }
0x15c: {  	s5 =	stileid.u32;
	s16 =	sld [smem:$0x7FC]  }
0x15d: {  	s5 =	sshll.u32 s5, $0x6  }
0x15e: {  	s5 =	sor.u32 $0x1C04, s5;
	s15 =	rddreg [dreg:$0x16]  }
0x15f: {  	[hbm:s15], [sflag:s5] =	dma.local [spmem:s16], $0x30E  }
0x160: {  	_ =	swait.ge [sflag:s29], $0x30E  }
0x161: {  	s14 =	sadd.s32 $0x1, s14;
	s26 =	rddreg [dreg:$0x17]  }
0x162: {  	p0 =	sne.s32 s14, s26  }
.Ltmp2:
0x163: {  	_ = 	snop;
	(pc) =	sbr.rel @p0 .LBB2_1-.Ltmp2, $3  }
0x164: {  	_ =	sdelay $0x1  }
0x165: {  	[sflag:s29] =	ssyncset.done $0x0  }
0x166: {  	[sflag:s29] =	ssyncadd.s32 $0xFFFFFCF2  }
0x167: {  	_ =	sfence.sel $0x180000  }
0x168: {  	[bflag:$0x0] =	sbarrier.arrive $0xFFFF  }
0x169: {  	_ =	strace $0x90000047  }
0x16a: {  	s0 =	stileid.u32;
	[bflag:$0x2] =	sbarrier.arrive $0xFFFF  }
0x16b: {  	p0 =	sne.s32 s0, $0x0;
	s0 =	rddreg [dreg:$0x4]  }
0x16c: {  	s0 =	sadd.s32 @!p0 $0x100000, s0  }
0x16d: {  	[sflag:s0] =	ssyncadd.tile.s32 @!p0 $0x1;
	_ =	shalt  }
.Lfunc_end2:
_tile_overlayer_lowered:
.L_overlay_start_2:
0x16e: {  	(tag) =	ssettag $0x2  }
0x16f: {  	s0 =	rddreg [dreg:$0x0];
	s2 =	stileid.u32  }
0x170: {  	s1 =	rddreg [dreg:$0x1];
	p0 =	sne.s32 s2, $0x0  }
0x171: {  	s3 =	rddreg [dreg:$0x2];
	[bflag:$0x3] =	sbarrier.arrive $0xFFFF;
	s2 =	simm.s32 @!p0 $0x1C04  }
0x172: {  	[timem:s3], [sflag:s2] =	dma.local @!p0 [hbm:s0], s1  }
0x173: {  	s0 =	simm.s32 @!p0 $0x4  }
0x174: {  	_ =	swait.ge @!p0 [sflag:s0], s1  }
0x175: {  	s1 =	ssub.s32 @!p0 $0x0, s1;
	[sflag:s0] =	ssyncset.done @!p0 $0x0  }
0x176: {  	[sflag:s0] =	ssyncadd.s32 @!p0 s1  }
0x177: {  	[bflag:$0x3] =	sbarrier.arrive $0xFFFF  }
0x178: {  	_ =	shalt  }

// kernel: kernel.9.cloned.1.call-start
scs
__scs_entry_jumppad:
0x0: {  	(pc) =	sbr.rel $0x88, $3  }
0x1: {  	(tag) =	ssettag $0x0;
	lr =	simm.s32 $0x1  }
0x2: {  	[smem:$0x3F96] =	sst lr;
	_ =	strace $0xD0000000  }
0x3: {  	_ = 	snop  }
0x4: {  	_ = 	snop  }
0x5: {  	_ = 	snop  }
0x6: {  	_ = 	snop  }
0x7: {  	_ = 	snop  }
__scs_overlays_trampoline_lowered:
0x8: {  	[smem:$0x3FA5] =	sst s0  }
0x9: {  	[smem:$0x3FA6] =	sst s1  }
0xa: {  	[smem:$0x3FA7] =	sst s2  }
0xb: {  	[smem:$0x3FA8] =	sst s3  }
0xc: {  	[smem:$0x3FA9] =	sst s4  }
0xd: {  	[smem:$0x3FAA] =	sst s5  }
0xe: {  	[smem:$0x3FAB] =	sst s6  }
0xf: {  	[smem:$0x3FAC] =	sst s7  }
0x10: {  	[smem:$0x3FAD] =	sst s8  }
0x11: {  	[smem:$0x3FAE] =	sst s9;
	s0 =	simm.s32 @!p0 $0x0  }
0x12: {  	s1 =	sld [smem:$0x3F94];
	s0 =	simm.s32 @p0 $0x1  }
0x13: {  	[smem:$0x3FAF] =	sst s0;
	s0 =	simm.s32 @!p1 $0x0  }
0x14: {  	s2 =	sld [smem:$0x3F93];
	s0 =	simm.s32 @p1 $0x1  }
0x15: {  	[smem:$0x3FB0] =	sst s0;
	s0 =	simm.s32 @!p2 $0x0  }
0x16: {  	s3 =	sld [smem:$0x3FDB];
	s0 =	simm.s32 @p2 $0x1  }
0x17: {  	s4 =	simm.s32 $0x1BF5;
	[smem:$0x3FB2] =	sst s0  }
0x18: {  	s0 =	sld [smem:$0x3F95];
	_ =	swait.ge [sflag:s4], $0x0  }
0x19: {  	s7 =	sld [smem:$0x3F96]  }
0x1a: {  	s8 =	sadd.s32 $0xFFFFE003, lr  }
0x1b: {  	s9 =	sadd.s32 $0xFFFFFEF7, lr;
	s5 =	simm.s32 $0xFFFFFFFF;
	p2 =	slt.u32 s8, $0xFFFFF086  }
0x1c: {  	p1 =	slt.u32 s9, $0xF7A;
	s5 =	simm.s32 @!p2 $0x0  }
0x1d: {  	s5 =	simm.s32 @p1 $0x1;
	p0 =	seq.s32 s7, s2  }
0x1e: {  	s7 =	smul.u32 @!p0 $0xF7A, s2;
	p2 =	seq.s32 @!p0 s5, $0x0  }
0x1f: {  	s9 =	smul.u32 $0xF7A, s1;
	s8 =	simm.s32 @!p0 $0x1BF5;
	p2 =	por !p2, p0  }
0x20: {  	[sflag:s8] =	ssyncset.s32 @!p0 $0xFFFFF086;
	s6 =	sadd.s32 @!p0 s3, s7;
	s7 =	simm.s32 @!p0 $0x108  }
0x21: {  	s3 =	sadd.s32 s3, s9;
	s6 =	sadd.s32 @!p0 $0x88, s6;
	s7 =	simm.s32 @p2 $0x1082  }
0x22: {  	[simem:s7], [sflag:s8] =	dma.local @!p0 [hbm:s6], $0xF7A  }
0x23: {  	s9 =	sor.u32 $0xD0000000, s2;
	s6 =	simm.s32 $0x108;
	_ =	swait.ge @!p0 [sflag:s8], $0x0  }
0x24: {  	s3 =	sadd.s32 $0x88, s3;
	s6 =	simm.s32 @!p1 $0x1082;
	[sflag:s4] =	ssyncset.s32 $0xFFFFF086  }
0x25: {  	[simem:s6], [sflag:s4] =	dma.local [hbm:s3], $0xF7A  }
0x26: {  	[smem:$0x3F96] =	sst s1;
	(tag) =	ssettag s2;
	_ =	strace s9  }
0x27: {  	s1 =	sld [smem:$0x3FA6]  }
0x28: {  	s2 =	sld [smem:$0x3FA7]  }
0x29: {  	s4 =	sld [smem:$0x3FA9]  }
0x2a: {  	p0 =	seq.s32 s5, $0x0;
	s5 =	sld [smem:$0x3FAA]  }
0x2b: {  	s6 =	sld [smem:$0x3FAB]  }
0x2c: {  	s7 =	sld [smem:$0x3FAC]  }
0x2d: {  	s3 =	simm.s32 $0x108;
	s8 =	sld [smem:$0x3FAD]  }
0x2e: {  	s3 =	simm.s32 @!p0 $0x1082;
	s9 =	sld [smem:$0x3FAE]  }
0x2f: {  	lr =	sadd.s32 s0, s3;
	s0 =	sld [smem:$0x3FA5]  }
0x30: {  	s3 =	sld [smem:$0x3FA8]  }
0x31: {  	[smem:$0x3FB1] =	sst s10  }
0x32: {  	s10 =	sld [smem:$0x3FAF];
	_ =	sdelay $0x3  }
0x33: {  	p0 =	seq.s32 s10, $0x1;
	s10 =	sld [smem:$0x3FB1];
	_ =	sdelay $0x3  }
0x34: {  	[smem:$0x3FB1] =	sst s10  }
0x35: {  	s10 =	sld [smem:$0x3FB0];
	_ =	sdelay $0x3  }
0x36: {  	p1 =	seq.s32 s10, $0x1;
	s10 =	sld [smem:$0x3FB1];
	_ =	sdelay $0x3  }
0x37: {  	[smem:$0x3FB1] =	sst s10  }
0x38: {  	s10 =	sld [smem:$0x3FB2]  }
0x39: {  	_ = 	snop;
	(pc) =	sbr.ind lr, $3  }
0x3a: {  	_ = 	snop  }
0x3b: {  	_ = 	snop  }
0x3c: {  	p2 =	seq.s32 s10, $0x1;
	s10 =	sld [smem:$0x3FB1]  }
0x3d: {  	_ =	shalt  }
0x3e: {  	_ =	shalt  }
0x3f: {  	_ =	shalt  }
0x40: {  	_ =	shalt  }
0x41: {  	_ =	shalt  }
0x42: {  	_ =	shalt  }
0x43: {  	_ =	shalt  }
0x44: {  	_ =	shalt  }
0x45: {  	_ =	shalt  }
0x46: {  	_ =	shalt  }
0x47: {  	_ =	shalt  }
0x48: {  	_ =	shalt  }
0x49: {  	_ =	shalt  }
0x4a: {  	_ =	shalt  }
0x4b: {  	_ =	shalt  }
0x4c: {  	_ =	shalt  }
0x4d: {  	_ =	shalt  }
0x4e: {  	_ =	shalt  }
0x4f: {  	_ =	shalt  }
0x50: {  	_ =	shalt  }
0x51: {  	_ =	shalt  }
0x52: {  	_ =	shalt  }
0x53: {  	_ =	shalt  }
0x54: {  	_ =	shalt  }
0x55: {  	_ =	shalt  }
0x56: {  	_ =	shalt  }
0x57: {  	_ =	shalt  }
0x58: {  	_ =	shalt  }
0x59: {  	_ =	shalt  }
0x5a: {  	_ =	shalt  }
0x5b: {  	_ =	shalt  }
0x5c: {  	_ =	shalt  }
0x5d: {  	_ =	shalt  }
0x5e: {  	_ =	shalt  }
0x5f: {  	_ =	shalt  }
0x60: {  	_ =	shalt  }
0x61: {  	_ =	shalt  }
0x62: {  	_ =	shalt  }
0x63: {  	_ =	shalt  }
0x64: {  	_ =	shalt  }
0x65: {  	_ =	shalt  }
0x66: {  	_ =	shalt  }
0x67: {  	_ =	shalt  }
0x68: {  	_ =	shalt  }
0x69: {  	_ =	shalt  }
0x6a: {  	_ =	shalt  }
0x6b: {  	_ =	shalt  }
0x6c: {  	_ =	shalt  }
0x6d: {  	_ =	shalt  }
0x6e: {  	_ =	shalt  }
0x6f: {  	_ =	shalt  }
0x70: {  	_ =	shalt  }
0x71: {  	_ =	shalt  }
0x72: {  	_ =	shalt  }
0x73: {  	_ =	shalt  }
0x74: {  	_ =	shalt  }
0x75: {  	_ =	shalt  }
0x76: {  	_ =	shalt  }
0x77: {  	_ =	shalt  }
0x78: {  	_ =	shalt  }
0x79: {  	_ =	shalt  }
0x7a: {  	_ =	shalt  }
0x7b: {  	_ =	shalt  }
0x7c: {  	_ =	shalt  }
0x7d: {  	_ =	shalt  }
0x7e: {  	_ =	shalt  }
0x7f: {  	_ =	shalt  }
0x80: {  	_ =	shalt  }
0x81: {  	_ =	shalt  }
0x82: {  	_ =	shalt  }
0x83: {  	_ =	shalt  }
0x84: {  	_ =	shalt  }
0x85: {  	_ =	shalt  }
0x86: {  	_ =	shalt  }
0x87: {  	_ =	shalt  }
.Lfunc_end0:
.L_simem_size_0:
called_computation.1_lowered:
.L_overlay_start_0:
0x88: {  	s2 =	sld [smem:$0x3FD9]  }
0x89: {  	s3 =	sld [smem:$0x3FFE];
	_ =	sdelay $0x1  }
0x8a: {  	s1 =	srdreg.scid  }
0x8b: {  	s0 =	sand.u32 $0x1, s1  }
0x8c: {  	s16 =	sshll.u32 s0, $0xA;
	s2 =	sadd.s32 s3, s2  }
0x8d: {  	s2 =	sadd.s32 s2, s16  }
0x8e: {  	[smem:$0x3FBD] =	sst s2  }
0x8f: {  	_ = 	snop  }
0x90: {  	(tm) =	ssettm $0x1  }
0x91: {  	s17 =	sld [smem:$0x3FFB];
	_ =	sdelay $0x3  }
0x92: {  	_ =	strace s17  }
0x93: {  	s2 =	sld [smem:$0x3FFC];
	_ =	sdelay $0x3  }
0x94: {  	_ =	strace s2  }
0x95: {  	s2 =	sld [smem:$0x3FFD];
	_ =	sdelay $0x3  }
0x96: {  	_ =	strace s2  }
0x97: {  	_ =	strace $0x8FFFFFFF  }
0x98: {  	s18 =	sld [smem:$0x3FDB];
	_ =	sdelay $0x1  }
0x99: {  	s19 =	simm.s32 $_scs_section_size  }
0x9a: {  	s4 =	simm.s32 $_size__tile_overlayer_lowered;
	s5 =	simm.s32 $_tile_overlayer_lowered  }
0x9b: {  	s22 =	simm.s32 $0x1BFF;
	s21 =	sshll.u32 s5, $0x1;
	s2 =	sadd.s32 s19, s18  }
0x9c: {  	s6 =	simm.s32 $0x0;
	s20 =	sshll.u32 s4, $0x1;
	s4 =	sadd.s32 s21, s2  }
0x9d: {  	[timem:s6], [sflag:s22] =	dma.local [hbm:s4], s20  }
0x9e: {  	_ =	swait.ge [sflag:s22], s20  }
0x9f: {  	s3 =	ssub.s32 $0x0, s20;
	[sflag:s22] =	ssyncset.done $0x0  }
0xa0: {  	[sflag:s22] =	ssyncadd.s32 s3;
	_ =	sdelay $0x1  }
0xa1: {  	s23 =	simm.s32 $0x1B8B  }
0xa2: {  	_ =	swait.ge [sflag:s23], $0x1  }
0xa3: {  	[sflag:s23] =	ssyncset.done $0x0  }
0xa4: {  	s25 =	simm.s32 $0x1B8E;
	s24 =	sld [smem:$0x3FFE];
	[sflag:s23] =	ssyncadd.s32 $0xFFFFFFFF  }
0xa5: {  	s26 =	simm.s32 $execute0_lowered;
	[smem:$0x3FD2] =	sst s25  }
0xa6: {  	s4 =	sshll.u32 s26, $0x1;
	_ =	strace $0x80000049;
	[dreg:$0x1] =	wrdreg $0xFFFFFFFF  }
0xa7: {  	s28 =	simm.s32 $_size_execute0_lowered;
	s2 =	sadd.s32 s2, s4;
	[dreg:$0x0] =	wrdreg $0x0  }
0xa8: {  	s4 =	sshll.u32 s28, $0x1;
	[dreg:$0x2] =	wrdreg s2  }
0xa9: {  	[dreg:$0x3] =	wrdreg s4  }
0xaa: {  	[dreg:$0x4] =	wrdreg $0xC0  }
0xab: {  	_ =	task [dreg:s6], $0x5FFFF  }
0xac: {  	[dreg:$0x1] =	wrdreg $0xFFFFFFFF  }
0xad: {  	[dreg:$0x0] =	wrdreg $0x60  }
0xae: {  	[dreg:$0x2] =	wrdreg s24  }
0xaf: {  	[dreg:$0x3] =	wrdreg $0x41800  }
0xb0: {  	[dreg:$0x4] =	wrdreg $0x9  }
0xb1: {  	_ =	task.clear_ibuf [dreg:s6], $0x5FFFF;
	_ =	strace $0x90000049  }
0xb2: {  	s29 =	simm.s32 $0x9;
	_ =	strace $0x8000004B  }
0xb3: {  	_ =	swait.ge [sflag:s29], $0x1  }
0xb4: {  	[sflag:s29] =	ssyncadd.s32 $0xFFFFFFFF  }
0xb5: {  	_ =	strace $0x9000004B  }
0xb6: {  	_ =	sfence  }
0xb7: {  	s30 =	sld [smem:$0x0];
	_ =	sdelay $0x2  }
0xb8: {  	s31 =	sshll.u32 s1, $0xD;
	s1 =	sshrl.u32 s1, $0x2  }
0xb9: {  	s3 =	sand.u32 $0x4000, s31;
	s1 =	sadd.s32 s1, s30  }
0xba: {  	s0 =	sor.u32 s3, s0;
	s1 =	sshll.u32 s1, $0x11  }
0xbb: {  	s0 =	sor.u32 s1, s0  }
0xbc: {  	s0 =	sadd.s32 $0x8F2B, s0  }
0xbd: {  	[sflag:s0] =	ssyncadd.remote.s32 $0x1  }
0xbe: {  	_ =	sfence.sel $0xFFFF  }
0xbf: {  	[dreg:$0x0] =	wrdreg $0xFFFFFFFF;
	(pc) =	sbr.abs _section_cstart, $3  }
0xc0: {  	[dreg:$0x1] =	wrdreg $0xFFFFFFFF  }
0xc1: {  	_ =	task.clear_ibuf [dreg:s6], $0x2FFFF;
	_ =	strace $0x9FFFFFFF  }
0xc2: {  	(tm) =	ssettm $0x7FFFFFFF  }
0xc3: {  	_ =	shalt  }
tec
execute0_lowered:
.L_overlay_start_1:
0x0: {  	(tag) =	ssettag $0x1  }
0x1: {  	s0 =	rddreg [dreg:$0x0]  }
0x2: {  	s1 =	rddreg [dreg:$0x1];
	s3 =	simm.s32 $0x0;
	s2 =	srdreg.scid  }
0x3: {  	s10 =	stileid.u32;
	[smem:$0x7FF] =	sst s3;
	s5 =	sadd.s32 $0x65000, s0  }
0x4: {  	s24 =	sadd.s32 $0x6A16A00, s0;
	_ =	strace $0x8000004A;
	[dreg:$0x3] =	wrdreg s5  }
0x5: {  	s16 =	simm.s32 $0x10;
	s18 =	simm.s32 $0xA80;
	[dreg:$0x4] =	wrdreg s24  }
0x6: {  	s20 =	simm.s32 $0x100;
	s22 =	simm.s32 $0x1280;
	[dreg:$0x5] =	wrdreg s16  }
0x7: {  	s23 =	simm.s32 $0x180;
	s6 =	smul.u32 $0x18700, s10;
	[dreg:$0x6] =	wrdreg s18  }
0x8: {  	s2 =	sand.u32 $0x1, s2;
	s9 =	smul.u32 $0x61C00, s10;
	[dreg:$0x8] =	wrdreg s20  }
0x9: {  	s4 =	smul.u32 $0x187000, s2;
	s7 =	ssub.s32 $0x2, s2;
	[dreg:$0x7] =	wrdreg s22  }
0xa: {  	[dreg:$0xa] =	wrdreg s23;
	s24 =	simm.s32 $0x1A80;
	s8 =	sshrl.u32 s7, $0x1  }
0xb: {  	[dreg:$0x9] =	wrdreg s24;
	s4 =	sadd.s32 s6, s4;
	s25 =	ssub.s32 s7, s8  }
0xc: {  	s7 =	sshrl.u32 s9, $0x2;
	s8 =	sadd.s32 s6, s1;
	s4 =	sshrl.u32 s4, $0x3  }
0xd: {  	s6 =	sadd.s32 s7, s1;
	s0 =	sadd.s32 s4, s0;
	s4 =	smax.u32 s25, $0x1  }
0xe: {  	s28 =	simm.s32 $0x2;
	s9 =	sadd.s32 $0x2E00, s6;
	[dreg:$0xe] =	wrdreg s4  }
0xf: {  	s26 =	sshll.u32 s10, $0x1;
	s10 =	sadd.s32 $0x4500, s6;
	[dreg:$0x10] =	wrdreg s9  }
0x10: {  	s29 =	simm.s32 $0x1;
	s11 =	sadd.s32 $0x5C00, s6;
	[dreg:$0x11] =	wrdreg s10  }
0x11: {  	s30 =	simm.s32 $0x80;
	s12 =	sadd.s32 $0x7300, s6;
	[dreg:$0x12] =	wrdreg s11  }
0x12: {  	s31 =	simm.s32 $0x280;
	s13 =	sadd.s32 $0x8A00, s6;
	[dreg:$0x13] =	wrdreg s12  }
0x13: {  	s14 =	sadd.s32 $0xA100, s6;
	s15 =	sadd.s32 $0xB800, s6;
	[dreg:$0x14] =	wrdreg s13  }
0x14: {  	s17 =	sadd.s32 $0xCF00, s6;
	s19 =	sadd.s32 $0xE600, s6;
	[dreg:$0x15] =	wrdreg s14  }
0x15: {  	s21 =	sadd.s32 $0xFD00, s6;
	s18 =	sadd.s32 $0x11400, s6;
	[dreg:$0x16] =	wrdreg s15  }
0x16: {  	s20 =	sadd.s32 $0x14200, s6;
	s25 =	simm.s32 $0x200;
	[dreg:$0x17] =	wrdreg s17  }
0x17: {  	s22 =	sadd.s32 $0x15900, s6;
	s23 =	sadd.s32 $0x17000, s6;
	[dreg:$0x18] =	wrdreg s19  }
0x18: {  	s0 =	sadd.s32 $0x24D600, s0;
	[dreg:$0x19] =	wrdreg s21;
	s19 =	sadd.s32 $0x12B00, s6  }
0x19: {  	s21 =	sor.u32 s2, s26;
	[dreg:$0xc] =	wrdreg s25;
	s26 =	simm.s32 $0x2280  }
0x1a: {  	s25 =	sshrl.u32 s8, $0x3;
	[dreg:$0xd] =	wrdreg s0;
	s0 =	sadd.s32 $0x1700, s6  }
0x1b: {  	s2 =	ssub.s32 $0x13A7, s21;
	[dreg:$0xb] =	wrdreg s26;
	s26 =	simm.s32 $0x2A80  }
0x1c: {  	v0 =	vimm.f32 $0.0e+00;
	[dreg:$0xf] =	wrdreg s0;
	s24 =	sshrl.u32 s2, $0x5;
	s0 =	simm.s32 $0x0  }
.LBB2_1:
0x1d: {  	s2 =	simm.s32 $0x40;
	s4 =	simm.s32 $0x0  }
.LBB2_2:
0x1e: {  	p0 =	sne.s32 s2, $0x5BC0;
	[tilespmem:s4+$0x2A80] =	vst v0;
	s4 =	smov.u32 s2;
	s2 =	sadd.s32 $0x40, s2  }
.Ltmp0:
0x1f: {  	(pc) =	sbr.rel @p0 .LBB2_2-.Ltmp0, $2  }
0x20: {  	_ =	sdelay $0x2  }
0x21: {  	s4 =	sshra.s32 s4, $0x2  }
0x22: {  	[tilespmem:s4+$0x2A80] =	vst v0  }
0x23: {  	[spmem:s6] =	stream.linear.scatter [tilespmem:s26], [sflag:$0x2], $0x1700, $0x38;
	[tilespmem:$0x1C880] =	vst v63  }
0x24: {  	_ =	swait.ge [sflag:s28], $0x1700  }
0x25: {  	[sflag:s28] =	ssyncset.done $0x0  }
0x26: {  	s2 =	rddreg [dreg:$0xf];
	[sflag:s28] =	ssyncadd.s32 $0xFFFFE900  }
0x27: {  	[spmem:s2] =	stream.linear.scatter [tilespmem:s26], [sflag:$0x2], $0x1700, $0x38;
	[tilespmem:$0x1C880] =	vst v63  }
0x28: {  	_ =	swait.ge [sflag:s28], $0x1700  }
0x29: {  	[sflag:s28] =	ssyncset.done $0x0  }
0x2a: {  	s4 =	rddreg [dreg:$0x10];
	[sflag:s28] =	ssyncadd.s32 $0xFFFFE900  }
0x2b: {  	[spmem:s4] =	stream.linear.scatter [tilespmem:s26], [sflag:$0x2], $0x1700, $0x38;
	[tilespmem:$0x1C880] =	vst v63  }
0x2c: {  	_ =	swait.ge [sflag:s28], $0x1700  }
0x2d: {  	[sflag:s28] =	ssyncset.done $0x0  }
0x2e: {  	s5 =	rddreg [dreg:$0x11];
	[sflag:s28] =	ssyncadd.s32 $0xFFFFE900  }
0x2f: {  	[spmem:s5] =	stream.linear.scatter [tilespmem:s26], [sflag:$0x2], $0x1700, $0x38;
	[tilespmem:$0x1C880] =	vst v63  }
0x30: {  	_ =	swait.ge [sflag:s28], $0x1700  }
0x31: {  	[sflag:s28] =	ssyncset.done $0x0  }
0x32: {  	s7 =	rddreg [dreg:$0x12];
	[sflag:s28] =	ssyncadd.s32 $0xFFFFE900  }
0x33: {  	[spmem:s7] =	stream.linear.scatter [tilespmem:s26], [sflag:$0x2], $0x1700, $0x38;
	[tilespmem:$0x1C880] =	vst v63  }
0x34: {  	_ =	swait.ge [sflag:s28], $0x1700  }
0x35: {  	[sflag:s28] =	ssyncset.done $0x0  }
0x36: {  	s8 =	rddreg [dreg:$0x13];
	[sflag:s28] =	ssyncadd.s32 $0xFFFFE900  }
0x37: {  	[spmem:s8] =	stream.linear.scatter [tilespmem:s26], [sflag:$0x2], $0x1700, $0x38;
	[tilespmem:$0x1C880] =	vst v63  }
0x38: {  	_ =	swait.ge [sflag:s28], $0x1700  }
0x39: {  	[sflag:s28] =	ssyncset.done $0x0  }
0x3a: {  	s9 =	rddreg [dreg:$0x14];
	[sflag:s28] =	ssyncadd.s32 $0xFFFFE900  }
0x3b: {  	[spmem:s9] =	stream.linear.scatter [tilespmem:s26], [sflag:$0x2], $0x1700, $0x38;
	[tilespmem:$0x1C880] =	vst v63  }
0x3c: {  	_ =	swait.ge [sflag:s28], $0x1700  }
0x3d: {  	[sflag:s28] =	ssyncset.done $0x0  }
0x3e: {  	s10 =	rddreg [dreg:$0x15];
	[sflag:s28] =	ssyncadd.s32 $0xFFFFE900  }
0x3f: {  	[spmem:s10] =	stream.linear.scatter [tilespmem:s26], [sflag:$0x2], $0x1700, $0x38;
	[tilespmem:$0x1C880] =	vst v63  }
0x40: {  	_ =	swait.ge [sflag:s28], $0x1700  }
0x41: {  	[sflag:s28] =	ssyncset.done $0x0  }
0x42: {  	s11 =	rddreg [dreg:$0x16];
	[sflag:s28] =	ssyncadd.s32 $0xFFFFE900  }
0x43: {  	[spmem:s11] =	stream.linear.scatter [tilespmem:s26], [sflag:$0x2], $0x1700, $0x38;
	[tilespmem:$0x1C880] =	vst v63  }
0x44: {  	_ =	swait.ge [sflag:s28], $0x1700  }
0x45: {  	[sflag:s28] =	ssyncset.done $0x0  }
0x46: {  	s12 =	rddreg [dreg:$0x17];
	[sflag:s28] =	ssyncadd.s32 $0xFFFFE900  }
0x47: {  	[spmem:s12] =	stream.linear.scatter [tilespmem:s26], [sflag:$0x2], $0x1700, $0x38;
	[tilespmem:$0x1C880] =	vst v63  }
0x48: {  	_ =	swait.ge [sflag:s28], $0x1700  }
0x49: {  	[sflag:s28] =	ssyncset.done $0x0  }
0x4a: {  	s13 =	rddreg [dreg:$0x18];
	[sflag:s28] =	ssyncadd.s32 $0xFFFFE900  }
0x4b: {  	[spmem:s13] =	stream.linear.scatter [tilespmem:s26], [sflag:$0x2], $0x1700, $0x38;
	[tilespmem:$0x1C880] =	vst v63  }
0x4c: {  	_ =	swait.ge [sflag:s28], $0x1700  }
0x4d: {  	[sflag:s28] =	ssyncset.done $0x0  }
0x4e: {  	s14 =	rddreg [dreg:$0x19];
	[sflag:s28] =	ssyncadd.s32 $0xFFFFE900  }
0x4f: {  	[spmem:s14] =	stream.linear.scatter [tilespmem:s26], [sflag:$0x2], $0x1700, $0x38;
	[tilespmem:$0x1C880] =	vst v63  }
0x50: {  	_ =	swait.ge [sflag:s28], $0x1700  }
0x51: {  	[sflag:s28] =	ssyncset.done $0x0  }
0x52: {  	s9 =	smul.u32 $0x280, s21;
	[sflag:s28] =	ssyncadd.s32 $0xFFFFE900  }
0x53: {  	[spmem:s18] =	stream.linear.scatter [tilespmem:s26], [sflag:$0x2], $0x1700, $0x38;
	[tilespmem:$0x1C880] =	vst v63  }
0x54: {  	_ =	swait.ge [sflag:s28], $0x1700  }
0x55: {  	s15 =	smulhi.u32 $0x66666667, s9;
	s16 =	sshra.s32 s9, $0x1F;
	[sflag:s28] =	ssyncset.done $0x0  }
0x56: {  	s4 =	smul.u32 $0x66666667, s16;
	[sflag:s28] =	ssyncadd.s32 $0xFFFFE900  }
0x57: {  	[spmem:s19] =	stream.linear.scatter [tilespmem:s26], [sflag:$0x2], $0x1700, $0x38;
	[tilespmem:$0x1C880] =	vst v63  }
0x58: {  	s2 =	sadd.s32 s4, s15;
	_ =	swait.ge [sflag:s28], $0x1700  }
0x59: {  	s4 =	sshrl.u32 s2, $0x1F;
	s2 =	sshra.s32 s2, $0xB;
	[sflag:s28] =	ssyncset.done $0x0  }
0x5a: {  	s4 =	sadd.s32 s4, s2;
	[sflag:s28] =	ssyncadd.s32 $0xFFFFE900  }
0x5b: {  	[spmem:s20] =	stream.linear.scatter [tilespmem:s26], [sflag:$0x2], $0x1700, $0x38;
	[tilespmem:$0x1C880] =	vst v63  }
0x5c: {  	s2 =	smul.u32 $0xFFFFEC00, s4;
	_ =	swait.ge [sflag:s28], $0x1700  }
0x5d: {  	[sflag:s28] =	ssyncset.done $0x0  }
0x5e: {  	s2 =	sadd.s32 s9, s2;
	[sflag:s28] =	ssyncadd.s32 $0xFFFFE900  }
0x5f: {  	[spmem:s22] =	stream.linear.scatter [tilespmem:s26], [sflag:$0x2], $0x1700, $0x38;
	[tilespmem:$0x1C880] =	vst v63  }
0x60: {  	p0 =	slt.s32 s9, $0x1;
	p1 =	sne.s32 s2, $0x0;
	_ =	swait.ge [sflag:s28], $0x1700  }
0x61: {  	p2 =	slt.s32 s2, $0x0;
	s5 =	sadd.s32 $0x1400, s2;
	[sflag:s28] =	ssyncset.done $0x0  }
0x62: {  	p0 =	por !p0, !p1;
	p1 =	sne.s32 s24, $0x1;
	[sflag:s28] =	ssyncadd.s32 $0xFFFFE900  }
0x63: {  	[spmem:s23] =	stream.linear.scatter [tilespmem:s26], [sflag:$0x2], $0x1700, $0x38;
	[tilespmem:$0x1C880] =	vst v63  }
.Ltmp1:
0x64: {  	s2 =	smov.u32 @p2 s5;
	_ =	swait.ge [sflag:s28], $0x1700;
	(pc) =	sbr.rel @!p1 .LBB2_4-.Ltmp1, $4  }
0x65: {  	s5 =	simm.s32 $0x1;
	p0 =	por !p0, !p0;
	[sflag:s28] =	ssyncset.done $0x0  }
0x66: {  	s7 =	sshll.u32 s2, $0x10;
	s5 =	simm.s32 @!p0 $0x0;
	[sflag:s28] =	ssyncadd.s32 $0xFFFFE900  }
0x67: {  	s17 =	sshra.s32 s7, $0x10;
	s7 =	sadd.s32 $0xFFFFFFFF, s24;
	[bflag:$0x0] =	sbarrier.arrive $0xFFFF  }
0x68: {  	p0 =	por $0x0, $0x0;
	s8 =	ssub.s32 s4, s5;
	s11 =	smul.u32 $0x6667, s17  }
0x69: {  	_ = 	snop  }
0x6a: {  	s4 =	sshrl.u32 s11, $0x1F;
	s5 =	sshra.s32 s11, $0x18  }
0x6b: {  	s10 =	sadd.s32 s4, s5  }
0x6c: {  	s5 =	sadd.s32 $0x20, s21;
	s14 =	smul.u32 $0xFFFFFD80, s10  }
0x6d: {  	s4 =	smul.u32 $0x280, s5  }
0x6e: {  	p1 =	slt.s32 s2, $0x1;
	s8 =	smul.u32 $0x280, s8  }
0x6f: {  	s11 =	sadd.s32 s2, s14;
	s12 =	smulhi.u32 $0x66666667, s4;
	s13 =	sshra.s32 s4, $0x1F  }
0x70: {  	s14 =	sand.u32 $0xFF80, s11;
	s11 =	sshll.u32 s11, $0x10;
	s13 =	smul.u32 $0x66666667, s13  }
0x71: {  	p6 =	slt.s32 s4, $0x1;
	p0 =	sne.s32 s14, $0x0;
	s11 =	sshra.s32 s11, $0x10  }
0x72: {  	s2 =	sadd.s32 $0x280, s11;
	s12 =	sadd.s32 s13, s12;
	p0 =	por !p1, !p0  }
0x73: {  	p1 =	slt.s32 s11, $0x0;
	s13 =	sshrl.u32 s12, $0x1F;
	s12 =	sshra.s32 s12, $0xB  }
0x74: {  	p0 =	por !p0, !p0;
	s11 =	smov.u32 @p1 s2;
	s12 =	sadd.s32 s13, s12  }
0x75: {  	p1 =	sne.s32 s7, $0x1;
	s13 =	simm.s32 $0x1;
	s15 =	smul.u32 $0xFFFFEC00, s12  }
0x76: {  	s7 =	sadd.s32 $0xFFFFFFFF, s7;
	s8 =	sadd.s32 s8, s11;
	s13 =	simm.s32 @!p0 $0x0  }
0x77: {  	s8 =	sshll.u32 s8, $0x7;
	s10 =	ssub.s32 s10, s13;
	s2 =	sadd.s32 s4, s15  }
0x78: {  	s13 =	sshrl.u32 s9, $0x3;
	s10 =	sshll.u32 s10, $0x4;
	p2 =	sne.s32 s2, $0x0  }
.Ltmp2:
0x79: {  	p3 =	slt.s32 s2, $0x0;
	s11 =	sadd.s32 $0x1400, s2;
	(pc) =	sbr.rel @!p1 .LBB2_6-.Ltmp2, $4  }
0x7a: {  	s10 =	sadd.s32 s10, s8;
	p0 =	por !p6, !p2;
	s2 =	smov.u32 @p3 s11  }
0x7b: {  	s11 =	simm.s32 $0x1;
	p0 =	por !p0, !p0;
	s16 =	sshll.u32 s2, $0x10  }
0x7c: {  	s11 =	simm.s32 @!p0 $0x0;
	s17 =	sshra.s32 s16, $0x10;
	p0 =	por $0x1, $0x1  }
0x7d: {  	s8 =	ssub.s32 s12, s11;
	s12 =	rddreg [dreg:$0x3];
	s11 =	smul.u32 $0x6667, s17  }
.LBB2_7:
0x7e: {  	s9 =	sadd.s32 s12, s13;
	s10 =	sshrl.u32 s10, $0x3  }
0x7f: {  	[tilespmem:s3], [sflag:$0x2] =	stream.linear.gather [hbm4b:s9+s3], $0x280, $0x38;
	[tilespmem:$0x1C880] =	vst v63  }
0x80: {  	s13 =	sshrl.u32 s11, $0x1F;
	s14 =	sshra.s32 s11, $0x18;
	_ =	swait.ge [sflag:s28], $0x280  }
0x81: {  	s11 =	sadd.s32 s13, s14;
	s15 =	rddreg [dreg:$0x4];
	[sflag:s28] =	ssyncset.done $0x0  }
0x82: {  	s16 =	rddreg [dreg:$0x5];
	[sflag:s28] =	ssyncadd.s32 $0xFFFFFD80;
	s10 =	sadd.s32 s15, s10  }
0x83: {  	[tilespmem:s31], [sflag:$0x2] =	stream.strided.gather [hbm4b:s10+s16], $0x2800, s30, s16, $0x38;
	[tilespmem:$0x1C880] =	vst v63  }
0x84: {  	p1 =	sne.s32 s7, $0x1;
	s17 =	smul.u32 $0xFFFFFD80, s11;
	_ =	swait.ge [sflag:s28], $0x2800  }
0x85: {  	s7 =	sadd.s32 $0xFFFFFFFF, s7;
	s8 =	smul.u32 $0x280, s8;
	s12 =	rddreg [dreg:$0x6]  }
0x86: {  	s5 =	sadd.s32 $0x20, s5;
	s14 =	sadd.s32 s2, s17;
	s10 =	rddreg [dreg:$0xc]  }
0x87: {  	s15 =	sand.u32 $0xFF80, s14;
	s9 =	sshll.u32 s14, $0x10;
	s14 =	rddreg [dreg:$0xa]  }
0x88: {  	p4 =	slt.s32 s2, $0x1;
	[sflag:s28] =	ssyncset.done $0x0;
	s16 =	rddreg [dreg:$0x8]  }
0x89: {  	p2 =	sne.s32 s15, $0x0;
	s17 =	rddreg [dreg:$0x7];
	[sflag:s28] =	ssyncadd.s32 $0xFFFFD800  }
0x8a: {  	[spmem:s1] =	stream.indirect.scatter.add.f32 [tilespmem:s31], [sflag:$0x1], $0x10, s3, s30, $0xb8;
	[tilespmem:$0x1C880] =	vst v63  }
0x8b: {  	s13 =	sshra.s32 s9, $0x10;
	s9 =	smul.u32 $0x280, s5;
	s2 =	rddreg [dreg:$0x9]  }
0x8c: {  	[spmem:s1] =	stream.indirect.scatter.add.f32 [tilespmem:s12], [sflag:$0x1], $0x10, s30, s30, $0xb8;
	[tilespmem:$0x1C880] =	vst v63  }
0x8d: {  	s15 =	sadd.s32 $0x280, s13;
	p3 =	slt.s32 s13, $0x0;
	p2 =	por !p4, !p2  }
0x8e: {  	[spmem:s1] =	stream.indirect.scatter.add.f32 [tilespmem:s17], [sflag:$0x1], $0x10, s16, s30, $0xb8;
	[tilespmem:$0x1C880] =	vst v63  }
0x8f: {  	p2 =	por !p2, !p2;
	s12 =	smulhi.u32 $0x66666667, s9;
	s16 =	sshra.s32 s9, $0x1F  }
0x90: {  	[spmem:s1] =	stream.indirect.scatter.add.f32 [tilespmem:s2], [sflag:$0x1], $0x10, s14, s30, $0xb8;
	[tilespmem:$0x1C880] =	vst v63  }
0x91: {  	s13 =	smov.u32 @p3 s15;
	s17 =	rddreg [dreg:$0xb];
	s16 =	smul.u32 $0x66666667, s16  }
0x92: {  	[spmem:s1] =	stream.indirect.scatter.add.f32 [tilespmem:s17], [sflag:$0x1], $0x10, s10, s30, $0xb8;
	[tilespmem:$0x1C880] =	vst v63  }
0x93: {  	p5 =	slt.s32 s9, $0x1;
	s8 =	sadd.s32 s8, s13;
	_ =	swait.ge [sflag:s29], $0x800  }
0x94: {  	s13 =	sshrl.u32 s4, $0x3;
	s2 =	sadd.s32 s16, s12;
	[sflag:s29] =	ssyncset.done $0x0  }
0x95: {  	s12 =	sshrl.u32 s2, $0x1F;
	s2 =	sshra.s32 s2, $0xB;
	[sflag:s29] =	ssyncadd.s32 $0xFFFFF800  }
0x96: {  	s14 =	sadd.s32 s12, s2;
	s2 =	simm.s32 $0x1;
	_ =	swait.ge [sflag:s29], $0x800  }
0x97: {  	s4 =	smov.u32 s9;
	s2 =	simm.s32 @!p2 $0x0;
	[sflag:s29] =	ssyncset.done $0x0  }
0x98: {  	s16 =	smul.u32 $0xFFFFEC00, s14;
	s2 =	ssub.s32 s11, s2;
	[sflag:s29] =	ssyncadd.s32 $0xFFFFF800  }
0x99: {  	s8 =	sshll.u32 s8, $0x7;
	s2 =	sshll.u32 s2, $0x4;
	_ =	swait.ge [sflag:s29], $0x800  }
0x9a: {  	s10 =	sadd.s32 s2, s8;
	s2 =	sadd.s32 s9, s16;
	[sflag:s29] =	ssyncset.done $0x0  }
0x9b: {  	p3 =	slt.s32 s2, $0x0;
	s8 =	sadd.s32 $0x1400, s2;
	[sflag:s29] =	ssyncadd.s32 $0xFFFFF800  }
0x9c: {  	p6 =	sne.s32 s2, $0x0;
	s2 =	smov.u32 @p3 s8;
	_ =	swait.ge [sflag:s29], $0x800  }
.Ltmp3:
0x9d: {  	p2 =	por !p5, !p6;
	[sflag:s29] =	ssyncset.done $0x0;
	(pc) =	sbr.rel @p1 .LBB2_7-.Ltmp3, $4  }
0x9e: {  	s8 =	simm.s32 $0x1;
	p2 =	por !p2, !p2;
	[sflag:s29] =	ssyncadd.s32 $0xFFFFF800  }
0x9f: {  	s17 =	sshll.u32 s2, $0x10;
	s8 =	simm.s32 @!p2 $0x0;
	_ =	swait.ge [sflag:s29], $0x800  }
0xa0: {  	s11 =	sshra.s32 s17, $0x10;
	s8 =	ssub.s32 s14, s8;
	[sflag:s29] =	ssyncset.done $0x0  }
0xa1: {  	s11 =	smul.u32 $0x6667, s11;
	s12 =	rddreg [dreg:$0x3];
	[sflag:s29] =	ssyncadd.s32 $0xFFFFF800  }
0xa2: {  	s9 =	smov.u32 s4  }
.LBB2_9:
0xa3: {  	s4 =	sadd.s32 @p0 s12, s13  }
0xa4: {  	[tilespmem:s3], [sflag:$0x2] =	stream.linear.gather @p0 [hbm4b:s4+s3], $0x280, $0x38;
	[tilespmem:$0x1C880] =	vst v63  }
0xa5: {  	_ =	swait.ge @p0 [sflag:s28], $0x280  }
0xa6: {  	s7 =	sshrl.u32 @p0 s10, $0x3;
	s4 =	rddreg [dreg:$0x4];
	[sflag:s28] =	ssyncset.done @p0 $0x0  }
0xa7: {  	s5 =	rddreg [dreg:$0x5];
	[sflag:s28] =	ssyncadd.s32 @p0 $0xFFFFFD80;
	s4 =	sadd.s32 @p0 s4, s7  }
0xa8: {  	[tilespmem:s31], [sflag:$0x2] =	stream.strided.gather @p0 [hbm4b:s4+s5], $0x2800, s30, s5, $0x38;
	[tilespmem:$0x1C880] =	vst v63  }
0xa9: {  	_ =	swait.ge @p0 [sflag:s28], $0x2800  }
0xaa: {  	s4 =	rddreg [dreg:$0x6]  }
0xab: {  	s5 =	rddreg [dreg:$0xc];
	[sflag:s28] =	ssyncset.done @p0 $0x0  }
0xac: {  	s7 =	rddreg [dreg:$0xa];
	[sflag:s28] =	ssyncadd.s32 @p0 $0xFFFFD800  }
0xad: {  	[spmem:s1] =	stream.indirect.scatter.add.f32 @p0 [tilespmem:s31], [sflag:$0x1], $0x10, s3, s30, $0xb8;
	[tilespmem:$0x1C880] =	vst v63  }
0xae: {  	s10 =	rddreg [dreg:$0x8]  }
0xaf: {  	[spmem:s1] =	stream.indirect.scatter.add.f32 @p0 [tilespmem:s4], [sflag:$0x1], $0x10, s30, s30, $0xb8;
	[tilespmem:$0x1C880] =	vst v63  }
0xb0: {  	s12 =	rddreg [dreg:$0x7]  }
0xb1: {  	[spmem:s1] =	stream.indirect.scatter.add.f32 @p0 [tilespmem:s12], [sflag:$0x1], $0x10, s10, s30, $0xb8;
	[tilespmem:$0x1C880] =	vst v63  }
0xb2: {  	s4 =	rddreg [dreg:$0x9]  }
0xb3: {  	[spmem:s1] =	stream.indirect.scatter.add.f32 @p0 [tilespmem:s4], [sflag:$0x1], $0x10, s7, s30, $0xb8;
	[tilespmem:$0x1C880] =	vst v63  }
0xb4: {  	s10 =	rddreg [dreg:$0xb]  }
0xb5: {  	[spmem:s1] =	stream.indirect.scatter.add.f32 @p0 [tilespmem:s10], [sflag:$0x1], $0x10, s5, s30, $0xb8;
	[tilespmem:$0x1C880] =	vst v63  }
0xb6: {  	_ =	swait.ge @p0 [sflag:s29], $0x800  }
0xb7: {  	[sflag:s29] =	ssyncset.done @p0 $0x0  }
0xb8: {  	s12 =	sshra.s32 s11, $0x18;
	s10 =	sshrl.u32 s11, $0x1F;
	[sflag:s29] =	ssyncadd.s32 @p0 $0xFFFFF800  }
0xb9: {  	s4 =	sadd.s32 s10, s12;
	_ =	swait.ge @p0 [sflag:s29], $0x800  }
0xba: {  	p2 =	slt.s32 s2, $0x1;
	s5 =	smul.u32 $0xFFFFFD80, s4;
	[sflag:s29] =	ssyncset.done @p0 $0x0  }
0xbb: {  	s14 =	smul.u32 $0x280, s8;
	s9 =	sshrl.u32 s9, $0x3;
	[sflag:s29] =	ssyncadd.s32 @p0 $0xFFFFF800  }
0xbc: {  	s10 =	simm.s32 $0x1;
	s5 =	sadd.s32 s2, s5;
	_ =	swait.ge @p0 [sflag:s29], $0x800  }
0xbd: {  	s13 =	sand.u32 $0xFF80, s5;
	s5 =	sshll.u32 s5, $0x10;
	[sflag:s29] =	ssyncset.done @p0 $0x0  }
0xbe: {  	p1 =	sne.s32 s13, $0x0;
	s5 =	sshra.s32 s5, $0x10;
	[sflag:s29] =	ssyncadd.s32 @p0 $0xFFFFF800  }
0xbf: {  	s7 =	sadd.s32 $0x280, s5;
	p1 =	por !p2, !p1;
	_ =	swait.ge @p0 [sflag:s29], $0x800  }
0xc0: {  	p2 =	slt.s32 s5, $0x0;
	p1 =	por !p1, !p1;
	[sflag:s29] =	ssyncset.done @p0 $0x0  }
0xc1: {  	s5 =	smov.u32 @p2 s7;
	s10 =	simm.s32 @!p1 $0x0;
	[sflag:s29] =	ssyncadd.s32 @p0 $0xFFFFF800  }
0xc2: {  	s2 =	sadd.s32 s14, s5;
	s4 =	ssub.s32 s4, s10;
	_ =	swait.ge @p0 [sflag:s29], $0x800  }
0xc3: {  	s2 =	sshll.u32 s2, $0x7;
	s15 =	rddreg [dreg:$0x3];
	[sflag:s29] =	ssyncset.done @p0 $0x0  }
0xc4: {  	s4 =	sshll.u32 s4, $0x4;
	[sflag:s29] =	ssyncadd.s32 @p0 $0xFFFFF800;
	s16 =	sadd.s32 s15, s9  }
0xc5: {  	[tilespmem:s3], [sflag:$0x2] =	stream.linear.gather [hbm4b:s16+s3], $0x280, $0x38;
	[tilespmem:$0x1C880] =	vst v63  }
0xc6: {  	s2 =	sadd.s32 s4, s2;
	_ =	swait.ge [sflag:s28], $0x280  }
0xc7: {  	s2 =	sshrl.u32 s2, $0x3;
	s17 =	rddreg [dreg:$0x4];
	[sflag:s28] =	ssyncset.done $0x0  }
0xc8: {  	s7 =	rddreg [dreg:$0x5];
	[sflag:s28] =	ssyncadd.s32 $0xFFFFFD80;
	s2 =	sadd.s32 s17, s2  }
0xc9: {  	[tilespmem:s31], [sflag:$0x2] =	stream.strided.gather [hbm4b:s2+s7], $0x2800, s30, s7, $0x38;
	[tilespmem:$0x1C880] =	vst v63  }
0xca: {  	_ =	swait.ge [sflag:s28], $0x2800  }
0xcb: {  	s8 =	rddreg [dreg:$0x6]  }
0xcc: {  	s9 =	rddreg [dreg:$0xc];
	[sflag:s28] =	ssyncset.done $0x0  }
0xcd: {  	s10 =	rddreg [dreg:$0xa];
	[sflag:s28] =	ssyncadd.s32 $0xFFFFD800  }
0xce: {  	[spmem:s1] =	stream.indirect.scatter.add.f32 [tilespmem:s31], [sflag:$0x1], $0x10, s3, s30, $0xb8;
	[tilespmem:$0x1C880] =	vst v63  }
0xcf: {  	s11 =	rddreg [dreg:$0x8]  }
0xd0: {  	[spmem:s1] =	stream.indirect.scatter.add.f32 [tilespmem:s8], [sflag:$0x1], $0x10, s30, s30, $0xb8;
	[tilespmem:$0x1C880] =	vst v63  }
0xd1: {  	s12 =	rddreg [dreg:$0x7]  }
0xd2: {  	[spmem:s1] =	stream.indirect.scatter.add.f32 [tilespmem:s12], [sflag:$0x1], $0x10, s11, s30, $0xb8;
	[tilespmem:$0x1C880] =	vst v63  }
0xd3: {  	s13 =	rddreg [dreg:$0x9]  }
0xd4: {  	[spmem:s1] =	stream.indirect.scatter.add.f32 [tilespmem:s13], [sflag:$0x1], $0x10, s10, s30, $0xb8;
	[tilespmem:$0x1C880] =	vst v63  }
0xd5: {  	s14 =	rddreg [dreg:$0xb]  }
0xd6: {  	[spmem:s1] =	stream.indirect.scatter.add.f32 [tilespmem:s14], [sflag:$0x1], $0x10, s9, s30, $0xb8;
	[tilespmem:$0x1C880] =	vst v63  }
0xd7: {  	_ =	swait.ge [sflag:s29], $0x800  }
0xd8: {  	[sflag:s29] =	ssyncset.done $0x0  }
0xd9: {  	[sflag:s29] =	ssyncadd.s32 $0xFFFFF800  }
0xda: {  	_ =	swait.ge [sflag:s29], $0x800  }
0xdb: {  	[sflag:s29] =	ssyncset.done $0x0  }
0xdc: {  	[sflag:s29] =	ssyncadd.s32 $0xFFFFF800  }
0xdd: {  	_ =	swait.ge [sflag:s29], $0x800  }
0xde: {  	[sflag:s29] =	ssyncset.done $0x0  }
0xdf: {  	[sflag:s29] =	ssyncadd.s32 $0xFFFFF800  }
0xe0: {  	_ =	swait.ge [sflag:s29], $0x800  }
0xe1: {  	[sflag:s29] =	ssyncset.done $0x0  }
0xe2: {  	[sflag:s29] =	ssyncadd.s32 $0xFFFFF800  }
0xe3: {  	_ =	swait.ge [sflag:s29], $0x800  }
0xe4: {  	[sflag:s29] =	ssyncset.done $0x0  }
0xe5: {  	s15 =	stileid.u32;
	[sflag:s29] =	ssyncadd.s32 $0xFFFFF800  }
0xe6: {  	s2 =	sshll.u32 s15, $0x6;
	[bflag:$0x0] =	sbarrier.arrive $0xFFFF  }
0xe7: {  	s2 =	sor.u32 $0x1C02, s2;
	s16 =	rddreg [dreg:$0xd]  }
0xe8: {  	[hbm:s16], [sflag:s2] =	dma.local [spmem:s25], $0x30E0  }
0xe9: {  	_ =	swait.ge [sflag:s28], $0x30E0  }
0xea: {  	s0 =	sadd.s32 $0x1, s0;
	s17 =	rddreg [dreg:$0xe]  }
0xeb: {  	p0 =	sne.s32 s0, s17  }
.Ltmp4:
0xec: {  	_ = 	snop;
	(pc) =	sbr.rel @p0 .LBB2_1-.Ltmp4, $4  }
.Ltmp5:
0xed: {  	_ = 	snop;
	(pc) =	sbr.rel @!p0 .LBB2_10-.Ltmp5, $4  }
0xee: {  	_ = 	snop  }
0xef: {  	[sflag:s28] =	ssyncset.done $0x0  }
0xf0: {  	[sflag:s28] =	ssyncadd.s32 $0xFFFFCF20  }
0xf1: {  	_ = 	snop  }
.LBB2_4:
.Ltmp6:
0xf2: {  	(pc) =	sbr.rel .LBB2_9-.Ltmp6, $2  }
0xf3: {  	_ =	sdelay $0x2  }
0xf4: {  	_ = 	snop  }
.LBB2_6:
.Ltmp7:
0xf5: {  	(pc) =	sbr.rel .LBB2_9-.Ltmp7, $2  }
0xf6: {  	_ =	sdelay $0x2  }
0xf7: {  	s9 =	smov.u32 s4  }
.LBB2_10:
0xf8: {  	_ =	sfence.sel $0x180000  }
0xf9: {  	[bflag:$0x0] =	sbarrier.arrive $0xFFFF  }
0xfa: {  	_ =	strace $0x9000004A  }
0xfb: {  	s0 =	stileid.u32;
	[bflag:$0x2] =	sbarrier.arrive $0xFFFF  }
0xfc: {  	p0 =	sne.s32 s0, $0x0;
	s0 =	rddreg [dreg:$0x2]  }
0xfd: {  	s0 =	sadd.s32 @!p0 $0x100000, s0  }
0xfe: {  	[sflag:s0] =	ssyncadd.tile.s32 @!p0 $0x1;
	_ =	shalt  }
.Lfunc_end2:
_tile_overlayer_lowered:
.L_overlay_start_2:
0xff: {  	(tag) =	ssettag $0x2  }
0x100: {  	s0 =	rddreg [dreg:$0x0];
	s2 =	stileid.u32  }
0x101: {  	s1 =	rddreg [dreg:$0x1];
	p0 =	sne.s32 s2, $0x0  }
0x102: {  	s3 =	rddreg [dreg:$0x2];
	[bflag:$0x3] =	sbarrier.arrive $0xFFFF;
	s2 =	simm.s32 @!p0 $0x1C02  }
0x103: {  	[timem:s3], [sflag:s2] =	dma.local @!p0 [hbm:s0], s1  }
0x104: {  	s0 =	simm.s32 @!p0 $0x2  }
0x105: {  	_ =	swait.ge @!p0 [sflag:s0], s1  }
0x106: {  	s1 =	ssub.s32 @!p0 $0x0, s1;
	[sflag:s0] =	ssyncset.done @!p0 $0x0  }
0x107: {  	[sflag:s0] =	ssyncadd.s32 @!p0 s1  }
0x108: {  	[bflag:$0x3] =	sbarrier.arrive $0xFFFF  }
0x109: {  	_ =	shalt  }

</sc_bundles>
